<compile_context>
chip_gen: v7x
topology: tpu7x:2x2x1
jax: 0.10.2.dev20260603
libtpu: 0.0.44.dev20260713+nightly
codegen_flags: <defaults>
</compile_context>

<pallas_src>
import functools

import jax
import jax.numpy as jnp
from jax import lax
from jax.experimental import pallas as pl
from jax.experimental.pallas import tpu as pltpu
from jax.experimental.pallas import tpu_sc as plsc

T = 2048
HIDDEN = 1024
N_EXPERTS = 8
TOP_K = 2
D_FF = 512
N_GROUP = 2
PER_GROUP = N_EXPERTS // N_GROUP
RSF = 2.5

P = T * TOP_K
BLOCK = 128
NB = (P // BLOCK) + N_EXPERTS
SPAD = NB * BLOCK
NBPAD = 48

NC = 2
NS = 16
NW = NC * NS
PAIRS_WD = P // NW
GCH = 40
SLOTS_W = SPAD // NW
PAIRS_W2 = P // NW

TB = 512
NTB = T // TB


def _sigmoid(x):
    return 1.0 / (1.0 + jnp.exp(-x))


def _routing_body(x_ref, gw_ref, bias_ref, eidx_ref, w_ref):
    x = x_ref[...]
    gw = gw_ref[...]
    logits = jax.lax.dot_general(
        x, gw, (((1,), (1,)), ((), ())), preferred_element_type=jnp.float32
    )
    scores = _sigmoid(logits)
    sfc = scores + bias_ref[...][None, :]

    def top2sum(cols):
        pairs = []
        for i in range(PER_GROUP):
            for j in range(i + 1, PER_GROUP):
                pairs.append(cols[:, i] + cols[:, j])
        return jnp.max(jnp.stack(pairs, axis=-1), axis=-1)

    gs0 = top2sum(sfc[:, :PER_GROUP])
    gs1 = top2sum(sfc[:, PER_GROUP:])
    sel0 = (gs0 >= gs1).astype(jnp.float32)
    lane = jax.lax.broadcasted_iota(jnp.int32, sfc.shape, 1)
    lanef = lane.astype(jnp.float32)
    in_g0 = (lane < PER_GROUP).astype(jnp.float32)
    selected = sel0[:, None] * in_g0 + (1.0 - sel0[:, None]) * (1.0 - in_g0)
    masked = sfc * selected - 1e9 * (1.0 - selected)

    big = float(N_EXPERTS + 1)
    m1 = jnp.max(masked, axis=1)
    idx1 = jnp.min(lanef + big * (masked != m1[:, None]).astype(jnp.float32), axis=1)
    one1 = (lanef == idx1[:, None]).astype(jnp.float32)
    masked2 = masked - 2e9 * one1
    m2 = jnp.max(masked2, axis=1)
    idx2 = jnp.min(lanef + big * (masked2 != m2[:, None]).astype(jnp.float32), axis=1)
    one2 = (lanef == idx2[:, None]).astype(jnp.float32)

    w1 = jnp.sum(scores * one1, axis=1)
    w2 = jnp.sum(scores * one2, axis=1)
    denom = w1 + w2 + 1e-20
    w1 = w1 / denom * RSF
    w2 = w2 / denom * RSF

    eidx_ref[...] = jnp.concatenate(
        [idx1[:, None].astype(jnp.int32), idx2[:, None].astype(jnp.int32)], axis=1
    )
    w_ref[...] = jnp.concatenate([w1[:, None], w2[:, None]], axis=1)


def _routing(x, gate_weight, bias):
    return pl.pallas_call(
        _routing_body,
        grid=(NTB,),
        in_specs=[
            pl.BlockSpec((TB, HIDDEN), lambda t: (t, 0)),
            pl.BlockSpec((N_EXPERTS, HIDDEN), lambda t: (0, 0)),
            pl.BlockSpec((N_EXPERTS,), lambda t: (0,)),
        ],
        out_specs=[
            pl.BlockSpec((TB, TOP_K), lambda t: (t, 0)),
            pl.BlockSpec((TB, TOP_K), lambda t: (t, 0)),
        ],
        out_shape=[
            jax.ShapeDtypeStruct((T, TOP_K), jnp.int32),
            jax.ShapeDtypeStruct((T, TOP_K), jnp.float32),
        ],
    )(x, gate_weight, bias)


def _sc_dispatch_body(ei_hbm, w_hbm, ptok_hbm, x_hbm, dest_hbm, sw_hbm, blk_hbm,
                      xs_hbm, ev, wv, tokv, destv, stokv, swv, blkv,
                      rows0, rows1, sem0, sem1):
    cid = lax.axis_index("c")
    sid = lax.axis_index("s")
    wid = sid * NC + cid
    iot = lax.iota(jnp.int32, 16)
    pair_base = wid * PAIRS_WD
    slot_base = wid * SLOTS_W

    pltpu.sync_copy(ei_hbm, ev)
    pltpu.sync_copy(w_hbm, wv)
    pltpu.sync_copy(ptok_hbm, tokv)

    for c in range(PAIRS_WD // 16):
        destv[pl.ds(c * 16, 16)] = jnp.zeros((16,), jnp.int32)
    for c in range(SLOTS_W // 16):
        stokv[pl.ds(c * 16, 16)] = jnp.zeros((16,), jnp.int32)
        swv[pl.ds(c * 16, 16)] = jnp.zeros((16,), jnp.float32)

    def hstep(i, hist):
        v = ev[pl.ds(i * 16, 16)]
        for e in range(N_EXPERTS):
            cnt = jnp.sum(jnp.where(v == e, 1, 0))
            hist = hist + jnp.where(iot == e, cnt, 0)
        return hist
    hist = lax.fori_loop(0, P // 16, hstep, jnp.zeros((16,), jnp.int32))

    acnt = ((hist + (BLOCK - 1)) // BLOCK) * BLOCK
    aoff = plsc.cumsum(acnt) - acnt

    def dstep(i, running):
        v = ev[pl.ds(i * 16, 16)]
        w = wv[pl.ds(i * 16, 16)]
        tk = tokv[pl.ds(i * 16, 16)]
        dest = jnp.zeros((16,), jnp.int32)
        for e in range(N_EXPERTS):
            m = v == e
            mi = jnp.where(m, 1, 0)
            ranks = plsc.cumsum(mi) - 1
            cnt_e = jnp.sum(mi)
            base_e = jnp.sum(jnp.where(iot == e, running, 0))
            dest = jnp.where(m, base_e + ranks, dest)
            running = running + jnp.where(iot == e, cnt_e, 0)
        pglob = i * 16 + iot
        ploc = pglob - pair_base
        pmask = (pglob >= pair_base) & (pglob < pair_base + PAIRS_WD)
        plsc.store_scatter(destv, [ploc], dest, mask=pmask)
        sloc = dest - slot_base
        smask = (dest >= slot_base) & (dest < slot_base + SLOTS_W)
        plsc.store_scatter(stokv, [sloc], tk, mask=smask)
        plsc.store_scatter(swv, [sloc], w, mask=smask)
        return running
    lax.fori_loop(0, P // 16, dstep, aoff)

    pltpu.sync_copy(destv, dest_hbm.at[pl.ds(pair_base, PAIRS_WD)])
    pltpu.sync_copy(swv, sw_hbm.at[pl.ds(slot_base, SLOTS_W)])

    nch = SLOTS_W // GCH
    bufs = (rows0, rows1)
    sems = (sem0, sem1)
    cps = []
    cps.append(pltpu.async_copy(x_hbm.at[stokv.at[pl.ds(0, GCH)]], rows0, sem0))
    for c in range(nch):
        if c + 1 < nch:
            cps.append(pltpu.async_copy(
                x_hbm.at[stokv.at[pl.ds((c + 1) * GCH, GCH)]],
                bufs[(c + 1) % 2], sems[(c + 1) % 2]))
        cps[c].wait()
        pltpu.sync_copy(bufs[c % 2], xs_hbm.at[pl.ds(slot_base + c * GCH, GCH)])

    @pl.when(wid == 0)
    def _():
        for c in range(NBPAD // 16):
            sbv = (iot + c * 16) * BLOCK
            eb = jnp.full((16,), -1, jnp.int32)
            for e in range(N_EXPERTS):
                off_e = jnp.sum(jnp.where(iot == e, aoff, 0))
                eb = eb + jnp.where(off_e <= sbv, 1, 0)
            blkv[pl.ds(c * 16, 16)] = eb
        pltpu.sync_copy(blkv, blk_hbm)


def _sc_dispatch(ef, wf, x):
    mesh = plsc.VectorSubcoreMesh(core_axis_name="c", subcore_axis_name="s")
    call = pl.kernel(
        _sc_dispatch_body,
        mesh=mesh,
        compiler_params=pltpu.CompilerParams(needs_layout_passes=False),
        out_type=(
            jax.ShapeDtypeStruct((P,), jnp.int32),
            jax.ShapeDtypeStruct((SPAD,), jnp.float32),
            jax.ShapeDtypeStruct((NBPAD,), jnp.int32),
            jax.ShapeDtypeStruct((SPAD, HIDDEN), jnp.float32),
        ),
        scratch_types=[
            pltpu.VMEM((P,), jnp.int32),
            pltpu.VMEM((P,), jnp.float32),
            pltpu.VMEM((P,), jnp.int32),
            pltpu.VMEM((PAIRS_WD,), jnp.int32),
            pltpu.VMEM((SLOTS_W,), jnp.int32),
            pltpu.VMEM((SLOTS_W,), jnp.float32),
            pltpu.VMEM((NBPAD,), jnp.int32),
            pltpu.VMEM((GCH, HIDDEN), jnp.float32),
            pltpu.VMEM((GCH, HIDDEN), jnp.float32),
            pltpu.SemaphoreType.DMA,
            pltpu.SemaphoreType.DMA,
        ],
    )
    ptok = jnp.arange(P, dtype=jnp.int32) // TOP_K
    return call(ef, wf, ptok, x)


def _sc_combgather_body(dest_hbm, r_hbm, rp_hbm, destv, rows0, rows1, sem0, sem1):
    cid = lax.axis_index("c")
    sid = lax.axis_index("s")
    wid = sid * NC + cid
    base = wid * PAIRS_W2
    nch = destv.shape[0]
    ch = destv.shape[1]
    for c in range(nch):
        pltpu.sync_copy(dest_hbm.at[pl.ds(base + c * ch, ch)], destv.at[c])
    bufs = (rows0, rows1)
    sems = (sem0, sem1)
    cps = [pltpu.async_copy(r_hbm.at[destv.at[0]], rows0, sem0)]
    for c in range(nch):
        if c + 1 < nch:
            cps.append(pltpu.async_copy(
                r_hbm.at[destv.at[c + 1]], bufs[(c + 1) % 2], sems[(c + 1) % 2]))
        cps[c].wait()
        pltpu.sync_copy(bufs[c % 2], rp_hbm.at[pl.ds(base + c * ch, ch)])


def _sc_combgather(dest, rslots):
    mesh = plsc.VectorSubcoreMesh(core_axis_name="c", subcore_axis_name="s")
    call = pl.kernel(
        _sc_combgather_body,
        mesh=mesh,
        compiler_params=pltpu.CompilerParams(needs_layout_passes=False),
        out_type=jax.ShapeDtypeStruct((P, HIDDEN), jnp.float32),
        scratch_types=[
            pltpu.VMEM((4, PAIRS_W2 // 4), jnp.int32),
            pltpu.VMEM((PAIRS_W2 // 4, HIDDEN), jnp.float32),
            pltpu.VMEM((PAIRS_W2 // 4, HIDDEN), jnp.float32),
            pltpu.SemaphoreType.DMA,
            pltpu.SemaphoreType.DMA,
        ],
    )
    return call(dest, rslots)


def _ggemm_body(be_ref, xs_ref, wgu_ref, wdn_ref, sw_ref, out_ref):
    xb = xs_ref[...]
    gu = jax.lax.dot_general(
        xb, wgu_ref[0], (((1,), (0,)), ((), ())), preferred_element_type=jnp.float32
    )
    g = gu[:, :D_FF]
    u = gu[:, D_FF:]
    h = g * _sigmoid(g) * u
    eo = jax.lax.dot_general(
        h, wdn_ref[0], (((1,), (0,)), ((), ())), preferred_element_type=jnp.float32
    )
    out_ref[...] = eo * sw_ref[...]


def _ggemm(blk, xs, w_gate_up, w_down, sw2):
    grid_spec = pltpu.PrefetchScalarGridSpec(
        num_scalar_prefetch=1,
        grid=(NB,),
        in_specs=[
            pl.BlockSpec((BLOCK, HIDDEN), lambda b, be: (b, 0)),
            pl.BlockSpec((1, HIDDEN, 2 * D_FF), lambda b, be: (be[b], 0, 0)),
            pl.BlockSpec((1, D_FF, HIDDEN), lambda b, be: (be[b], 0, 0)),
            pl.BlockSpec((BLOCK, 1), lambda b, be: (b, 0)),
        ],
        out_specs=pl.BlockSpec((BLOCK, HIDDEN), lambda b, be: (b, 0)),
    )
    return pl.pallas_call(
        _ggemm_body,
        grid_spec=grid_spec,
        out_shape=jax.ShapeDtypeStruct((SPAD, HIDDEN), jnp.float32),
    )(blk, xs, w_gate_up, w_down, sw2)


def _shared_body(x_ref, sgu_ref, sdn_ref, out_ref):
    x = x_ref[...]
    gu = jax.lax.dot_general(
        x, sgu_ref[...], (((1,), (0,)), ((), ())), preferred_element_type=jnp.float32
    )
    half = gu.shape[1] // 2
    g = gu[:, :half]
    u = gu[:, half:]
    h = g * _sigmoid(g) * u
    out_ref[...] = jax.lax.dot_general(
        h, sdn_ref[...], (((1,), (0,)), ((), ())), preferred_element_type=jnp.float32
    )


def _shared(x, shared_gate_up, shared_down):
    return pl.pallas_call(
        _shared_body,
        grid=(NTB,),
        in_specs=[
            pl.BlockSpec((TB, HIDDEN), lambda t: (t, 0)),
            pl.BlockSpec(shared_gate_up.shape, lambda t: (0, 0)),
            pl.BlockSpec(shared_down.shape, lambda t: (0, 0)),
        ],
        out_specs=pl.BlockSpec((TB, HIDDEN), lambda t: (t, 0)),
        out_shape=jax.ShapeDtypeStruct((T, HIDDEN), jnp.float32),
    )(x, shared_gate_up, shared_down)


def _combine_body(rp_ref, s_ref, out_ref):
    rp = rp_ref[...]
    out_ref[...] = rp[:, :HIDDEN] + rp[:, HIDDEN:] + s_ref[...]


def _combine(rp2, s):
    return pl.pallas_call(
        _combine_body,
        grid=(NTB,),
        in_specs=[
            pl.BlockSpec((TB, 2 * HIDDEN), lambda t: (t, 0)),
            pl.BlockSpec((TB, HIDDEN), lambda t: (t, 0)),
        ],
        out_specs=pl.BlockSpec((TB, HIDDEN), lambda t: (t, 0)),
        out_shape=jax.ShapeDtypeStruct((T, HIDDEN), jnp.float32),
    )(rp2, s)


def kernel(hidden_states, gate_weight, e_score_correction_bias, w_gate_up, w_down,
           shared_gate_up, shared_down):
    x = hidden_states
    eidx2, w2 = _routing(x, gate_weight, e_score_correction_bias)
    ef = eidx2.reshape(P)
    wf = w2.reshape(P)
    dest, sw, blk, xs = _sc_dispatch(ef, wf, x)
    rslots = _ggemm(blk, xs, w_gate_up, w_down, sw.reshape(SPAD, 1))
    s = _shared(x, shared_gate_up, shared_down)
    rp = _sc_combgather(dest, rslots)
    return _combine(rp.reshape(T, TOP_K * HIDDEN), s)

# --- scband reference (transcript-rebuilt; emitter-appended) ---
"""Pipeline reference for scband-deepseek-mo-e-56014963474753 (READ-ONLY COPY).

The authoritative reference and input builder live on the scoring server;
editing this copy changes nothing except your own understanding.
"""

import jax, jax.numpy as jnp
import numpy as np

T = 2048
HIDDEN = 1024
N_EXPERTS = 8
TOP_K = 2
D_FF = 512
N_SHARED = 2
N_GROUP = 2
TOPK_GROUP = 1
RSF = 2.5


def _silu(x):
    return x * jax.nn.sigmoid(x)


def setup_inputs(seed: int = 0) -> dict:
    key = jax.random.key(seed)
    ks = jax.random.split(key, 8)
    hidden_states = jax.random.normal(ks[0], (T, HIDDEN), dtype=jnp.float32)
    gate_weight = jax.random.normal(ks[1], (N_EXPERTS, HIDDEN), dtype=jnp.float32) * 0.02
    e_score_correction_bias = jax.random.normal(ks[2], (N_EXPERTS,), dtype=jnp.float32) * 0.01
    w_gate_up = jax.random.normal(ks[3], (N_EXPERTS, HIDDEN, 2 * D_FF), dtype=jnp.float32) * 0.02
    w_down = jax.random.normal(ks[4], (N_EXPERTS, D_FF, HIDDEN), dtype=jnp.float32) * 0.02
    shared_gate_up = jax.random.normal(ks[5], (HIDDEN, 2 * D_FF * N_SHARED), dtype=jnp.float32) * 0.02
    shared_down = jax.random.normal(ks[6], (D_FF * N_SHARED, HIDDEN), dtype=jnp.float32) * 0.02
    return {
        'hidden_states': hidden_states,
        'gate_weight': gate_weight,
        'e_score_correction_bias': e_score_correction_bias,
        'w_gate_up': w_gate_up,
        'w_down': w_down,
        'shared_gate_up': shared_gate_up,
        'shared_down': shared_down,
    }


def reference(hidden_states, gate_weight, e_score_correction_bias, w_gate_up, w_down, shared_gate_up, shared_down):
    x = hidden_states
    n_tok = x.shape[0]
    # MoEGate: router logits (fp32)
    router_logits = x @ gate_weight.T
    # noaux_tc grouped top-k routing (DeepSeek V3 style)
    scores = jax.nn.sigmoid(router_logits.astype(jnp.float32))
    scores_for_choice = scores + e_score_correction_bias[None, :]
    per_group = N_EXPERTS // N_GROUP
    grp = scores_for_choice.reshape(n_tok, N_GROUP, per_group)
    group_scores = jnp.sum(jax.lax.top_k(grp, 2)[0], axis=-1)  # [T, n_group]
    _, group_idx = jax.lax.top_k(group_scores, TOPK_GROUP)
    group_mask = jnp.sum(jax.nn.one_hot(group_idx, N_GROUP, dtype=scores.dtype), axis=1)
    score_mask = jnp.repeat(group_mask, per_group, axis=1)  # [T, E]
    masked_scores = jnp.where(score_mask > 0, scores_for_choice, -1e9)
    _, topk_idx = jax.lax.top_k(masked_scores, TOP_K)
    topk_weights = jnp.take_along_axis(scores, topk_idx, axis=1)
    # renormalize (norm_topk_prob=True) + routed scaling factor
    topk_weights = topk_weights / (jnp.sum(topk_weights, axis=-1, keepdims=True) + 1e-20)
    topk_weights = topk_weights * RSF
    # dense combine weights [T, E] via scatter-add
    combine = jnp.zeros((n_tok, N_EXPERTS), x.dtype).at[jnp.arange(n_tok)[:, None], topk_idx].add(topk_weights.astype(x.dtype))
    # routed experts (SiluAndMul MLP per expert), dense dispatch-free formulation
    gu = jnp.einsum('td,edf->tef', x, w_gate_up)  # [T, E, 2*D_FF]
    gate, up = jnp.split(gu, 2, axis=-1)
    h = _silu(gate) * up  # [T, E, D_FF]
    expert_out = jnp.einsum('tef,efd->ted', h, w_down)  # [T, E, HIDDEN]
    routed_out = jnp.einsum('te,ted->td', combine, expert_out)
    # shared experts (ReplicatedDeepseekMLP, intermediate = moe_intermediate * n_shared)
    sgu = x @ shared_gate_up
    sg, su = jnp.split(sgu, 2, axis=-1)
    shared_out = (_silu(sg) * su) @ shared_down
    return routed_out + shared_out

if __name__ == "__main__":
    import jax
    _d = setup_inputs()
    print(jax.jit(kernel)(*tuple(_d.values())))

</pallas_src>

<mosaic_0001>
#map = affine_map<(d0, d1) -> (0)>
#map1 = affine_map<(d0, d1) -> (0, 0)>
module attributes {stable_mosaic.version = 14 : i64} {
  func.func @_sc_dispatch_body(%arg0: i32, %arg1: i32, %arg2: memref<4096xi32, #tpu.memory_space<hbm>>, %arg3: memref<4096xf32, #tpu.memory_space<hbm>>, %arg4: memref<4096xi32, #tpu.memory_space<hbm>>, %arg5: memref<2048x1024xf32, #tpu.memory_space<hbm>>, %arg6: memref<4096xi32, #tpu.memory_space<hbm>>, %arg7: memref<5120xf32, #tpu.memory_space<hbm>>, %arg8: memref<48xi32, #tpu.memory_space<hbm>>, %arg9: memref<5120x1024xf32, #tpu.memory_space<hbm>>, %arg10: memref<4096xi32, #tpu.memory_space<vmem>>, %arg11: memref<4096xf32, #tpu.memory_space<vmem>>, %arg12: memref<4096xi32, #tpu.memory_space<vmem>>, %arg13: memref<128xi32, #tpu.memory_space<vmem>>, %arg14: memref<160xi32, #tpu.memory_space<vmem>>, %arg15: memref<160xf32, #tpu.memory_space<vmem>>, %arg16: memref<48xi32, #tpu.memory_space<vmem>>, %arg17: memref<40x1024xf32, #tpu.memory_space<vmem>>, %arg18: memref<40x1024xf32, #tpu.memory_space<vmem>>, %arg19: memref<!tpu.dma_semaphore, #tpu.memory_space<semaphore_mem>>, %arg20: memref<!tpu.dma_semaphore, #tpu.memory_space<semaphore_mem>>) attributes {dimension_semantics = [#tpu.dimension_semantics<core_parallel>, #tpu.dimension_semantics<subcore_parallel>], iteration_bounds = array<i64: 2, 16>, scalar_prefetch = 0 : i64, scratch_operands = 11 : i64, tpu.core_type = #tpu.core_type<sc_vector_subcore>, window_params = [{transform_indices = #map}, {transform_indices = #map}, {transform_indices = #map}, {transform_indices = #map1}, {transform_indices = #map}, {transform_indices = #map}, {transform_indices = #map}, {transform_indices = #map1}]} {
    %mul3A = arith.constant 2 : i32
    %mul3A_0 = arith.muli %arg1, %mul3A : i32
    %add3A = arith.addi %mul3A_0, %arg0 : i32
    %iota3A = tpu.iota {dimensions = array<i32: 0>} : vector<16xi32>
    %mul3A_1 = arith.constant 128 : i32
    %mul3A_2 = arith.muli %add3A, %mul3A_1 : i32
    %mul3A_3 = arith.constant 160 : i32
    %mul3A_4 = arith.muli %add3A, %mul3A_3 : i32
    "tpu.region"() ({
      %run_scoped3A = tpu.sem_alloc : memref<!tpu.dma_semaphore, #tpu.memory_space<semaphore_mem>>
      tpu.enqueue_dma source(%arg2 : memref<4096xi32, #tpu.memory_space<hbm>>) target(%arg10 : memref<4096xi32, #tpu.memory_space<vmem>>) target_semaphore(%run_scoped3A : memref<!tpu.dma_semaphore, #tpu.memory_space<semaphore_mem>>)
      tpu.wait_dma2 semaphore(%run_scoped3A : memref<!tpu.dma_semaphore, #tpu.memory_space<semaphore_mem>>) src(%arg2 : memref<4096xi32, #tpu.memory_space<hbm>>) dst(%arg10 : memref<4096xi32, #tpu.memory_space<vmem>>)
      tpu.yield
    }) : () -> ()
    "tpu.region"() ({
      %run_scoped3A = tpu.sem_alloc : memref<!tpu.dma_semaphore, #tpu.memory_space<semaphore_mem>>
      tpu.enqueue_dma source(%arg3 : memref<4096xf32, #tpu.memory_space<hbm>>) target(%arg11 : memref<4096xf32, #tpu.memory_space<vmem>>) target_semaphore(%run_scoped3A : memref<!tpu.dma_semaphore, #tpu.memory_space<semaphore_mem>>)
      tpu.wait_dma2 semaphore(%run_scoped3A : memref<!tpu.dma_semaphore, #tpu.memory_space<semaphore_mem>>) src(%arg3 : memref<4096xf32, #tpu.memory_space<hbm>>) dst(%arg11 : memref<4096xf32, #tpu.memory_space<vmem>>)
      tpu.yield
    }) : () -> ()
    "tpu.region"() ({
      %run_scoped3A = tpu.sem_alloc : memref<!tpu.dma_semaphore, #tpu.memory_space<semaphore_mem>>
      tpu.enqueue_dma source(%arg4 : memref<4096xi32, #tpu.memory_space<hbm>>) target(%arg12 : memref<4096xi32, #tpu.memory_space<vmem>>) target_semaphore(%run_scoped3A : memref<!tpu.dma_semaphore, #tpu.memory_space<semaphore_mem>>)
      tpu.wait_dma2 semaphore(%run_scoped3A : memref<!tpu.dma_semaphore, #tpu.memory_space<semaphore_mem>>) src(%arg4 : memref<4096xi32, #tpu.memory_space<hbm>>) dst(%arg12 : memref<4096xi32, #tpu.memory_space<vmem>>)
      tpu.yield
    }) : () -> ()
    %broadcast_in_dim3A = arith.constant 0 : i32
    %broadcast_in_dim3A_5 = vector.broadcast %broadcast_in_dim3A : i32 to vector<16xi32>
    %swap3A = arith.constant 0 : index
    %swap3A_6 = tpu.vector_load %arg13[%swap3A] {strides = array<i32>} : memref<128xi32, #tpu.memory_space<vmem>>, vector<16xi32>,
    tpu.vector_store %arg13[%swap3A], %broadcast_in_dim3A_5 {strides = array<i32>} : memref<128xi32, #tpu.memory_space<vmem>>, vector<16xi32>,
    %broadcast_in_dim3A_7 = arith.constant 0 : i32
    %broadcast_in_dim3A_8 = vector.broadcast %broadcast_in_dim3A_7 : i32 to vector<16xi32>
    %swap3A_9 = arith.constant 16 : index
    %swap3A_10 = tpu.vector_load %arg13[%swap3A_9] {strides = array<i32>} : memref<128xi32, #tpu.memory_space<vmem>>, vector<16xi32>,
    tpu.vector_store %arg13[%swap3A_9], %broadcast_in_dim3A_8 {strides = array<i32>} : memref<128xi32, #tpu.memory_space<vmem>>, vector<16xi32>,
    %broadcast_in_dim3A_11 = arith.constant 0 : i32
    %broadcast_in_dim3A_12 = vector.broadcast %broadcast_in_dim3A_11 : i32 to vector<16xi32>
    %swap3A_13 = arith.constant 32 : index
    %swap3A_14 = tpu.vector_load %arg13[%swap3A_13] {strides = array<i32>} : memref<128xi32, #tpu.memory_space<vmem>>, vector<16xi32>,
    tpu.vector_store %arg13[%swap3A_13], %broadcast_in_dim3A_12 {strides = array<i32>} : memref<128xi32, #tpu.memory_space<vmem>>, vector<16xi32>,
    %broadcast_in_dim3A_15 = arith.constant 0 : i32
    %broadcast_in_dim3A_16 = vector.broadcast %broadcast_in_dim3A_15 : i32 to vector<16xi32>
    %swap3A_17 = arith.constant 48 : index
    %swap3A_18 = tpu.vector_load %arg13[%swap3A_17] {strides = array<i32>} : memref<128xi32, #tpu.memory_space<vmem>>, vector<16xi32>,
    tpu.vector_store %arg13[%swap3A_17], %broadcast_in_dim3A_16 {strides = array<i32>} : memref<128xi32, #tpu.memory_space<vmem>>, vector<16xi32>,
    %broadcast_in_dim3A_19 = arith.constant 0 : i32
    %broadcast_in_dim3A_20 = vector.broadcast %broadcast_in_dim3A_19 : i32 to vector<16xi32>
    %swap3A_21 = arith.constant 64 : index
    %swap3A_22 = tpu.vector_load %arg13[%swap3A_21] {strides = array<i32>} : memref<128xi32, #tpu.memory_space<vmem>>, vector<16xi32>,
    tpu.vector_store %arg13[%swap3A_21], %broadcast_in_dim3A_20 {strides = array<i32>} : memref<128xi32, #tpu.memory_space<vmem>>, vector<16xi32>,
    %broadcast_in_dim3A_23 = arith.constant 0 : i32
    %broadcast_in_dim3A_24 = vector.broadcast %broadcast_in_dim3A_23 : i32 to vector<16xi32>
    %swap3A_25 = arith.constant 80 : index
    %swap3A_26 = tpu.vector_load %arg13[%swap3A_25] {strides = array<i32>} : memref<128xi32, #tpu.memory_space<vmem>>, vector<16xi32>,
    tpu.vector_store %arg13[%swap3A_25], %broadcast_in_dim3A_24 {strides = array<i32>} : memref<128xi32, #tpu.memory_space<vmem>>, vector<16xi32>,
    %broadcast_in_dim3A_27 = arith.constant 0 : i32
    %broadcast_in_dim3A_28 = vector.broadcast %broadcast_in_dim3A_27 : i32 to vector<16xi32>
    %swap3A_29 = arith.constant 96 : index
    %swap3A_30 = tpu.vector_load %arg13[%swap3A_29] {strides = array<i32>} : memref<128xi32, #tpu.memory_space<vmem>>, vector<16xi32>,
    tpu.vector_store %arg13[%swap3A_29], %broadcast_in_dim3A_28 {strides = array<i32>} : memref<128xi32, #tpu.memory_space<vmem>>, vector<16xi32>,
    %broadcast_in_dim3A_31 = arith.constant 0 : i32
    %broadcast_in_dim3A_32 = vector.broadcast %broadcast_in_dim3A_31 : i32 to vector<16xi32>
    %swap3A_33 = arith.constant 112 : index
    %swap3A_34 = tpu.vector_load %arg13[%swap3A_33] {strides = array<i32>} : memref<128xi32, #tpu.memory_space<vmem>>, vector<16xi32>,
    tpu.vector_store %arg13[%swap3A_33], %broadcast_in_dim3A_32 {strides = array<i32>} : memref<128xi32, #tpu.memory_space<vmem>>, vector<16xi32>,
    %broadcast_in_dim3A_35 = arith.constant 0 : i32
    %broadcast_in_dim3A_36 = vector.broadcast %broadcast_in_dim3A_35 : i32 to vector<16xi32>
    %swap3A_37 = arith.constant 0 : index
    %swap3A_38 = tpu.vector_load %arg14[%swap3A_37] {strides = array<i32>} : memref<160xi32, #tpu.memory_space<vmem>>, vector<16xi32>,
    tpu.vector_store %arg14[%swap3A_37], %broadcast_in_dim3A_36 {strides = array<i32>} : memref<160xi32, #tpu.memory_space<vmem>>, vector<16xi32>,
    %broadcast_in_dim3A_39 = arith.constant 0.000000e+00 : f32
    %broadcast_in_dim3A_40 = vector.broadcast %broadcast_in_dim3A_39 : f32 to vector<16xf32>
    %swap3A_41 = arith.constant 0 : index
    %swap3A_42 = tpu.vector_load %arg15[%swap3A_41] {strides = array<i32>} : memref<160xf32, #tpu.memory_space<vmem>>, vector<16xf32>,
    tpu.vector_store %arg15[%swap3A_41], %broadcast_in_dim3A_40 {strides = array<i32>} : memref<160xf32, #tpu.memory_space<vmem>>, vector<16xf32>,
    %broadcast_in_dim3A_43 = arith.constant 0 : i32
    %broadcast_in_dim3A_44 = vector.broadcast %broadcast_in_dim3A_43 : i32 to vector<16xi32>
    %swap3A_45 = arith.constant 16 : index
    %swap3A_46 = tpu.vector_load %arg14[%swap3A_45] {strides = array<i32>} : memref<160xi32, #tpu.memory_space<vmem>>, vector<16xi32>,
    tpu.vector_store %arg14[%swap3A_45], %broadcast_in_dim3A_44 {strides = array<i32>} : memref<160xi32, #tpu.memory_space<vmem>>, vector<16xi32>,
    %broadcast_in_dim3A_47 = arith.constant 0.000000e+00 : f32
    %broadcast_in_dim3A_48 = vector.broadcast %broadcast_in_dim3A_47 : f32 to vector<16xf32>
    %swap3A_49 = arith.constant 16 : index
    %swap3A_50 = tpu.vector_load %arg15[%swap3A_49] {strides = array<i32>} : memref<160xf32, #tpu.memory_space<vmem>>, vector<16xf32>,
    tpu.vector_store %arg15[%swap3A_49], %broadcast_in_dim3A_48 {strides = array<i32>} : memref<160xf32, #tpu.memory_space<vmem>>, vector<16xf32>,
    %broadcast_in_dim3A_51 = arith.constant 0 : i32
    %broadcast_in_dim3A_52 = vector.broadcast %broadcast_in_dim3A_51 : i32 to vector<16xi32>
    %swap3A_53 = arith.constant 32 : index
    %swap3A_54 = tpu.vector_load %arg14[%swap3A_53] {strides = array<i32>} : memref<160xi32, #tpu.memory_space<vmem>>, vector<16xi32>,
    tpu.vector_store %arg14[%swap3A_53], %broadcast_in_dim3A_52 {strides = array<i32>} : memref<160xi32, #tpu.memory_space<vmem>>, vector<16xi32>,
    %broadcast_in_dim3A_55 = arith.constant 0.000000e+00 : f32
    %broadcast_in_dim3A_56 = vector.broadcast %broadcast_in_dim3A_55 : f32 to vector<16xf32>
    %swap3A_57 = arith.constant 32 : index
    %swap3A_58 = tpu.vector_load %arg15[%swap3A_57] {strides = array<i32>} : memref<160xf32, #tpu.memory_space<vmem>>, vector<16xf32>,
    tpu.vector_store %arg15[%swap3A_57], %broadcast_in_dim3A_56 {strides = array<i32>} : memref<160xf32, #tpu.memory_space<vmem>>, vector<16xf32>,
    %broadcast_in_dim3A_59 = arith.constant 0 : i32
    %broadcast_in_dim3A_60 = vector.broadcast %broadcast_in_dim3A_59 : i32 to vector<16xi32>
    %swap3A_61 = arith.constant 48 : index
    %swap3A_62 = tpu.vector_load %arg14[%swap3A_61] {strides = array<i32>} : memref<160xi32, #tpu.memory_space<vmem>>, vector<16xi32>,
    tpu.vector_store %arg14[%swap3A_61], %broadcast_in_dim3A_60 {strides = array<i32>} : memref<160xi32, #tpu.memory_space<vmem>>, vector<16xi32>,
    %broadcast_in_dim3A_63 = arith.constant 0.000000e+00 : f32
    %broadcast_in_dim3A_64 = vector.broadcast %broadcast_in_dim3A_63 : f32 to vector<16xf32>
    %swap3A_65 = arith.constant 48 : index
    %swap3A_66 = tpu.vector_load %arg15[%swap3A_65] {strides = array<i32>} : memref<160xf32, #tpu.memory_space<vmem>>, vector<16xf32>,
    tpu.vector_store %arg15[%swap3A_65], %broadcast_in_dim3A_64 {strides = array<i32>} : memref<160xf32, #tpu.memory_space<vmem>>, vector<16xf32>,
    %broadcast_in_dim3A_67 = arith.constant 0 : i32
    %broadcast_in_dim3A_68 = vector.broadcast %broadcast_in_dim3A_67 : i32 to vector<16xi32>
    %swap3A_69 = arith.constant 64 : index
    %swap3A_70 = tpu.vector_load %arg14[%swap3A_69] {strides = array<i32>} : memref<160xi32, #tpu.memory_space<vmem>>, vector<16xi32>,
    tpu.vector_store %arg14[%swap3A_69], %broadcast_in_dim3A_68 {strides = array<i32>} : memref<160xi32, #tpu.memory_space<vmem>>, vector<16xi32>,
    %broadcast_in_dim3A_71 = arith.constant 0.000000e+00 : f32
    %broadcast_in_dim3A_72 = vector.broadcast %broadcast_in_dim3A_71 : f32 to vector<16xf32>
    %swap3A_73 = arith.constant 64 : index
    %swap3A_74 = tpu.vector_load %arg15[%swap3A_73] {strides = array<i32>} : memref<160xf32, #tpu.memory_space<vmem>>, vector<16xf32>,
    tpu.vector_store %arg15[%swap3A_73], %broadcast_in_dim3A_72 {strides = array<i32>} : memref<160xf32, #tpu.memory_space<vmem>>, vector<16xf32>,
    %broadcast_in_dim3A_75 = arith.constant 0 : i32
    %broadcast_in_dim3A_76 = vector.broadcast %broadcast_in_dim3A_75 : i32 to vector<16xi32>
    %swap3A_77 = arith.constant 80 : index
    %swap3A_78 = tpu.vector_load %arg14[%swap3A_77] {strides = array<i32>} : memref<160xi32, #tpu.memory_space<vmem>>, vector<16xi32>,
    tpu.vector_store %arg14[%swap3A_77], %broadcast_in_dim3A_76 {strides = array<i32>} : memref<160xi32, #tpu.memory_space<vmem>>, vector<16xi32>,
    %broadcast_in_dim3A_79 = arith.constant 0.000000e+00 : f32
    %broadcast_in_dim3A_80 = vector.broadcast %broadcast_in_dim3A_79 : f32 to vector<16xf32>
    %swap3A_81 = arith.constant 80 : index
    %swap3A_82 = tpu.vector_load %arg15[%swap3A_81] {strides = array<i32>} : memref<160xf32, #tpu.memory_space<vmem>>, vector<16xf32>,
    tpu.vector_store %arg15[%swap3A_81], %broadcast_in_dim3A_80 {strides = array<i32>} : memref<160xf32, #tpu.memory_space<vmem>>, vector<16xf32>,
    %broadcast_in_dim3A_83 = arith.constant 0 : i32
    %broadcast_in_dim3A_84 = vector.broadcast %broadcast_in_dim3A_83 : i32 to vector<16xi32>
    %swap3A_85 = arith.constant 96 : index
    %swap3A_86 = tpu.vector_load %arg14[%swap3A_85] {strides = array<i32>} : memref<160xi32, #tpu.memory_space<vmem>>, vector<16xi32>,
    tpu.vector_store %arg14[%swap3A_85], %broadcast_in_dim3A_84 {strides = array<i32>} : memref<160xi32, #tpu.memory_space<vmem>>, vector<16xi32>,
    %broadcast_in_dim3A_87 = arith.constant 0.000000e+00 : f32
    %broadcast_in_dim3A_88 = vector.broadcast %broadcast_in_dim3A_87 : f32 to vector<16xf32>
    %swap3A_89 = arith.constant 96 : index
    %swap3A_90 = tpu.vector_load %arg15[%swap3A_89] {strides = array<i32>} : memref<160xf32, #tpu.memory_space<vmem>>, vector<16xf32>,
    tpu.vector_store %arg15[%swap3A_89], %broadcast_in_dim3A_88 {strides = array<i32>} : memref<160xf32, #tpu.memory_space<vmem>>, vector<16xf32>,
    %broadcast_in_dim3A_91 = arith.constant 0 : i32
    %broadcast_in_dim3A_92 = vector.broadcast %broadcast_in_dim3A_91 : i32 to vector<16xi32>
    %swap3A_93 = arith.constant 112 : index
    %swap3A_94 = tpu.vector_load %arg14[%swap3A_93] {strides = array<i32>} : memref<160xi32, #tpu.memory_space<vmem>>, vector<16xi32>,
    tpu.vector_store %arg14[%swap3A_93], %broadcast_in_dim3A_92 {strides = array<i32>} : memref<160xi32, #tpu.memory_space<vmem>>, vector<16xi32>,
    %broadcast_in_dim3A_95 = arith.constant 0.000000e+00 : f32
    %broadcast_in_dim3A_96 = vector.broadcast %broadcast_in_dim3A_95 : f32 to vector<16xf32>
    %swap3A_97 = arith.constant 112 : index
    %swap3A_98 = tpu.vector_load %arg15[%swap3A_97] {strides = array<i32>} : memref<160xf32, #tpu.memory_space<vmem>>, vector<16xf32>,
    tpu.vector_store %arg15[%swap3A_97], %broadcast_in_dim3A_96 {strides = array<i32>} : memref<160xf32, #tpu.memory_space<vmem>>, vector<16xf32>,
    %broadcast_in_dim3A_99 = arith.constant 0 : i32
    %broadcast_in_dim3A_100 = vector.broadcast %broadcast_in_dim3A_99 : i32 to vector<16xi32>
    %swap3A_101 = arith.constant 128 : index
    %swap3A_102 = tpu.vector_load %arg14[%swap3A_101] {strides = array<i32>} : memref<160xi32, #tpu.memory_space<vmem>>, vector<16xi32>,
    tpu.vector_store %arg14[%swap3A_101], %broadcast_in_dim3A_100 {strides = array<i32>} : memref<160xi32, #tpu.memory_space<vmem>>, vector<16xi32>,
    %broadcast_in_dim3A_103 = arith.constant 0.000000e+00 : f32
    %broadcast_in_dim3A_104 = vector.broadcast %broadcast_in_dim3A_103 : f32 to vector<16xf32>
    %swap3A_105 = arith.constant 128 : index
    %swap3A_106 = tpu.vector_load %arg15[%swap3A_105] {strides = array<i32>} : memref<160xf32, #tpu.memory_space<vmem>>, vector<16xf32>,
    tpu.vector_store %arg15[%swap3A_105], %broadcast_in_dim3A_104 {strides = array<i32>} : memref<160xf32, #tpu.memory_space<vmem>>, vector<16xf32>,
    %broadcast_in_dim3A_107 = arith.constant 0 : i32
    %broadcast_in_dim3A_108 = vector.broadcast %broadcast_in_dim3A_107 : i32 to vector<16xi32>
    %swap3A_109 = arith.constant 144 : index
    %swap3A_110 = tpu.vector_load %arg14[%swap3A_109] {strides = array<i32>} : memref<160xi32, #tpu.memory_space<vmem>>, vector<16xi32>,
    tpu.vector_store %arg14[%swap3A_109], %broadcast_in_dim3A_108 {strides = array<i32>} : memref<160xi32, #tpu.memory_space<vmem>>, vector<16xi32>,
    %broadcast_in_dim3A_111 = arith.constant 0.000000e+00 : f32
    %broadcast_in_dim3A_112 = vector.broadcast %broadcast_in_dim3A_111 : f32 to vector<16xf32>
    %swap3A_113 = arith.constant 144 : index
    %swap3A_114 = tpu.vector_load %arg15[%swap3A_113] {strides = array<i32>} : memref<160xf32, #tpu.memory_space<vmem>>, vector<16xf32>,
    tpu.vector_store %arg15[%swap3A_113], %broadcast_in_dim3A_112 {strides = array<i32>} : memref<160xf32, #tpu.memory_space<vmem>>, vector<16xf32>,
    %broadcast_in_dim3A_115 = arith.constant 0 : i32
    %broadcast_in_dim3A_116 = vector.broadcast %broadcast_in_dim3A_115 : i32 to vector<16xi32>
    %scan3A = arith.constant 0 : i32
    %scan3A_117 = arith.constant 256 : i32
    %scan3A_118 = arith.addi %scan3A, %scan3A_117 : i32
    %scan3A_119 = arith.constant 1 : i32
    %scan3A_120 = scf.for %scan3A_208 = %scan3A to %scan3A_118 step %scan3A_119 iter_args(%scan3A_209 = %broadcast_in_dim3A_116) -> (vector<16xi32>)  : i32 {
      %mul3A_210 = arith.constant 16 : i32
      %mul3A_211 = arith.muli %scan3A_208, %mul3A_210 : i32
      %get3A = arith.index_cast %mul3A_211 : i32 to index
      %get3A_212 = tpu.vector_load %arg10[%get3A] {strides = array<i32>} : memref<4096xi32, #tpu.memory_space<vmem>>, vector<16xi32>,
      %eq3A_213 = arith.constant 0 : i32
      %eq3A_214 = vector.broadcast %eq3A_213 : i32 to vector<16xi32>
      %eq3A_215 = arith.cmpi eq, %get3A_212, %eq3A_214 : vector<16xi32>
      %jit3A_216 = arith.constant 1 : i32
      %jit3A_217 = arith.constant 0 : i32
      %broadcast_in_dim3A_218 = vector.broadcast %jit3A_216 : i32 to vector<16xi32>
      %broadcast_in_dim3A_219 = vector.broadcast %jit3A_217 : i32 to vector<16xi32>
      %select_n3A_220 = arith.select %eq3A_215, %broadcast_in_dim3A_218, %broadcast_in_dim3A_219 : vector<16xi1>, vector<16xi32>
      %reduce_sum3A = arith.constant true
      %reduce_sum3A_221 = vector.broadcast %reduce_sum3A : i1 to vector<16xi1>
      %reduce_sum3A_222 = tpu.scan <sum>, %select_n3A_220 masked %reduce_sum3A_221 : vector<16xi32>, vector<16xi1> -> vector<16xi32>
      %reduce_sum3A_223 = vector.extract %reduce_sum3A_222[15] : i32 from vector<16xi32>
      %eq3A_224 = arith.constant 0 : i32
      %eq3A_225 = vector.broadcast %eq3A_224 : i32 to vector<16xi32>
      %eq3A_226 = arith.cmpi eq, %iota3A, %eq3A_225 : vector<16xi32>
      %jit3A_227 = arith.constant 0 : i32
      %broadcast_in_dim3A_228 = vector.broadcast %reduce_sum3A_223 : i32 to vector<16xi32>
      %broadcast_in_dim3A_229 = vector.broadcast %jit3A_227 : i32 to vector<16xi32>
      %select_n3A_230 = arith.select %eq3A_226, %broadcast_in_dim3A_228, %broadcast_in_dim3A_229 : vector<16xi1>, vector<16xi32>
      %add3A_231 = arith.addi %scan3A_209, %select_n3A_230 : vector<16xi32>
      %eq3A_232 = arith.constant 1 : i32
      %eq3A_233 = vector.broadcast %eq3A_232 : i32 to vector<16xi32>
      %eq3A_234 = arith.cmpi eq, %get3A_212, %eq3A_233 : vector<16xi32>
      %jit3A_235 = arith.constant 1 : i32
      %jit3A_236 = arith.constant 0 : i32
      %broadcast_in_dim3A_237 = vector.broadcast %jit3A_235 : i32 to vector<16xi32>
      %broadcast_in_dim3A_238 = vector.broadcast %jit3A_236 : i32 to vector<16xi32>
      %select_n3A_239 = arith.select %eq3A_234, %broadcast_in_dim3A_237, %broadcast_in_dim3A_238 : vector<16xi1>, vector<16xi32>
      %reduce_sum3A_240 = arith.constant true
      %reduce_sum3A_241 = vector.broadcast %reduce_sum3A_240 : i1 to vector<16xi1>
      %reduce_sum3A_242 = tpu.scan <sum>, %select_n3A_239 masked %reduce_sum3A_241 : vector<16xi32>, vector<16xi1> -> vector<16xi32>
      %reduce_sum3A_243 = vector.extract %reduce_sum3A_242[15] : i32 from vector<16xi32>
      %eq3A_244 = arith.constant 1 : i32
      %eq3A_245 = vector.broadcast %eq3A_244 : i32 to vector<16xi32>
      %eq3A_246 = arith.cmpi eq, %iota3A, %eq3A_245 : vector<16xi32>
      %jit3A_247 = arith.constant 0 : i32
      %broadcast_in_dim3A_248 = vector.broadcast %reduce_sum3A_243 : i32 to vector<16xi32>
      %broadcast_in_dim3A_249 = vector.broadcast %jit3A_247 : i32 to vector<16xi32>
      %select_n3A_250 = arith.select %eq3A_246, %broadcast_in_dim3A_248, %broadcast_in_dim3A_249 : vector<16xi1>, vector<16xi32>
      %add3A_251 = arith.addi %add3A_231, %select_n3A_250 : vector<16xi32>
      %eq3A_252 = arith.constant 2 : i32
      %eq3A_253 = vector.broadcast %eq3A_252 : i32 to vector<16xi32>
      %eq3A_254 = arith.cmpi eq, %get3A_212, %eq3A_253 : vector<16xi32>
      %jit3A_255 = arith.constant 1 : i32
      %jit3A_256 = arith.constant 0 : i32
      %broadcast_in_dim3A_257 = vector.broadcast %jit3A_255 : i32 to vector<16xi32>
      %broadcast_in_dim3A_258 = vector.broadcast %jit3A_256 : i32 to vector<16xi32>
      %select_n3A_259 = arith.select %eq3A_254, %broadcast_in_dim3A_257, %broadcast_in_dim3A_258 : vector<16xi1>, vector<16xi32>
      %reduce_sum3A_260 = arith.constant true
      %reduce_sum3A_261 = vector.broadcast %reduce_sum3A_260 : i1 to vector<16xi1>
      %reduce_sum3A_262 = tpu.scan <sum>, %select_n3A_259 masked %reduce_sum3A_261 : vector<16xi32>, vector<16xi1> -> vector<16xi32>
      %reduce_sum3A_263 = vector.extract %reduce_sum3A_262[15] : i32 from vector<16xi32>
      %eq3A_264 = arith.constant 2 : i32
      %eq3A_265 = vector.broadcast %eq3A_264 : i32 to vector<16xi32>
      %eq3A_266 = arith.cmpi eq, %iota3A, %eq3A_265 : vector<16xi32>
      %jit3A_267 = arith.constant 0 : i32
      %broadcast_in_dim3A_268 = vector.broadcast %reduce_sum3A_263 : i32 to vector<16xi32>
      %broadcast_in_dim3A_269 = vector.broadcast %jit3A_267 : i32 to vector<16xi32>
      %select_n3A_270 = arith.select %eq3A_266, %broadcast_in_dim3A_268, %broadcast_in_dim3A_269 : vector<16xi1>, vector<16xi32>
      %add3A_271 = arith.addi %add3A_251, %select_n3A_270 : vector<16xi32>
      %eq3A_272 = arith.constant 3 : i32
      %eq3A_273 = vector.broadcast %eq3A_272 : i32 to vector<16xi32>
      %eq3A_274 = arith.cmpi eq, %get3A_212, %eq3A_273 : vector<16xi32>
      %jit3A_275 = arith.constant 1 : i32
      %jit3A_276 = arith.constant 0 : i32
      %broadcast_in_dim3A_277 = vector.broadcast %jit3A_275 : i32 to vector<16xi32>
      %broadcast_in_dim3A_278 = vector.broadcast %jit3A_276 : i32 to vector<16xi32>
      %select_n3A_279 = arith.select %eq3A_274, %broadcast_in_dim3A_277, %broadcast_in_dim3A_278 : vector<16xi1>, vector<16xi32>
      %reduce_sum3A_280 = arith.constant true
      %reduce_sum3A_281 = vector.broadcast %reduce_sum3A_280 : i1 to vector<16xi1>
      %reduce_sum3A_282 = tpu.scan <sum>, %select_n3A_279 masked %reduce_sum3A_281 : vector<16xi32>, vector<16xi1> -> vector<16xi32>
      %reduce_sum3A_283 = vector.extract %reduce_sum3A_282[15] : i32 from vector<16xi32>
      %eq3A_284 = arith.constant 3 : i32
      %eq3A_285 = vector.broadcast %eq3A_284 : i32 to vector<16xi32>
      %eq3A_286 = arith.cmpi eq, %iota3A, %eq3A_285 : vector<16xi32>
      %jit3A_287 = arith.constant 0 : i32
      %broadcast_in_dim3A_288 = vector.broadcast %reduce_sum3A_283 : i32 to vector<16xi32>
      %broadcast_in_dim3A_289 = vector.broadcast %jit3A_287 : i32 to vector<16xi32>
      %select_n3A_290 = arith.select %eq3A_286, %broadcast_in_dim3A_288, %broadcast_in_dim3A_289 : vector<16xi1>, vector<16xi32>
      %add3A_291 = arith.addi %add3A_271, %select_n3A_290 : vector<16xi32>
      %eq3A_292 = arith.constant 4 : i32
      %eq3A_293 = vector.broadcast %eq3A_292 : i32 to vector<16xi32>
      %eq3A_294 = arith.cmpi eq, %get3A_212, %eq3A_293 : vector<16xi32>
      %jit3A_295 = arith.constant 1 : i32
      %jit3A_296 = arith.constant 0 : i32
      %broadcast_in_dim3A_297 = vector.broadcast %jit3A_295 : i32 to vector<16xi32>
      %broadcast_in_dim3A_298 = vector.broadcast %jit3A_296 : i32 to vector<16xi32>
      %select_n3A_299 = arith.select %eq3A_294, %broadcast_in_dim3A_297, %broadcast_in_dim3A_298 : vector<16xi1>, vector<16xi32>
      %reduce_sum3A_300 = arith.constant true
      %reduce_sum3A_301 = vector.broadcast %reduce_sum3A_300 : i1 to vector<16xi1>
      %reduce_sum3A_302 = tpu.scan <sum>, %select_n3A_299 masked %reduce_sum3A_301 : vector<16xi32>, vector<16xi1> -> vector<16xi32>
      %reduce_sum3A_303 = vector.extract %reduce_sum3A_302[15] : i32 from vector<16xi32>
      %eq3A_304 = arith.constant 4 : i32
      %eq3A_305 = vector.broadcast %eq3A_304 : i32 to vector<16xi32>
      %eq3A_306 = arith.cmpi eq, %iota3A, %eq3A_305 : vector<16xi32>
      %jit3A_307 = arith.constant 0 : i32
      %broadcast_in_dim3A_308 = vector.broadcast %reduce_sum3A_303 : i32 to vector<16xi32>
      %broadcast_in_dim3A_309 = vector.broadcast %jit3A_307 : i32 to vector<16xi32>
      %select_n3A_310 = arith.select %eq3A_306, %broadcast_in_dim3A_308, %broadcast_in_dim3A_309 : vector<16xi1>, vector<16xi32>
      %add3A_311 = arith.addi %add3A_291, %select_n3A_310 : vector<16xi32>
      %eq3A_312 = arith.constant 5 : i32
      %eq3A_313 = vector.broadcast %eq3A_312 : i32 to vector<16xi32>
      %eq3A_314 = arith.cmpi eq, %get3A_212, %eq3A_313 : vector<16xi32>
      %jit3A_315 = arith.constant 1 : i32
      %jit3A_316 = arith.constant 0 : i32
      %broadcast_in_dim3A_317 = vector.broadcast %jit3A_315 : i32 to vector<16xi32>
      %broadcast_in_dim3A_318 = vector.broadcast %jit3A_316 : i32 to vector<16xi32>
      %select_n3A_319 = arith.select %eq3A_314, %broadcast_in_dim3A_317, %broadcast_in_dim3A_318 : vector<16xi1>, vector<16xi32>
      %reduce_sum3A_320 = arith.constant true
      %reduce_sum3A_321 = vector.broadcast %reduce_sum3A_320 : i1 to vector<16xi1>
      %reduce_sum3A_322 = tpu.scan <sum>, %select_n3A_319 masked %reduce_sum3A_321 : vector<16xi32>, vector<16xi1> -> vector<16xi32>
      %reduce_sum3A_323 = vector.extract %reduce_sum3A_322[15] : i32 from vector<16xi32>
      %eq3A_324 = arith.constant 5 : i32
      %eq3A_325 = vector.broadcast %eq3A_324 : i32 to vector<16xi32>
      %eq3A_326 = arith.cmpi eq, %iota3A, %eq3A_325 : vector<16xi32>
      %jit3A_327 = arith.constant 0 : i32
      %broadcast_in_dim3A_328 = vector.broadcast %reduce_sum3A_323 : i32 to vector<16xi32>
      %broadcast_in_dim3A_329 = vector.broadcast %jit3A_327 : i32 to vector<16xi32>
      %select_n3A_330 = arith.select %eq3A_326, %broadcast_in_dim3A_328, %broadcast_in_dim3A_329 : vector<16xi1>, vector<16xi32>
      %add3A_331 = arith.addi %add3A_311, %select_n3A_330 : vector<16xi32>
      %eq3A_332 = arith.constant 6 : i32
      %eq3A_333 = vector.broadcast %eq3A_332 : i32 to vector<16xi32>
      %eq3A_334 = arith.cmpi eq, %get3A_212, %eq3A_333 : vector<16xi32>
      %jit3A_335 = arith.constant 1 : i32
      %jit3A_336 = arith.constant 0 : i32
      %broadcast_in_dim3A_337 = vector.broadcast %jit3A_335 : i32 to vector<16xi32>
      %broadcast_in_dim3A_338 = vector.broadcast %jit3A_336 : i32 to vector<16xi32>
      %select_n3A_339 = arith.select %eq3A_334, %broadcast_in_dim3A_337, %broadcast_in_dim3A_338 : vector<16xi1>, vector<16xi32>
      %reduce_sum3A_340 = arith.constant true
      %reduce_sum3A_341 = vector.broadcast %reduce_sum3A_340 : i1 to vector<16xi1>
      %reduce_sum3A_342 = tpu.scan <sum>, %select_n3A_339 masked %reduce_sum3A_341 : vector<16xi32>, vector<16xi1> -> vector<16xi32>
      %reduce_sum3A_343 = vector.extract %reduce_sum3A_342[15] : i32 from vector<16xi32>
      %eq3A_344 = arith.constant 6 : i32
      %eq3A_345 = vector.broadcast %eq3A_344 : i32 to vector<16xi32>
      %eq3A_346 = arith.cmpi eq, %iota3A, %eq3A_345 : vector<16xi32>
      %jit3A_347 = arith.constant 0 : i32
      %broadcast_in_dim3A_348 = vector.broadcast %reduce_sum3A_343 : i32 to vector<16xi32>
      %broadcast_in_dim3A_349 = vector.broadcast %jit3A_347 : i32 to vector<16xi32>
      %select_n3A_350 = arith.select %eq3A_346, %broadcast_in_dim3A_348, %broadcast_in_dim3A_349 : vector<16xi1>, vector<16xi32>
      %add3A_351 = arith.addi %add3A_331, %select_n3A_350 : vector<16xi32>
      %eq3A_352 = arith.constant 7 : i32
      %eq3A_353 = vector.broadcast %eq3A_352 : i32 to vector<16xi32>
      %eq3A_354 = arith.cmpi eq, %get3A_212, %eq3A_353 : vector<16xi32>
      %jit3A_355 = arith.constant 1 : i32
      %jit3A_356 = arith.constant 0 : i32
      %broadcast_in_dim3A_357 = vector.broadcast %jit3A_355 : i32 to vector<16xi32>
      %broadcast_in_dim3A_358 = vector.broadcast %jit3A_356 : i32 to vector<16xi32>
      %select_n3A_359 = arith.select %eq3A_354, %broadcast_in_dim3A_357, %broadcast_in_dim3A_358 : vector<16xi1>, vector<16xi32>
      %reduce_sum3A_360 = arith.constant true
      %reduce_sum3A_361 = vector.broadcast %reduce_sum3A_360 : i1 to vector<16xi1>
      %reduce_sum3A_362 = tpu.scan <sum>, %select_n3A_359 masked %reduce_sum3A_361 : vector<16xi32>, vector<16xi1> -> vector<16xi32>
      %reduce_sum3A_363 = vector.extract %reduce_sum3A_362[15] : i32 from vector<16xi32>
      %eq3A_364 = arith.constant 7 : i32
      %eq3A_365 = vector.broadcast %eq3A_364 : i32 to vector<16xi32>
      %eq3A_366 = arith.cmpi eq, %iota3A, %eq3A_365 : vector<16xi32>
      %jit3A_367 = arith.constant 0 : i32
      %broadcast_in_dim3A_368 = vector.broadcast %reduce_sum3A_363 : i32 to vector<16xi32>
      %broadcast_in_dim3A_369 = vector.broadcast %jit3A_367 : i32 to vector<16xi32>
      %select_n3A_370 = arith.select %eq3A_366, %broadcast_in_dim3A_368, %broadcast_in_dim3A_369 : vector<16xi1>, vector<16xi32>
      %add3A_371 = arith.addi %add3A_351, %select_n3A_370 : vector<16xi32>
      scf.yield %add3A_371 : vector<16xi32>
    }
    %scan3A_121 = arith.constant 256 : i32
    %add3A_122 = arith.constant 127 : i32
    %add3A_123 = vector.broadcast %add3A_122 : i32 to vector<16xi32>
    %add3A_124 = arith.addi %scan3A_120, %add3A_123 : vector<16xi32>
    %jit3A = arith.constant 128 : i32
    %div3A = vector.broadcast %jit3A : i32 to vector<16xi32>
    %div3A_125 = arith.divsi %add3A_124, %div3A : vector<16xi32>
    %sign3A = arith.constant 0 : i32
    %sign3A_126 = vector.broadcast %sign3A : i32 to vector<16xi32>
    %sign3A_127 = arith.cmpi sgt, %add3A_124, %sign3A_126 : vector<16xi32>
    %sign3A_128 = arith.extui %sign3A_127 : vector<16xi1> to vector<16xi32>
    %sign3A_129 = arith.constant 0 : i32
    %sign3A_130 = vector.broadcast %sign3A_129 : i32 to vector<16xi32>
    %sign3A_131 = arith.cmpi slt, %add3A_124, %sign3A_130 : vector<16xi32>
    %sign3A_132 = arith.extui %sign3A_131 : vector<16xi1> to vector<16xi32>
    %sign3A_133 = arith.subi %sign3A_128, %sign3A_132 : vector<16xi32>
    %sign3A_134 = arith.constant 0 : i32
    %sign3A_135 = arith.cmpi sgt, %jit3A, %sign3A_134 : i32
    %sign3A_136 = arith.extui %sign3A_135 : i1 to i32
    %sign3A_137 = arith.constant 0 : i32
    %sign3A_138 = arith.cmpi slt, %jit3A, %sign3A_137 : i32
    %sign3A_139 = arith.extui %sign3A_138 : i1 to i32
    %sign3A_140 = arith.subi %sign3A_136, %sign3A_139 : i32
    %ne3A = vector.broadcast %sign3A_140 : i32 to vector<16xi32>
    %ne3A_141 = arith.cmpi ne, %sign3A_133, %ne3A : vector<16xi32>
    %rem3A = vector.broadcast %jit3A : i32 to vector<16xi32>
    %rem3A_142 = arith.remsi %add3A_124, %rem3A : vector<16xi32>
    %ne3A_143 = arith.constant 0 : i32
    %ne3A_144 = vector.broadcast %ne3A_143 : i32 to vector<16xi32>
    %ne3A_145 = arith.cmpi ne, %rem3A_142, %ne3A_144 : vector<16xi32>
    %and3A = arith.andi %ne3A_141, %ne3A_145 : vector<16xi1>
    %sub3A = arith.constant 1 : i32
    %sub3A_146 = vector.broadcast %sub3A : i32 to vector<16xi32>
    %sub3A_147 = arith.subi %div3A_125, %sub3A_146 : vector<16xi32>
    %select_n3A = arith.select %and3A, %sub3A_147, %div3A_125 : vector<16xi1>, vector<16xi32>
    %mul3A_148 = arith.constant 128 : i32
    %mul3A_149 = vector.broadcast %mul3A_148 : i32 to vector<16xi32>
    %mul3A_150 = arith.muli %select_n3A, %mul3A_149 : vector<16xi32>
    %broadcast_in_dim3A_151 = arith.constant true
    %broadcast_in_dim3A_152 = vector.broadcast %broadcast_in_dim3A_151 : i1 to vector<16xi1>
    %masked_cumsum3A = tpu.scan <sum>, %mul3A_150 masked %broadcast_in_dim3A_152 : vector<16xi32>, vector<16xi1> -> vector<16xi32>
    %sub3A_153 = arith.subi %masked_cumsum3A, %mul3A_150 : vector<16xi32>
    %scan3A_154 = arith.constant 0 : i32
    %scan3A_155 = arith.constant 256 : i32
    %scan3A_156 = arith.addi %scan3A_154, %scan3A_155 : i32
    %scan3A_157 = arith.constant 1 : i32
    %scan3A_158 = scf.for %scan3A_208 = %scan3A_154 to %scan3A_156 step %scan3A_157 iter_args(%scan3A_209 = %sub3A_153) -> (vector<16xi32>)  : i32 {
      %mul3A_210 = arith.constant 16 : i32
      %mul3A_211 = arith.muli %scan3A_208, %mul3A_210 : i32
      %get3A = arith.index_cast %mul3A_211 : i32 to index
      %get3A_212 = tpu.vector_load %arg10[%get3A] {strides = array<i32>} : memref<4096xi32, #tpu.memory_space<vmem>>, vector<16xi32>,
      %mul3A_213 = arith.constant 16 : i32
      %mul3A_214 = arith.muli %scan3A_208, %mul3A_213 : i32
      %get3A_215 = arith.index_cast %mul3A_214 : i32 to index
      %get3A_216 = tpu.vector_load %arg11[%get3A_215] {strides = array<i32>} : memref<4096xf32, #tpu.memory_space<vmem>>, vector<16xf32>,
      %mul3A_217 = arith.constant 16 : i32
      %mul3A_218 = arith.muli %scan3A_208, %mul3A_217 : i32
      %get3A_219 = arith.index_cast %mul3A_218 : i32 to index
      %get3A_220 = tpu.vector_load %arg12[%get3A_219] {strides = array<i32>} : memref<4096xi32, #tpu.memory_space<vmem>>, vector<16xi32>,
      %broadcast_in_dim3A_221 = arith.constant 0 : i32
      %broadcast_in_dim3A_222 = vector.broadcast %broadcast_in_dim3A_221 : i32 to vector<16xi32>
      %eq3A_223 = arith.constant 0 : i32
      %eq3A_224 = vector.broadcast %eq3A_223 : i32 to vector<16xi32>
      %eq3A_225 = arith.cmpi eq, %get3A_212, %eq3A_224 : vector<16xi32>
      %jit3A_226 = arith.constant 1 : i32
      %jit3A_227 = arith.constant 0 : i32
      %broadcast_in_dim3A_228 = vector.broadcast %jit3A_226 : i32 to vector<16xi32>
      %broadcast_in_dim3A_229 = vector.broadcast %jit3A_227 : i32 to vector<16xi32>
      %select_n3A_230 = arith.select %eq3A_225, %broadcast_in_dim3A_228, %broadcast_in_dim3A_229 : vector<16xi1>, vector<16xi32>
      %broadcast_in_dim3A_231 = arith.constant true
      %broadcast_in_dim3A_232 = vector.broadcast %broadcast_in_dim3A_231 : i1 to vector<16xi1>
      %masked_cumsum3A_233 = tpu.scan <sum>, %select_n3A_230 masked %broadcast_in_dim3A_232 : vector<16xi32>, vector<16xi1> -> vector<16xi32>
      %sub3A_234 = arith.constant 1 : i32
      %sub3A_235 = vector.broadcast %sub3A_234 : i32 to vector<16xi32>
      %sub3A_236 = arith.subi %masked_cumsum3A_233, %sub3A_235 : vector<16xi32>
      %reduce_sum3A = arith.constant true
      %reduce_sum3A_237 = vector.broadcast %reduce_sum3A : i1 to vector<16xi1>
      %reduce_sum3A_238 = tpu.scan <sum>, %select_n3A_230 masked %reduce_sum3A_237 : vector<16xi32>, vector<16xi1> -> vector<16xi32>
      %reduce_sum3A_239 = vector.extract %reduce_sum3A_238[15] : i32 from vector<16xi32>
      %eq3A_240 = arith.constant 0 : i32
      %eq3A_241 = vector.broadcast %eq3A_240 : i32 to vector<16xi32>
      %eq3A_242 = arith.cmpi eq, %iota3A, %eq3A_241 : vector<16xi32>
      %jit3A_243 = arith.constant 0 : i32
      %broadcast_in_dim3A_244 = vector.broadcast %jit3A_243 : i32 to vector<16xi32>
      %select_n3A_245 = arith.select %eq3A_242, %scan3A_209, %broadcast_in_dim3A_244 : vector<16xi1>, vector<16xi32>
      %reduce_sum3A_246 = arith.constant true
      %reduce_sum3A_247 = vector.broadcast %reduce_sum3A_246 : i1 to vector<16xi1>
      %reduce_sum3A_248 = tpu.scan <sum>, %select_n3A_245 masked %reduce_sum3A_247 : vector<16xi32>, vector<16xi1> -> vector<16xi32>
      %reduce_sum3A_249 = vector.extract %reduce_sum3A_248[15] : i32 from vector<16xi32>
      %add3A_250 = vector.broadcast %reduce_sum3A_249 : i32 to vector<16xi32>
      %add3A_251 = arith.addi %add3A_250, %sub3A_236 : vector<16xi32>
      %select_n3A_252 = arith.select %eq3A_225, %add3A_251, %broadcast_in_dim3A_222 : vector<16xi1>, vector<16xi32>
      %eq3A_253 = arith.constant 0 : i32
      %eq3A_254 = vector.broadcast %eq3A_253 : i32 to vector<16xi32>
      %eq3A_255 = arith.cmpi eq, %iota3A, %eq3A_254 : vector<16xi32>
      %jit3A_256 = arith.constant 0 : i32
      %broadcast_in_dim3A_257 = vector.broadcast %reduce_sum3A_239 : i32 to vector<16xi32>
      %broadcast_in_dim3A_258 = vector.broadcast %jit3A_256 : i32 to vector<16xi32>
      %select_n3A_259 = arith.select %eq3A_255, %broadcast_in_dim3A_257, %broadcast_in_dim3A_258 : vector<16xi1>, vector<16xi32>
      %add3A_260 = arith.addi %scan3A_209, %select_n3A_259 : vector<16xi32>
      %eq3A_261 = arith.constant 1 : i32
      %eq3A_262 = vector.broadcast %eq3A_261 : i32 to vector<16xi32>
      %eq3A_263 = arith.cmpi eq, %get3A_212, %eq3A_262 : vector<16xi32>
      %jit3A_264 = arith.constant 1 : i32
      %jit3A_265 = arith.constant 0 : i32
      %broadcast_in_dim3A_266 = vector.broadcast %jit3A_264 : i32 to vector<16xi32>
      %broadcast_in_dim3A_267 = vector.broadcast %jit3A_265 : i32 to vector<16xi32>
      %select_n3A_268 = arith.select %eq3A_263, %broadcast_in_dim3A_266, %broadcast_in_dim3A_267 : vector<16xi1>, vector<16xi32>
      %broadcast_in_dim3A_269 = arith.constant true
      %broadcast_in_dim3A_270 = vector.broadcast %broadcast_in_dim3A_269 : i1 to vector<16xi1>
      %masked_cumsum3A_271 = tpu.scan <sum>, %select_n3A_268 masked %broadcast_in_dim3A_270 : vector<16xi32>, vector<16xi1> -> vector<16xi32>
      %sub3A_272 = arith.constant 1 : i32
      %sub3A_273 = vector.broadcast %sub3A_272 : i32 to vector<16xi32>
      %sub3A_274 = arith.subi %masked_cumsum3A_271, %sub3A_273 : vector<16xi32>
      %reduce_sum3A_275 = arith.constant true
      %reduce_sum3A_276 = vector.broadcast %reduce_sum3A_275 : i1 to vector<16xi1>
      %reduce_sum3A_277 = tpu.scan <sum>, %select_n3A_268 masked %reduce_sum3A_276 : vector<16xi32>, vector<16xi1> -> vector<16xi32>
      %reduce_sum3A_278 = vector.extract %reduce_sum3A_277[15] : i32 from vector<16xi32>
      %eq3A_279 = arith.constant 1 : i32
      %eq3A_280 = vector.broadcast %eq3A_279 : i32 to vector<16xi32>
      %eq3A_281 = arith.cmpi eq, %iota3A, %eq3A_280 : vector<16xi32>
      %jit3A_282 = arith.constant 0 : i32
      %broadcast_in_dim3A_283 = vector.broadcast %jit3A_282 : i32 to vector<16xi32>
      %select_n3A_284 = arith.select %eq3A_281, %add3A_260, %broadcast_in_dim3A_283 : vector<16xi1>, vector<16xi32>
      %reduce_sum3A_285 = arith.constant true
      %reduce_sum3A_286 = vector.broadcast %reduce_sum3A_285 : i1 to vector<16xi1>
      %reduce_sum3A_287 = tpu.scan <sum>, %select_n3A_284 masked %reduce_sum3A_286 : vector<16xi32>, vector<16xi1> -> vector<16xi32>
      %reduce_sum3A_288 = vector.extract %reduce_sum3A_287[15] : i32 from vector<16xi32>
      %add3A_289 = vector.broadcast %reduce_sum3A_288 : i32 to vector<16xi32>
      %add3A_290 = arith.addi %add3A_289, %sub3A_274 : vector<16xi32>
      %select_n3A_291 = arith.select %eq3A_263, %add3A_290, %select_n3A_252 : vector<16xi1>, vector<16xi32>
      %eq3A_292 = arith.constant 1 : i32
      %eq3A_293 = vector.broadcast %eq3A_292 : i32 to vector<16xi32>
      %eq3A_294 = arith.cmpi eq, %iota3A, %eq3A_293 : vector<16xi32>
      %jit3A_295 = arith.constant 0 : i32
      %broadcast_in_dim3A_296 = vector.broadcast %reduce_sum3A_278 : i32 to vector<16xi32>
      %broadcast_in_dim3A_297 = vector.broadcast %jit3A_295 : i32 to vector<16xi32>
      %select_n3A_298 = arith.select %eq3A_294, %broadcast_in_dim3A_296, %broadcast_in_dim3A_297 : vector<16xi1>, vector<16xi32>
      %add3A_299 = arith.addi %add3A_260, %select_n3A_298 : vector<16xi32>
      %eq3A_300 = arith.constant 2 : i32
      %eq3A_301 = vector.broadcast %eq3A_300 : i32 to vector<16xi32>
      %eq3A_302 = arith.cmpi eq, %get3A_212, %eq3A_301 : vector<16xi32>
      %jit3A_303 = arith.constant 1 : i32
      %jit3A_304 = arith.constant 0 : i32
      %broadcast_in_dim3A_305 = vector.broadcast %jit3A_303 : i32 to vector<16xi32>
      %broadcast_in_dim3A_306 = vector.broadcast %jit3A_304 : i32 to vector<16xi32>
      %select_n3A_307 = arith.select %eq3A_302, %broadcast_in_dim3A_305, %broadcast_in_dim3A_306 : vector<16xi1>, vector<16xi32>
      %broadcast_in_dim3A_308 = arith.constant true
      %broadcast_in_dim3A_309 = vector.broadcast %broadcast_in_dim3A_308 : i1 to vector<16xi1>
      %masked_cumsum3A_310 = tpu.scan <sum>, %select_n3A_307 masked %broadcast_in_dim3A_309 : vector<16xi32>, vector<16xi1> -> vector<16xi32>
      %sub3A_311 = arith.constant 1 : i32
      %sub3A_312 = vector.broadcast %sub3A_311 : i32 to vector<16xi32>
      %sub3A_313 = arith.subi %masked_cumsum3A_310, %sub3A_312 : vector<16xi32>
      %reduce_sum3A_314 = arith.constant true
      %reduce_sum3A_315 = vector.broadcast %reduce_sum3A_314 : i1 to vector<16xi1>
      %reduce_sum3A_316 = tpu.scan <sum>, %select_n3A_307 masked %reduce_sum3A_315 : vector<16xi32>, vector<16xi1> -> vector<16xi32>
      %reduce_sum3A_317 = vector.extract %reduce_sum3A_316[15] : i32 from vector<16xi32>
      %eq3A_318 = arith.constant 2 : i32
      %eq3A_319 = vector.broadcast %eq3A_318 : i32 to vector<16xi32>
      %eq3A_320 = arith.cmpi eq, %iota3A, %eq3A_319 : vector<16xi32>
      %jit3A_321 = arith.constant 0 : i32
      %broadcast_in_dim3A_322 = vector.broadcast %jit3A_321 : i32 to vector<16xi32>
      %select_n3A_323 = arith.select %eq3A_320, %add3A_299, %broadcast_in_dim3A_322 : vector<16xi1>, vector<16xi32>
      %reduce_sum3A_324 = arith.constant true
      %reduce_sum3A_325 = vector.broadcast %reduce_sum3A_324 : i1 to vector<16xi1>
      %reduce_sum3A_326 = tpu.scan <sum>, %select_n3A_323 masked %reduce_sum3A_325 : vector<16xi32>, vector<16xi1> -> vector<16xi32>
      %reduce_sum3A_327 = vector.extract %reduce_sum3A_326[15] : i32 from vector<16xi32>
      %add3A_328 = vector.broadcast %reduce_sum3A_327 : i32 to vector<16xi32>
      %add3A_329 = arith.addi %add3A_328, %sub3A_313 : vector<16xi32>
      %select_n3A_330 = arith.select %eq3A_302, %add3A_329, %select_n3A_291 : vector<16xi1>, vector<16xi32>
      %eq3A_331 = arith.constant 2 : i32
      %eq3A_332 = vector.broadcast %eq3A_331 : i32 to vector<16xi32>
      %eq3A_333 = arith.cmpi eq, %iota3A, %eq3A_332 : vector<16xi32>
      %jit3A_334 = arith.constant 0 : i32
      %broadcast_in_dim3A_335 = vector.broadcast %reduce_sum3A_317 : i32 to vector<16xi32>
      %broadcast_in_dim3A_336 = vector.broadcast %jit3A_334 : i32 to vector<16xi32>
      %select_n3A_337 = arith.select %eq3A_333, %broadcast_in_dim3A_335, %broadcast_in_dim3A_336 : vector<16xi1>, vector<16xi32>
      %add3A_338 = arith.addi %add3A_299, %select_n3A_337 : vector<16xi32>
      %eq3A_339 = arith.constant 3 : i32
      %eq3A_340 = vector.broadcast %eq3A_339 : i32 to vector<16xi32>
      %eq3A_341 = arith.cmpi eq, %get3A_212, %eq3A_340 : vector<16xi32>
      %jit3A_342 = arith.constant 1 : i32
      %jit3A_343 = arith.constant 0 : i32
      %broadcast_in_dim3A_344 = vector.broadcast %jit3A_342 : i32 to vector<16xi32>
      %broadcast_in_dim3A_345 = vector.broadcast %jit3A_343 : i32 to vector<16xi32>
      %select_n3A_346 = arith.select %eq3A_341, %broadcast_in_dim3A_344, %broadcast_in_dim3A_345 : vector<16xi1>, vector<16xi32>
      %broadcast_in_dim3A_347 = arith.constant true
      %broadcast_in_dim3A_348 = vector.broadcast %broadcast_in_dim3A_347 : i1 to vector<16xi1>
      %masked_cumsum3A_349 = tpu.scan <sum>, %select_n3A_346 masked %broadcast_in_dim3A_348 : vector<16xi32>, vector<16xi1> -> vector<16xi32>
      %sub3A_350 = arith.constant 1 : i32
      %sub3A_351 = vector.broadcast %sub3A_350 : i32 to vector<16xi32>
      %sub3A_352 = arith.subi %masked_cumsum3A_349, %sub3A_351 : vector<16xi32>
      %reduce_sum3A_353 = arith.constant true
      %reduce_sum3A_354 = vector.broadcast %reduce_sum3A_353 : i1 to vector<16xi1>
      %reduce_sum3A_355 = tpu.scan <sum>, %select_n3A_346 masked %reduce_sum3A_354 : vector<16xi32>, vector<16xi1> -> vector<16xi32>
      %reduce_sum3A_356 = vector.extract %reduce_sum3A_355[15] : i32 from vector<16xi32>
      %eq3A_357 = arith.constant 3 : i32
      %eq3A_358 = vector.broadcast %eq3A_357 : i32 to vector<16xi32>
      %eq3A_359 = arith.cmpi eq, %iota3A, %eq3A_358 : vector<16xi32>
      %jit3A_360 = arith.constant 0 : i32
      %broadcast_in_dim3A_361 = vector.broadcast %jit3A_360 : i32 to vector<16xi32>
      %select_n3A_362 = arith.select %eq3A_359, %add3A_338, %broadcast_in_dim3A_361 : vector<16xi1>, vector<16xi32>
      %reduce_sum3A_363 = arith.constant true
      %reduce_sum3A_364 = vector.broadcast %reduce_sum3A_363 : i1 to vector<16xi1>
      %reduce_sum3A_365 = tpu.scan <sum>, %select_n3A_362 masked %reduce_sum3A_364 : vector<16xi32>, vector<16xi1> -> vector<16xi32>
      %reduce_sum3A_366 = vector.extract %reduce_sum3A_365[15] : i32 from vector<16xi32>
      %add3A_367 = vector.broadcast %reduce_sum3A_366 : i32 to vector<16xi32>
      %add3A_368 = arith.addi %add3A_367, %sub3A_352 : vector<16xi32>
      %select_n3A_369 = arith.select %eq3A_341, %add3A_368, %select_n3A_330 : vector<16xi1>, vector<16xi32>
      %eq3A_370 = arith.constant 3 : i32
      %eq3A_371 = vector.broadcast %eq3A_370 : i32 to vector<16xi32>
      %eq3A_372 = arith.cmpi eq, %iota3A, %eq3A_371 : vector<16xi32>
      %jit3A_373 = arith.constant 0 : i32
      %broadcast_in_dim3A_374 = vector.broadcast %reduce_sum3A_356 : i32 to vector<16xi32>
      %broadcast_in_dim3A_375 = vector.broadcast %jit3A_373 : i32 to vector<16xi32>
      %select_n3A_376 = arith.select %eq3A_372, %broadcast_in_dim3A_374, %broadcast_in_dim3A_375 : vector<16xi1>, vector<16xi32>
      %add3A_377 = arith.addi %add3A_338, %select_n3A_376 : vector<16xi32>
      %eq3A_378 = arith.constant 4 : i32
      %eq3A_379 = vector.broadcast %eq3A_378 : i32 to vector<16xi32>
      %eq3A_380 = arith.cmpi eq, %get3A_212, %eq3A_379 : vector<16xi32>
      %jit3A_381 = arith.constant 1 : i32
      %jit3A_382 = arith.constant 0 : i32
      %broadcast_in_dim3A_383 = vector.broadcast %jit3A_381 : i32 to vector<16xi32>
      %broadcast_in_dim3A_384 = vector.broadcast %jit3A_382 : i32 to vector<16xi32>
      %select_n3A_385 = arith.select %eq3A_380, %broadcast_in_dim3A_383, %broadcast_in_dim3A_384 : vector<16xi1>, vector<16xi32>
      %broadcast_in_dim3A_386 = arith.constant true
      %broadcast_in_dim3A_387 = vector.broadcast %broadcast_in_dim3A_386 : i1 to vector<16xi1>
      %masked_cumsum3A_388 = tpu.scan <sum>, %select_n3A_385 masked %broadcast_in_dim3A_387 : vector<16xi32>, vector<16xi1> -> vector<16xi32>
      %sub3A_389 = arith.constant 1 : i32
      %sub3A_390 = vector.broadcast %sub3A_389 : i32 to vector<16xi32>
      %sub3A_391 = arith.subi %masked_cumsum3A_388, %sub3A_390 : vector<16xi32>
      %reduce_sum3A_392 = arith.constant true
      %reduce_sum3A_393 = vector.broadcast %reduce_sum3A_392 : i1 to vector<16xi1>
      %reduce_sum3A_394 = tpu.scan <sum>, %select_n3A_385 masked %reduce_sum3A_393 : vector<16xi32>, vector<16xi1> -> vector<16xi32>
      %reduce_sum3A_395 = vector.extract %reduce_sum3A_394[15] : i32 from vector<16xi32>
      %eq3A_396 = arith.constant 4 : i32
      %eq3A_397 = vector.broadcast %eq3A_396 : i32 to vector<16xi32>
      %eq3A_398 = arith.cmpi eq, %iota3A, %eq3A_397 : vector<16xi32>
      %jit3A_399 = arith.constant 0 : i32
      %broadcast_in_dim3A_400 = vector.broadcast %jit3A_399 : i32 to vector<16xi32>
      %select_n3A_401 = arith.select %eq3A_398, %add3A_377, %broadcast_in_dim3A_400 : vector<16xi1>, vector<16xi32>
      %reduce_sum3A_402 = arith.constant true
      %reduce_sum3A_403 = vector.broadcast %reduce_sum3A_402 : i1 to vector<16xi1>
      %reduce_sum3A_404 = tpu.scan <sum>, %select_n3A_401 masked %reduce_sum3A_403 : vector<16xi32>, vector<16xi1> -> vector<16xi32>
      %reduce_sum3A_405 = vector.extract %reduce_sum3A_404[15] : i32 from vector<16xi32>
      %add3A_406 = vector.broadcast %reduce_sum3A_405 : i32 to vector<16xi32>
      %add3A_407 = arith.addi %add3A_406, %sub3A_391 : vector<16xi32>
      %select_n3A_408 = arith.select %eq3A_380, %add3A_407, %select_n3A_369 : vector<16xi1>, vector<16xi32>
      %eq3A_409 = arith.constant 4 : i32
      %eq3A_410 = vector.broadcast %eq3A_409 : i32 to vector<16xi32>
      %eq3A_411 = arith.cmpi eq, %iota3A, %eq3A_410 : vector<16xi32>
      %jit3A_412 = arith.constant 0 : i32
      %broadcast_in_dim3A_413 = vector.broadcast %reduce_sum3A_395 : i32 to vector<16xi32>
      %broadcast_in_dim3A_414 = vector.broadcast %jit3A_412 : i32 to vector<16xi32>
      %select_n3A_415 = arith.select %eq3A_411, %broadcast_in_dim3A_413, %broadcast_in_dim3A_414 : vector<16xi1>, vector<16xi32>
      %add3A_416 = arith.addi %add3A_377, %select_n3A_415 : vector<16xi32>
      %eq3A_417 = arith.constant 5 : i32
      %eq3A_418 = vector.broadcast %eq3A_417 : i32 to vector<16xi32>
      %eq3A_419 = arith.cmpi eq, %get3A_212, %eq3A_418 : vector<16xi32>
      %jit3A_420 = arith.constant 1 : i32
      %jit3A_421 = arith.constant 0 : i32
      %broadcast_in_dim3A_422 = vector.broadcast %jit3A_420 : i32 to vector<16xi32>
      %broadcast_in_dim3A_423 = vector.broadcast %jit3A_421 : i32 to vector<16xi32>
      %select_n3A_424 = arith.select %eq3A_419, %broadcast_in_dim3A_422, %broadcast_in_dim3A_423 : vector<16xi1>, vector<16xi32>
      %broadcast_in_dim3A_425 = arith.constant true
      %broadcast_in_dim3A_426 = vector.broadcast %broadcast_in_dim3A_425 : i1 to vector<16xi1>
      %masked_cumsum3A_427 = tpu.scan <sum>, %select_n3A_424 masked %broadcast_in_dim3A_426 : vector<16xi32>, vector<16xi1> -> vector<16xi32>
      %sub3A_428 = arith.constant 1 : i32
      %sub3A_429 = vector.broadcast %sub3A_428 : i32 to vector<16xi32>
      %sub3A_430 = arith.subi %masked_cumsum3A_427, %sub3A_429 : vector<16xi32>
      %reduce_sum3A_431 = arith.constant true
      %reduce_sum3A_432 = vector.broadcast %reduce_sum3A_431 : i1 to vector<16xi1>
      %reduce_sum3A_433 = tpu.scan <sum>, %select_n3A_424 masked %reduce_sum3A_432 : vector<16xi32>, vector<16xi1> -> vector<16xi32>
      %reduce_sum3A_434 = vector.extract %reduce_sum3A_433[15] : i32 from vector<16xi32>
      %eq3A_435 = arith.constant 5 : i32
      %eq3A_436 = vector.broadcast %eq3A_435 : i32 to vector<16xi32>
      %eq3A_437 = arith.cmpi eq, %iota3A, %eq3A_436 : vector<16xi32>
      %jit3A_438 = arith.constant 0 : i32
      %broadcast_in_dim3A_439 = vector.broadcast %jit3A_438 : i32 to vector<16xi32>
      %select_n3A_440 = arith.select %eq3A_437, %add3A_416, %broadcast_in_dim3A_439 : vector<16xi1>, vector<16xi32>
      %reduce_sum3A_441 = arith.constant true
      %reduce_sum3A_442 = vector.broadcast %reduce_sum3A_441 : i1 to vector<16xi1>
      %reduce_sum3A_443 = tpu.scan <sum>, %select_n3A_440 masked %reduce_sum3A_442 : vector<16xi32>, vector<16xi1> -> vector<16xi32>
      %reduce_sum3A_444 = vector.extract %reduce_sum3A_443[15] : i32 from vector<16xi32>
      %add3A_445 = vector.broadcast %reduce_sum3A_444 : i32 to vector<16xi32>
      %add3A_446 = arith.addi %add3A_445, %sub3A_430 : vector<16xi32>
      %select_n3A_447 = arith.select %eq3A_419, %add3A_446, %select_n3A_408 : vector<16xi1>, vector<16xi32>
      %eq3A_448 = arith.constant 5 : i32
      %eq3A_449 = vector.broadcast %eq3A_448 : i32 to vector<16xi32>
      %eq3A_450 = arith.cmpi eq, %iota3A, %eq3A_449 : vector<16xi32>
      %jit3A_451 = arith.constant 0 : i32
      %broadcast_in_dim3A_452 = vector.broadcast %reduce_sum3A_434 : i32 to vector<16xi32>
      %broadcast_in_dim3A_453 = vector.broadcast %jit3A_451 : i32 to vector<16xi32>
      %select_n3A_454 = arith.select %eq3A_450, %broadcast_in_dim3A_452, %broadcast_in_dim3A_453 : vector<16xi1>, vector<16xi32>
      %add3A_455 = arith.addi %add3A_416, %select_n3A_454 : vector<16xi32>
      %eq3A_456 = arith.constant 6 : i32
      %eq3A_457 = vector.broadcast %eq3A_456 : i32 to vector<16xi32>
      %eq3A_458 = arith.cmpi eq, %get3A_212, %eq3A_457 : vector<16xi32>
      %jit3A_459 = arith.constant 1 : i32
      %jit3A_460 = arith.constant 0 : i32
      %broadcast_in_dim3A_461 = vector.broadcast %jit3A_459 : i32 to vector<16xi32>
      %broadcast_in_dim3A_462 = vector.broadcast %jit3A_460 : i32 to vector<16xi32>
      %select_n3A_463 = arith.select %eq3A_458, %broadcast_in_dim3A_461, %broadcast_in_dim3A_462 : vector<16xi1>, vector<16xi32>
      %broadcast_in_dim3A_464 = arith.constant true
      %broadcast_in_dim3A_465 = vector.broadcast %broadcast_in_dim3A_464 : i1 to vector<16xi1>
      %masked_cumsum3A_466 = tpu.scan <sum>, %select_n3A_463 masked %broadcast_in_dim3A_465 : vector<16xi32>, vector<16xi1> -> vector<16xi32>
      %sub3A_467 = arith.constant 1 : i32
      %sub3A_468 = vector.broadcast %sub3A_467 : i32 to vector<16xi32>
      %sub3A_469 = arith.subi %masked_cumsum3A_466, %sub3A_468 : vector<16xi32>
      %reduce_sum3A_470 = arith.constant true
      %reduce_sum3A_471 = vector.broadcast %reduce_sum3A_470 : i1 to vector<16xi1>
      %reduce_sum3A_472 = tpu.scan <sum>, %select_n3A_463 masked %reduce_sum3A_471 : vector<16xi32>, vector<16xi1> -> vector<16xi32>
      %reduce_sum3A_473 = vector.extract %reduce_sum3A_472[15] : i32 from vector<16xi32>
      %eq3A_474 = arith.constant 6 : i32
      %eq3A_475 = vector.broadcast %eq3A_474 : i32 to vector<16xi32>
      %eq3A_476 = arith.cmpi eq, %iota3A, %eq3A_475 : vector<16xi32>
      %jit3A_477 = arith.constant 0 : i32
      %broadcast_in_dim3A_478 = vector.broadcast %jit3A_477 : i32 to vector<16xi32>
      %select_n3A_479 = arith.select %eq3A_476, %add3A_455, %broadcast_in_dim3A_478 : vector<16xi1>, vector<16xi32>
      %reduce_sum3A_480 = arith.constant true
      %reduce_sum3A_481 = vector.broadcast %reduce_sum3A_480 : i1 to vector<16xi1>
      %reduce_sum3A_482 = tpu.scan <sum>, %select_n3A_479 masked %reduce_sum3A_481 : vector<16xi32>, vector<16xi1> -> vector<16xi32>
      %reduce_sum3A_483 = vector.extract %reduce_sum3A_482[15] : i32 from vector<16xi32>
      %add3A_484 = vector.broadcast %reduce_sum3A_483 : i32 to vector<16xi32>
      %add3A_485 = arith.addi %add3A_484, %sub3A_469 : vector<16xi32>
      %select_n3A_486 = arith.select %eq3A_458, %add3A_485, %select_n3A_447 : vector<16xi1>, vector<16xi32>
      %eq3A_487 = arith.constant 6 : i32
      %eq3A_488 = vector.broadcast %eq3A_487 : i32 to vector<16xi32>
      %eq3A_489 = arith.cmpi eq, %iota3A, %eq3A_488 : vector<16xi32>
      %jit3A_490 = arith.constant 0 : i32
      %broadcast_in_dim3A_491 = vector.broadcast %reduce_sum3A_473 : i32 to vector<16xi32>
      %broadcast_in_dim3A_492 = vector.broadcast %jit3A_490 : i32 to vector<16xi32>
      %select_n3A_493 = arith.select %eq3A_489, %broadcast_in_dim3A_491, %broadcast_in_dim3A_492 : vector<16xi1>, vector<16xi32>
      %add3A_494 = arith.addi %add3A_455, %select_n3A_493 : vector<16xi32>
      %eq3A_495 = arith.constant 7 : i32
      %eq3A_496 = vector.broadcast %eq3A_495 : i32 to vector<16xi32>
      %eq3A_497 = arith.cmpi eq, %get3A_212, %eq3A_496 : vector<16xi32>
      %jit3A_498 = arith.constant 1 : i32
      %jit3A_499 = arith.constant 0 : i32
      %broadcast_in_dim3A_500 = vector.broadcast %jit3A_498 : i32 to vector<16xi32>
      %broadcast_in_dim3A_501 = vector.broadcast %jit3A_499 : i32 to vector<16xi32>
      %select_n3A_502 = arith.select %eq3A_497, %broadcast_in_dim3A_500, %broadcast_in_dim3A_501 : vector<16xi1>, vector<16xi32>
      %broadcast_in_dim3A_503 = arith.constant true
      %broadcast_in_dim3A_504 = vector.broadcast %broadcast_in_dim3A_503 : i1 to vector<16xi1>
      %masked_cumsum3A_505 = tpu.scan <sum>, %select_n3A_502 masked %broadcast_in_dim3A_504 : vector<16xi32>, vector<16xi1> -> vector<16xi32>
      %sub3A_506 = arith.constant 1 : i32
      %sub3A_507 = vector.broadcast %sub3A_506 : i32 to vector<16xi32>
      %sub3A_508 = arith.subi %masked_cumsum3A_505, %sub3A_507 : vector<16xi32>
      %reduce_sum3A_509 = arith.constant true
      %reduce_sum3A_510 = vector.broadcast %reduce_sum3A_509 : i1 to vector<16xi1>
      %reduce_sum3A_511 = tpu.scan <sum>, %select_n3A_502 masked %reduce_sum3A_510 : vector<16xi32>, vector<16xi1> -> vector<16xi32>
      %reduce_sum3A_512 = vector.extract %reduce_sum3A_511[15] : i32 from vector<16xi32>
      %eq3A_513 = arith.constant 7 : i32
      %eq3A_514 = vector.broadcast %eq3A_513 : i32 to vector<16xi32>
      %eq3A_515 = arith.cmpi eq, %iota3A, %eq3A_514 : vector<16xi32>
      %jit3A_516 = arith.constant 0 : i32
      %broadcast_in_dim3A_517 = vector.broadcast %jit3A_516 : i32 to vector<16xi32>
      %select_n3A_518 = arith.select %eq3A_515, %add3A_494, %broadcast_in_dim3A_517 : vector<16xi1>, vector<16xi32>
      %reduce_sum3A_519 = arith.constant true
      %reduce_sum3A_520 = vector.broadcast %reduce_sum3A_519 : i1 to vector<16xi1>
      %reduce_sum3A_521 = tpu.scan <sum>, %select_n3A_518 masked %reduce_sum3A_520 : vector<16xi32>, vector<16xi1> -> vector<16xi32>
      %reduce_sum3A_522 = vector.extract %reduce_sum3A_521[15] : i32 from vector<16xi32>
      %add3A_523 = vector.broadcast %reduce_sum3A_522 : i32 to vector<16xi32>
      %add3A_524 = arith.addi %add3A_523, %sub3A_508 : vector<16xi32>
      %select_n3A_525 = arith.select %eq3A_497, %add3A_524, %select_n3A_486 : vector<16xi1>, vector<16xi32>
      %eq3A_526 = arith.constant 7 : i32
      %eq3A_527 = vector.broadcast %eq3A_526 : i32 to vector<16xi32>
      %eq3A_528 = arith.cmpi eq, %iota3A, %eq3A_527 : vector<16xi32>
      %jit3A_529 = arith.constant 0 : i32
      %broadcast_in_dim3A_530 = vector.broadcast %reduce_sum3A_512 : i32 to vector<16xi32>
      %broadcast_in_dim3A_531 = vector.broadcast %jit3A_529 : i32 to vector<16xi32>
      %select_n3A_532 = arith.select %eq3A_528, %broadcast_in_dim3A_530, %broadcast_in_dim3A_531 : vector<16xi1>, vector<16xi32>
      %add3A_533 = arith.addi %add3A_494, %select_n3A_532 : vector<16xi32>
      %mul3A_534 = arith.constant 16 : i32
      %mul3A_535 = arith.muli %scan3A_208, %mul3A_534 : i32
      %add3A_536 = vector.broadcast %mul3A_535 : i32 to vector<16xi32>
      %add3A_537 = arith.addi %add3A_536, %iota3A : vector<16xi32>
      %sub3A_538 = vector.broadcast %mul3A_2 : i32 to vector<16xi32>
      %sub3A_539 = arith.subi %add3A_537, %sub3A_538 : vector<16xi32>
      %ge3A = vector.broadcast %mul3A_2 : i32 to vector<16xi32>
      %ge3A_540 = arith.cmpi sge, %add3A_537, %ge3A : vector<16xi32>
      %add3A_541 = arith.constant 128 : i32
      %add3A_542 = arith.addi %mul3A_2, %add3A_541 : i32
      %lt3A = vector.broadcast %add3A_542 : i32 to vector<16xi32>
      %lt3A_543 = arith.cmpi slt, %add3A_537, %lt3A : vector<16xi32>
      %and3A_544 = arith.andi %ge3A_540, %lt3A_543 : vector<16xi1>
      tpu.vector_store_idx %arg13[%sub3A_539], %select_n3A_525 masked %and3A_544 : memref<128xi32, #tpu.memory_space<vmem>>[vector<16xi32>], vector<16xi32>, vector<16xi1>
      %sub3A_545 = vector.broadcast %mul3A_4 : i32 to vector<16xi32>
      %sub3A_546 = arith.subi %select_n3A_525, %sub3A_545 : vector<16xi32>
      %ge3A_547 = vector.broadcast %mul3A_4 : i32 to vector<16xi32>
      %ge3A_548 = arith.cmpi sge, %select_n3A_525, %ge3A_547 : vector<16xi32>
      %add3A_549 = arith.constant 160 : i32
      %add3A_550 = arith.addi %mul3A_4, %add3A_549 : i32
      %lt3A_551 = vector.broadcast %add3A_550 : i32 to vector<16xi32>
      %lt3A_552 = arith.cmpi slt, %select_n3A_525, %lt3A_551 : vector<16xi32>
      %and3A_553 = arith.andi %ge3A_548, %lt3A_552 : vector<16xi1>
      tpu.vector_store_idx %arg14[%sub3A_546], %get3A_220 masked %and3A_553 : memref<160xi32, #tpu.memory_space<vmem>>[vector<16xi32>], vector<16xi32>, vector<16xi1>
      tpu.vector_store_idx %arg15[%sub3A_546], %get3A_216 masked %and3A_553 : memref<160xf32, #tpu.memory_space<vmem>>[vector<16xi32>], vector<16xf32>, vector<16xi1>
      scf.yield %add3A_533 : vector<16xi32>
    }
    %scan3A_159 = arith.constant 256 : i32
    "tpu.region"() ({
      %run_scoped3A = tpu.sem_alloc : memref<!tpu.dma_semaphore, #tpu.memory_space<semaphore_mem>>
      %dma_start3A_208 = tpu.memref_slice %arg6[%mul3A_2] : memref<4096xi32, #tpu.memory_space<hbm>> -> memref<128xi32, #tpu.memory_space<hbm>>
      %dma_start3A_209 = tpu.memref_slice %arg6[%mul3A_2] : memref<4096xi32, #tpu.memory_space<hbm>> -> memref<128xi32, #tpu.memory_space<hbm>>
      tpu.enqueue_dma source(%arg13 : memref<128xi32, #tpu.memory_space<vmem>>) target(%dma_start3A_209 : memref<128xi32, #tpu.memory_space<hbm>>) target_semaphore(%run_scoped3A : memref<!tpu.dma_semaphore, #tpu.memory_space<semaphore_mem>>)
      %dma_wait3A_210 = tpu.memref_slice %arg6[%mul3A_2] : memref<4096xi32, #tpu.memory_space<hbm>> -> memref<128xi32, #tpu.memory_space<hbm>>
      %dma_wait3A_211 = tpu.memref_slice %arg6[%mul3A_2] : memref<4096xi32, #tpu.memory_space<hbm>> -> memref<128xi32, #tpu.memory_space<hbm>>
      tpu.wait_dma2 semaphore(%run_scoped3A : memref<!tpu.dma_semaphore, #tpu.memory_space<semaphore_mem>>) src(%arg13 : memref<128xi32, #tpu.memory_space<vmem>>) dst(%dma_wait3A_211 : memref<128xi32, #tpu.memory_space<hbm>>)
      tpu.yield
    }) : () -> ()
    "tpu.region"() ({
      %run_scoped3A = tpu.sem_alloc : memref<!tpu.dma_semaphore, #tpu.memory_space<semaphore_mem>>
      %dma_start3A_208 = tpu.memref_slice %arg7[%mul3A_4] : memref<5120xf32, #tpu.memory_space<hbm>> -> memref<160xf32, #tpu.memory_space<hbm>>
      %dma_start3A_209 = tpu.memref_slice %arg7[%mul3A_4] : memref<5120xf32, #tpu.memory_space<hbm>> -> memref<160xf32, #tpu.memory_space<hbm>>
      tpu.enqueue_dma source(%arg15 : memref<160xf32, #tpu.memory_space<vmem>>) target(%dma_start3A_209 : memref<160xf32, #tpu.memory_space<hbm>>) target_semaphore(%run_scoped3A : memref<!tpu.dma_semaphore, #tpu.memory_space<semaphore_mem>>)
      %dma_wait3A_210 = tpu.memref_slice %arg7[%mul3A_4] : memref<5120xf32, #tpu.memory_space<hbm>> -> memref<160xf32, #tpu.memory_space<hbm>>
      %dma_wait3A_211 = tpu.memref_slice %arg7[%mul3A_4] : memref<5120xf32, #tpu.memory_space<hbm>> -> memref<160xf32, #tpu.memory_space<hbm>>
      tpu.wait_dma2 semaphore(%run_scoped3A : memref<!tpu.dma_semaphore, #tpu.memory_space<semaphore_mem>>) src(%arg15 : memref<160xf32, #tpu.memory_space<vmem>>) dst(%dma_wait3A_211 : memref<160xf32, #tpu.memory_space<hbm>>)
      tpu.yield
    }) : () -> ()
    %dma_start3A = arith.constant 0 : i32
    %dma_start3A_160 = tpu.memref_slice %arg14[%dma_start3A] : memref<160xi32, #tpu.memory_space<vmem>> -> memref<40xi32, #tpu.memory_space<vmem>>
    %dma_start3A_161 = arith.constant 0 : i32
    %dma_start3A_162 = arith.constant 0 : i32
    %dma_start3A_163 = tpu.memref_slice %arg5[%dma_start3A_161, %dma_start3A_162] : memref<2048x1024xf32, #tpu.memory_space<hbm>> -> memref<2048x1024xf32, #tpu.memory_space<hbm>>
    tpu.enqueue_indirect_dma source(%dma_start3A_163 : memref<2048x1024xf32, #tpu.memory_space<hbm>>) target(%arg17 : memref<40x1024xf32, #tpu.memory_space<vmem>>) offsets(%dma_start3A_160 : memref<40xi32, #tpu.memory_space<vmem>>) semaphore(%arg19 : memref<!tpu.dma_semaphore, #tpu.memory_space<semaphore_mem>>)
    %dma_start3A_164 = arith.constant 40 : i32
    %dma_start3A_165 = tpu.memref_slice %arg14[%dma_start3A_164] : memref<160xi32, #tpu.memory_space<vmem>> -> memref<40xi32, #tpu.memory_space<vmem>>
    %dma_start3A_166 = arith.constant 0 : i32
    %dma_start3A_167 = arith.constant 0 : i32
    %dma_start3A_168 = tpu.memref_slice %arg5[%dma_start3A_166, %dma_start3A_167] : memref<2048x1024xf32, #tpu.memory_space<hbm>> -> memref<2048x1024xf32, #tpu.memory_space<hbm>>
    tpu.enqueue_indirect_dma source(%dma_start3A_168 : memref<2048x1024xf32, #tpu.memory_space<hbm>>) target(%arg18 : memref<40x1024xf32, #tpu.memory_space<vmem>>) offsets(%dma_start3A_165 : memref<40xi32, #tpu.memory_space<vmem>>) semaphore(%arg20 : memref<!tpu.dma_semaphore, #tpu.memory_space<semaphore_mem>>)
    %dma_wait3A = arith.constant 0 : i32
    %dma_wait3A_169 = tpu.memref_slice %arg14[%dma_wait3A] : memref<160xi32, #tpu.memory_space<vmem>> -> memref<40xi32, #tpu.memory_space<vmem>>
    %dma_wait3A_170 = arith.constant 0 : i32
    %dma_wait3A_171 = arith.constant 0 : i32
    %dma_wait3A_172 = tpu.memref_slice %arg5[%dma_wait3A_170, %dma_wait3A_171] : memref<2048x1024xf32, #tpu.memory_space<hbm>> -> memref<2048x1024xf32, #tpu.memory_space<hbm>>
    tpu.wait_indirect_dma semaphore(%arg19 : memref<!tpu.dma_semaphore, #tpu.memory_space<semaphore_mem>>) src(%dma_wait3A_172 : memref<2048x1024xf32, #tpu.memory_space<hbm>>) dst(%arg17 : memref<40x1024xf32, #tpu.memory_space<vmem>>)
    %add3A_173 = arith.constant 0 : i32
    %add3A_174 = arith.addi %mul3A_4, %add3A_173 : i32
    "tpu.region"() ({
      %run_scoped3A = tpu.sem_alloc : memref<!tpu.dma_semaphore, #tpu.memory_space<semaphore_mem>>
      %dma_start3A_208 = arith.constant 0 : i32
      %dma_start3A_209 = tpu.memref_slice %arg9[%add3A_174, %dma_start3A_208] : memref<5120x1024xf32, #tpu.memory_space<hbm>> -> memref<40x1024xf32, #tpu.memory_space<hbm>>
      %dma_start3A_210 = arith.constant 0 : i32
      %dma_start3A_211 = tpu.memref_slice %arg9[%add3A_174, %dma_start3A_210] : memref<5120x1024xf32, #tpu.memory_space<hbm>> -> memref<40x1024xf32, #tpu.memory_space<hbm>>
      tpu.enqueue_dma source(%arg17 : memref<40x1024xf32, #tpu.memory_space<vmem>>) target(%dma_start3A_211 : memref<40x1024xf32, #tpu.memory_space<hbm>>) target_semaphore(%run_scoped3A : memref<!tpu.dma_semaphore, #tpu.memory_space<semaphore_mem>>)
      %dma_wait3A_212 = arith.constant 0 : i32
      %dma_wait3A_213 = tpu.memref_slice %arg9[%add3A_174, %dma_wait3A_212] : memref<5120x1024xf32, #tpu.memory_space<hbm>> -> memref<40x1024xf32, #tpu.memory_space<hbm>>
      %dma_wait3A_214 = arith.constant 0 : i32
      %dma_wait3A_215 = tpu.memref_slice %arg9[%add3A_174, %dma_wait3A_214] : memref<5120x1024xf32, #tpu.memory_space<hbm>> -> memref<40x1024xf32, #tpu.memory_space<hbm>>
      tpu.wait_dma2 semaphore(%run_scoped3A : memref<!tpu.dma_semaphore, #tpu.memory_space<semaphore_mem>>) src(%arg17 : memref<40x1024xf32, #tpu.memory_space<vmem>>) dst(%dma_wait3A_215 : memref<40x1024xf32, #tpu.memory_space<hbm>>)
      tpu.yield
    }) : () -> ()
    %dma_start3A_175 = arith.constant 80 : i32
    %dma_start3A_176 = tpu.memref_slice %arg14[%dma_start3A_175] : memref<160xi32, #tpu.memory_space<vmem>> -> memref<40xi32, #tpu.memory_space<vmem>>
    %dma_start3A_177 = arith.constant 0 : i32
    %dma_start3A_178 = arith.constant 0 : i32
    %dma_start3A_179 = tpu.memref_slice %arg5[%dma_start3A_177, %dma_start3A_178] : memref<2048x1024xf32, #tpu.memory_space<hbm>> -> memref<2048x1024xf32, #tpu.memory_space<hbm>>
    tpu.enqueue_indirect_dma source(%dma_start3A_179 : memref<2048x1024xf32, #tpu.memory_space<hbm>>) target(%arg17 : memref<40x1024xf32, #tpu.memory_space<vmem>>) offsets(%dma_start3A_176 : memref<40xi32, #tpu.memory_space<vmem>>) semaphore(%arg19 : memref<!tpu.dma_semaphore, #tpu.memory_space<semaphore_mem>>)
    %dma_wait3A_180 = arith.constant 40 : i32
    %dma_wait3A_181 = tpu.memref_slice %arg14[%dma_wait3A_180] : memref<160xi32, #tpu.memory_space<vmem>> -> memref<40xi32, #tpu.memory_space<vmem>>
    %dma_wait3A_182 = arith.constant 0 : i32
    %dma_wait3A_183 = arith.constant 0 : i32
    %dma_wait3A_184 = tpu.memref_slice %arg5[%dma_wait3A_182, %dma_wait3A_183] : memref<2048x1024xf32, #tpu.memory_space<hbm>> -> memref<2048x1024xf32, #tpu.memory_space<hbm>>
    tpu.wait_indirect_dma semaphore(%arg20 : memref<!tpu.dma_semaphore, #tpu.memory_space<semaphore_mem>>) src(%dma_wait3A_184 : memref<2048x1024xf32, #tpu.memory_space<hbm>>) dst(%arg18 : memref<40x1024xf32, #tpu.memory_space<vmem>>)
    %add3A_185 = arith.constant 40 : i32
    %add3A_186 = arith.addi %mul3A_4, %add3A_185 : i32
    "tpu.region"() ({
      %run_scoped3A = tpu.sem_alloc : memref<!tpu.dma_semaphore, #tpu.memory_space<semaphore_mem>>
      %dma_start3A_208 = arith.constant 0 : i32
      %dma_start3A_209 = tpu.memref_slice %arg9[%add3A_186, %dma_start3A_208] : memref<5120x1024xf32, #tpu.memory_space<hbm>> -> memref<40x1024xf32, #tpu.memory_space<hbm>>
      %dma_start3A_210 = arith.constant 0 : i32
      %dma_start3A_211 = tpu.memref_slice %arg9[%add3A_186, %dma_start3A_210] : memref<5120x1024xf32, #tpu.memory_space<hbm>> -> memref<40x1024xf32, #tpu.memory_space<hbm>>
      tpu.enqueue_dma source(%arg18 : memref<40x1024xf32, #tpu.memory_space<vmem>>) target(%dma_start3A_211 : memref<40x1024xf32, #tpu.memory_space<hbm>>) target_semaphore(%run_scoped3A : memref<!tpu.dma_semaphore, #tpu.memory_space<semaphore_mem>>)
      %dma_wait3A_212 = arith.constant 0 : i32
      %dma_wait3A_213 = tpu.memref_slice %arg9[%add3A_186, %dma_wait3A_212] : memref<5120x1024xf32, #tpu.memory_space<hbm>> -> memref<40x1024xf32, #tpu.memory_space<hbm>>
      %dma_wait3A_214 = arith.constant 0 : i32
      %dma_wait3A_215 = tpu.memref_slice %arg9[%add3A_186, %dma_wait3A_214] : memref<5120x1024xf32, #tpu.memory_space<hbm>> -> memref<40x1024xf32, #tpu.memory_space<hbm>>
      tpu.wait_dma2 semaphore(%run_scoped3A : memref<!tpu.dma_semaphore, #tpu.memory_space<semaphore_mem>>) src(%arg18 : memref<40x1024xf32, #tpu.memory_space<vmem>>) dst(%dma_wait3A_215 : memref<40x1024xf32, #tpu.memory_space<hbm>>)
      tpu.yield
    }) : () -> ()
    %dma_start3A_187 = arith.constant 120 : i32
    %dma_start3A_188 = tpu.memref_slice %arg14[%dma_start3A_187] : memref<160xi32, #tpu.memory_space<vmem>> -> memref<40xi32, #tpu.memory_space<vmem>>
    %dma_start3A_189 = arith.constant 0 : i32
    %dma_start3A_190 = arith.constant 0 : i32
    %dma_start3A_191 = tpu.memref_slice %arg5[%dma_start3A_189, %dma_start3A_190] : memref<2048x1024xf32, #tpu.memory_space<hbm>> -> memref<2048x1024xf32, #tpu.memory_space<hbm>>
    tpu.enqueue_indirect_dma source(%dma_start3A_191 : memref<2048x1024xf32, #tpu.memory_space<hbm>>) target(%arg18 : memref<40x1024xf32, #tpu.memory_space<vmem>>) offsets(%dma_start3A_188 : memref<40xi32, #tpu.memory_space<vmem>>) semaphore(%arg20 : memref<!tpu.dma_semaphore, #tpu.memory_space<semaphore_mem>>)
    %dma_wait3A_192 = arith.constant 80 : i32
    %dma_wait3A_193 = tpu.memref_slice %arg14[%dma_wait3A_192] : memref<160xi32, #tpu.memory_space<vmem>> -> memref<40xi32, #tpu.memory_space<vmem>>
    %dma_wait3A_194 = arith.constant 0 : i32
    %dma_wait3A_195 = arith.constant 0 : i32
    %dma_wait3A_196 = tpu.memref_slice %arg5[%dma_wait3A_194, %dma_wait3A_195] : memref<2048x1024xf32, #tpu.memory_space<hbm>> -> memref<2048x1024xf32, #tpu.memory_space<hbm>>
    tpu.wait_indirect_dma semaphore(%arg19 : memref<!tpu.dma_semaphore, #tpu.memory_space<semaphore_mem>>) src(%dma_wait3A_196 : memref<2048x1024xf32, #tpu.memory_space<hbm>>) dst(%arg17 : memref<40x1024xf32, #tpu.memory_space<vmem>>)
    %add3A_197 = arith.constant 80 : i32
    %add3A_198 = arith.addi %mul3A_4, %add3A_197 : i32
    "tpu.region"() ({
      %run_scoped3A = tpu.sem_alloc : memref<!tpu.dma_semaphore, #tpu.memory_space<semaphore_mem>>
      %dma_start3A_208 = arith.constant 0 : i32
      %dma_start3A_209 = tpu.memref_slice %arg9[%add3A_198, %dma_start3A_208] : memref<5120x1024xf32, #tpu.memory_space<hbm>> -> memref<40x1024xf32, #tpu.memory_space<hbm>>
      %dma_start3A_210 = arith.constant 0 : i32
      %dma_start3A_211 = tpu.memref_slice %arg9[%add3A_198, %dma_start3A_210] : memref<5120x1024xf32, #tpu.memory_space<hbm>> -> memref<40x1024xf32, #tpu.memory_space<hbm>>
      tpu.enqueue_dma source(%arg17 : memref<40x1024xf32, #tpu.memory_space<vmem>>) target(%dma_start3A_211 : memref<40x1024xf32, #tpu.memory_space<hbm>>) target_semaphore(%run_scoped3A : memref<!tpu.dma_semaphore, #tpu.memory_space<semaphore_mem>>)
      %dma_wait3A_212 = arith.constant 0 : i32
      %dma_wait3A_213 = tpu.memref_slice %arg9[%add3A_198, %dma_wait3A_212] : memref<5120x1024xf32, #tpu.memory_space<hbm>> -> memref<40x1024xf32, #tpu.memory_space<hbm>>
      %dma_wait3A_214 = arith.constant 0 : i32
      %dma_wait3A_215 = tpu.memref_slice %arg9[%add3A_198, %dma_wait3A_214] : memref<5120x1024xf32, #tpu.memory_space<hbm>> -> memref<40x1024xf32, #tpu.memory_space<hbm>>
      tpu.wait_dma2 semaphore(%run_scoped3A : memref<!tpu.dma_semaphore, #tpu.memory_space<semaphore_mem>>) src(%arg17 : memref<40x1024xf32, #tpu.memory_space<vmem>>) dst(%dma_wait3A_215 : memref<40x1024xf32, #tpu.memory_space<hbm>>)
      tpu.yield
    }) : () -> ()
    %dma_wait3A_199 = arith.constant 120 : i32
    %dma_wait3A_200 = tpu.memref_slice %arg14[%dma_wait3A_199] : memref<160xi32, #tpu.memory_space<vmem>> -> memref<40xi32, #tpu.memory_space<vmem>>
    %dma_wait3A_201 = arith.constant 0 : i32
    %dma_wait3A_202 = arith.constant 0 : i32
    %dma_wait3A_203 = tpu.memref_slice %arg5[%dma_wait3A_201, %dma_wait3A_202] : memref<2048x1024xf32, #tpu.memory_space<hbm>> -> memref<2048x1024xf32, #tpu.memory_space<hbm>>
    tpu.wait_indirect_dma semaphore(%arg20 : memref<!tpu.dma_semaphore, #tpu.memory_space<semaphore_mem>>) src(%dma_wait3A_203 : memref<2048x1024xf32, #tpu.memory_space<hbm>>) dst(%arg18 : memref<40x1024xf32, #tpu.memory_space<vmem>>)
    %add3A_204 = arith.constant 120 : i32
    %add3A_205 = arith.addi %mul3A_4, %add3A_204 : i32
    "tpu.region"() ({
      %run_scoped3A = tpu.sem_alloc : memref<!tpu.dma_semaphore, #tpu.memory_space<semaphore_mem>>
      %dma_start3A_208 = arith.constant 0 : i32
      %dma_start3A_209 = tpu.memref_slice %arg9[%add3A_205, %dma_start3A_208] : memref<5120x1024xf32, #tpu.memory_space<hbm>> -> memref<40x1024xf32, #tpu.memory_space<hbm>>
      %dma_start3A_210 = arith.constant 0 : i32
      %dma_start3A_211 = tpu.memref_slice %arg9[%add3A_205, %dma_start3A_210] : memref<5120x1024xf32, #tpu.memory_space<hbm>> -> memref<40x1024xf32, #tpu.memory_space<hbm>>
      tpu.enqueue_dma source(%arg18 : memref<40x1024xf32, #tpu.memory_space<vmem>>) target(%dma_start3A_211 : memref<40x1024xf32, #tpu.memory_space<hbm>>) target_semaphore(%run_scoped3A : memref<!tpu.dma_semaphore, #tpu.memory_space<semaphore_mem>>)
      %dma_wait3A_212 = arith.constant 0 : i32
      %dma_wait3A_213 = tpu.memref_slice %arg9[%add3A_205, %dma_wait3A_212] : memref<5120x1024xf32, #tpu.memory_space<hbm>> -> memref<40x1024xf32, #tpu.memory_space<hbm>>
      %dma_wait3A_214 = arith.constant 0 : i32
      %dma_wait3A_215 = tpu.memref_slice %arg9[%add3A_205, %dma_wait3A_214] : memref<5120x1024xf32, #tpu.memory_space<hbm>> -> memref<40x1024xf32, #tpu.memory_space<hbm>>
      tpu.wait_dma2 semaphore(%run_scoped3A : memref<!tpu.dma_semaphore, #tpu.memory_space<semaphore_mem>>) src(%arg18 : memref<40x1024xf32, #tpu.memory_space<vmem>>) dst(%dma_wait3A_215 : memref<40x1024xf32, #tpu.memory_space<hbm>>)
      tpu.yield
    }) : () -> ()
    %eq3A = arith.constant 0 : i32
    %eq3A_206 = arith.cmpi eq, %add3A, %eq3A : i32
    %convert_element_type3A = arith.extui %eq3A_206 : i1 to i32
    %cond3A = arith.constant 0 : i32
    %cond3A_207 = arith.cmpi ne, %convert_element_type3A, %cond3A : i32
    scf.if %cond3A_207 {
      %add3A_208 = arith.constant 0 : i32
      %add3A_209 = vector.broadcast %add3A_208 : i32 to vector<16xi32>
      %add3A_210 = arith.addi %iota3A, %add3A_209 : vector<16xi32>
      %mul3A_211 = arith.constant 128 : i32
      %mul3A_212 = vector.broadcast %mul3A_211 : i32 to vector<16xi32>
      %mul3A_213 = arith.muli %add3A_210, %mul3A_212 : vector<16xi32>
      %broadcast_in_dim3A_214 = arith.constant -1 : i32
      %broadcast_in_dim3A_215 = vector.broadcast %broadcast_in_dim3A_214 : i32 to vector<16xi32>
      %eq3A_216 = arith.constant 0 : i32
      %eq3A_217 = vector.broadcast %eq3A_216 : i32 to vector<16xi32>
      %eq3A_218 = arith.cmpi eq, %iota3A, %eq3A_217 : vector<16xi32>
      %jit3A_219 = arith.constant 0 : i32
      %broadcast_in_dim3A_220 = vector.broadcast %jit3A_219 : i32 to vector<16xi32>
      %select_n3A_221 = arith.select %eq3A_218, %sub3A_153, %broadcast_in_dim3A_220 : vector<16xi1>, vector<16xi32>
      %reduce_sum3A = arith.constant true
      %reduce_sum3A_222 = vector.broadcast %reduce_sum3A : i1 to vector<16xi1>
      %reduce_sum3A_223 = tpu.scan <sum>, %select_n3A_221 masked %reduce_sum3A_222 : vector<16xi32>, vector<16xi1> -> vector<16xi32>
      %reduce_sum3A_224 = vector.extract %reduce_sum3A_223[15] : i32 from vector<16xi32>
      %le3A = vector.broadcast %reduce_sum3A_224 : i32 to vector<16xi32>
      %le3A_225 = arith.cmpi sle, %le3A, %mul3A_213 : vector<16xi32>
      %jit3A_226 = arith.constant 1 : i32
      %jit3A_227 = arith.constant 0 : i32
      %broadcast_in_dim3A_228 = vector.broadcast %jit3A_226 : i32 to vector<16xi32>
      %broadcast_in_dim3A_229 = vector.broadcast %jit3A_227 : i32 to vector<16xi32>
      %select_n3A_230 = arith.select %le3A_225, %broadcast_in_dim3A_228, %broadcast_in_dim3A_229 : vector<16xi1>, vector<16xi32>
      %add3A_231 = arith.addi %broadcast_in_dim3A_215, %select_n3A_230 : vector<16xi32>
      %eq3A_232 = arith.constant 1 : i32
      %eq3A_233 = vector.broadcast %eq3A_232 : i32 to vector<16xi32>
      %eq3A_234 = arith.cmpi eq, %iota3A, %eq3A_233 : vector<16xi32>
      %jit3A_235 = arith.constant 0 : i32
      %broadcast_in_dim3A_236 = vector.broadcast %jit3A_235 : i32 to vector<16xi32>
      %select_n3A_237 = arith.select %eq3A_234, %sub3A_153, %broadcast_in_dim3A_236 : vector<16xi1>, vector<16xi32>
      %reduce_sum3A_238 = arith.constant true
      %reduce_sum3A_239 = vector.broadcast %reduce_sum3A_238 : i1 to vector<16xi1>
      %reduce_sum3A_240 = tpu.scan <sum>, %select_n3A_237 masked %reduce_sum3A_239 : vector<16xi32>, vector<16xi1> -> vector<16xi32>
      %reduce_sum3A_241 = vector.extract %reduce_sum3A_240[15] : i32 from vector<16xi32>
      %le3A_242 = vector.broadcast %reduce_sum3A_241 : i32 to vector<16xi32>
      %le3A_243 = arith.cmpi sle, %le3A_242, %mul3A_213 : vector<16xi32>
      %jit3A_244 = arith.constant 1 : i32
      %jit3A_245 = arith.constant 0 : i32
      %broadcast_in_dim3A_246 = vector.broadcast %jit3A_244 : i32 to vector<16xi32>
      %broadcast_in_dim3A_247 = vector.broadcast %jit3A_245 : i32 to vector<16xi32>
      %select_n3A_248 = arith.select %le3A_243, %broadcast_in_dim3A_246, %broadcast_in_dim3A_247 : vector<16xi1>, vector<16xi32>
      %add3A_249 = arith.addi %add3A_231, %select_n3A_248 : vector<16xi32>
      %eq3A_250 = arith.constant 2 : i32
      %eq3A_251 = vector.broadcast %eq3A_250 : i32 to vector<16xi32>
      %eq3A_252 = arith.cmpi eq, %iota3A, %eq3A_251 : vector<16xi32>
      %jit3A_253 = arith.constant 0 : i32
      %broadcast_in_dim3A_254 = vector.broadcast %jit3A_253 : i32 to vector<16xi32>
      %select_n3A_255 = arith.select %eq3A_252, %sub3A_153, %broadcast_in_dim3A_254 : vector<16xi1>, vector<16xi32>
      %reduce_sum3A_256 = arith.constant true
      %reduce_sum3A_257 = vector.broadcast %reduce_sum3A_256 : i1 to vector<16xi1>
      %reduce_sum3A_258 = tpu.scan <sum>, %select_n3A_255 masked %reduce_sum3A_257 : vector<16xi32>, vector<16xi1> -> vector<16xi32>
      %reduce_sum3A_259 = vector.extract %reduce_sum3A_258[15] : i32 from vector<16xi32>
      %le3A_260 = vector.broadcast %reduce_sum3A_259 : i32 to vector<16xi32>
      %le3A_261 = arith.cmpi sle, %le3A_260, %mul3A_213 : vector<16xi32>
      %jit3A_262 = arith.constant 1 : i32
      %jit3A_263 = arith.constant 0 : i32
      %broadcast_in_dim3A_264 = vector.broadcast %jit3A_262 : i32 to vector<16xi32>
      %broadcast_in_dim3A_265 = vector.broadcast %jit3A_263 : i32 to vector<16xi32>
      %select_n3A_266 = arith.select %le3A_261, %broadcast_in_dim3A_264, %broadcast_in_dim3A_265 : vector<16xi1>, vector<16xi32>
      %add3A_267 = arith.addi %add3A_249, %select_n3A_266 : vector<16xi32>
      %eq3A_268 = arith.constant 3 : i32
      %eq3A_269 = vector.broadcast %eq3A_268 : i32 to vector<16xi32>
      %eq3A_270 = arith.cmpi eq, %iota3A, %eq3A_269 : vector<16xi32>
      %jit3A_271 = arith.constant 0 : i32
      %broadcast_in_dim3A_272 = vector.broadcast %jit3A_271 : i32 to vector<16xi32>
      %select_n3A_273 = arith.select %eq3A_270, %sub3A_153, %broadcast_in_dim3A_272 : vector<16xi1>, vector<16xi32>
      %reduce_sum3A_274 = arith.constant true
      %reduce_sum3A_275 = vector.broadcast %reduce_sum3A_274 : i1 to vector<16xi1>
      %reduce_sum3A_276 = tpu.scan <sum>, %select_n3A_273 masked %reduce_sum3A_275 : vector<16xi32>, vector<16xi1> -> vector<16xi32>
      %reduce_sum3A_277 = vector.extract %reduce_sum3A_276[15] : i32 from vector<16xi32>
      %le3A_278 = vector.broadcast %reduce_sum3A_277 : i32 to vector<16xi32>
      %le3A_279 = arith.cmpi sle, %le3A_278, %mul3A_213 : vector<16xi32>
      %jit3A_280 = arith.constant 1 : i32
      %jit3A_281 = arith.constant 0 : i32
      %broadcast_in_dim3A_282 = vector.broadcast %jit3A_280 : i32 to vector<16xi32>
      %broadcast_in_dim3A_283 = vector.broadcast %jit3A_281 : i32 to vector<16xi32>
      %select_n3A_284 = arith.select %le3A_279, %broadcast_in_dim3A_282, %broadcast_in_dim3A_283 : vector<16xi1>, vector<16xi32>
      %add3A_285 = arith.addi %add3A_267, %select_n3A_284 : vector<16xi32>
      %eq3A_286 = arith.constant 4 : i32
      %eq3A_287 = vector.broadcast %eq3A_286 : i32 to vector<16xi32>
      %eq3A_288 = arith.cmpi eq, %iota3A, %eq3A_287 : vector<16xi32>
      %jit3A_289 = arith.constant 0 : i32
      %broadcast_in_dim3A_290 = vector.broadcast %jit3A_289 : i32 to vector<16xi32>
      %select_n3A_291 = arith.select %eq3A_288, %sub3A_153, %broadcast_in_dim3A_290 : vector<16xi1>, vector<16xi32>
      %reduce_sum3A_292 = arith.constant true
      %reduce_sum3A_293 = vector.broadcast %reduce_sum3A_292 : i1 to vector<16xi1>
      %reduce_sum3A_294 = tpu.scan <sum>, %select_n3A_291 masked %reduce_sum3A_293 : vector<16xi32>, vector<16xi1> -> vector<16xi32>
      %reduce_sum3A_295 = vector.extract %reduce_sum3A_294[15] : i32 from vector<16xi32>
      %le3A_296 = vector.broadcast %reduce_sum3A_295 : i32 to vector<16xi32>
      %le3A_297 = arith.cmpi sle, %le3A_296, %mul3A_213 : vector<16xi32>
      %jit3A_298 = arith.constant 1 : i32
      %jit3A_299 = arith.constant 0 : i32
      %broadcast_in_dim3A_300 = vector.broadcast %jit3A_298 : i32 to vector<16xi32>
      %broadcast_in_dim3A_301 = vector.broadcast %jit3A_299 : i32 to vector<16xi32>
      %select_n3A_302 = arith.select %le3A_297, %broadcast_in_dim3A_300, %broadcast_in_dim3A_301 : vector<16xi1>, vector<16xi32>
      %add3A_303 = arith.addi %add3A_285, %select_n3A_302 : vector<16xi32>
      %eq3A_304 = arith.constant 5 : i32
      %eq3A_305 = vector.broadcast %eq3A_304 : i32 to vector<16xi32>
      %eq3A_306 = arith.cmpi eq, %iota3A, %eq3A_305 : vector<16xi32>
      %jit3A_307 = arith.constant 0 : i32
      %broadcast_in_dim3A_308 = vector.broadcast %jit3A_307 : i32 to vector<16xi32>
      %select_n3A_309 = arith.select %eq3A_306, %sub3A_153, %broadcast_in_dim3A_308 : vector<16xi1>, vector<16xi32>
      %reduce_sum3A_310 = arith.constant true
      %reduce_sum3A_311 = vector.broadcast %reduce_sum3A_310 : i1 to vector<16xi1>
      %reduce_sum3A_312 = tpu.scan <sum>, %select_n3A_309 masked %reduce_sum3A_311 : vector<16xi32>, vector<16xi1> -> vector<16xi32>
      %reduce_sum3A_313 = vector.extract %reduce_sum3A_312[15] : i32 from vector<16xi32>
      %le3A_314 = vector.broadcast %reduce_sum3A_313 : i32 to vector<16xi32>
      %le3A_315 = arith.cmpi sle, %le3A_314, %mul3A_213 : vector<16xi32>
      %jit3A_316 = arith.constant 1 : i32
      %jit3A_317 = arith.constant 0 : i32
      %broadcast_in_dim3A_318 = vector.broadcast %jit3A_316 : i32 to vector<16xi32>
      %broadcast_in_dim3A_319 = vector.broadcast %jit3A_317 : i32 to vector<16xi32>
      %select_n3A_320 = arith.select %le3A_315, %broadcast_in_dim3A_318, %broadcast_in_dim3A_319 : vector<16xi1>, vector<16xi32>
      %add3A_321 = arith.addi %add3A_303, %select_n3A_320 : vector<16xi32>
      %eq3A_322 = arith.constant 6 : i32
      %eq3A_323 = vector.broadcast %eq3A_322 : i32 to vector<16xi32>
      %eq3A_324 = arith.cmpi eq, %iota3A, %eq3A_323 : vector<16xi32>
      %jit3A_325 = arith.constant 0 : i32
      %broadcast_in_dim3A_326 = vector.broadcast %jit3A_325 : i32 to vector<16xi32>
      %select_n3A_327 = arith.select %eq3A_324, %sub3A_153, %broadcast_in_dim3A_326 : vector<16xi1>, vector<16xi32>
      %reduce_sum3A_328 = arith.constant true
      %reduce_sum3A_329 = vector.broadcast %reduce_sum3A_328 : i1 to vector<16xi1>
      %reduce_sum3A_330 = tpu.scan <sum>, %select_n3A_327 masked %reduce_sum3A_329 : vector<16xi32>, vector<16xi1> -> vector<16xi32>
      %reduce_sum3A_331 = vector.extract %reduce_sum3A_330[15] : i32 from vector<16xi32>
      %le3A_332 = vector.broadcast %reduce_sum3A_331 : i32 to vector<16xi32>
      %le3A_333 = arith.cmpi sle, %le3A_332, %mul3A_213 : vector<16xi32>
      %jit3A_334 = arith.constant 1 : i32
      %jit3A_335 = arith.constant 0 : i32
      %broadcast_in_dim3A_336 = vector.broadcast %jit3A_334 : i32 to vector<16xi32>
      %broadcast_in_dim3A_337 = vector.broadcast %jit3A_335 : i32 to vector<16xi32>
      %select_n3A_338 = arith.select %le3A_333, %broadcast_in_dim3A_336, %broadcast_in_dim3A_337 : vector<16xi1>, vector<16xi32>
      %add3A_339 = arith.addi %add3A_321, %select_n3A_338 : vector<16xi32>
      %eq3A_340 = arith.constant 7 : i32
      %eq3A_341 = vector.broadcast %eq3A_340 : i32 to vector<16xi32>
      %eq3A_342 = arith.cmpi eq, %iota3A, %eq3A_341 : vector<16xi32>
      %jit3A_343 = arith.constant 0 : i32
      %broadcast_in_dim3A_344 = vector.broadcast %jit3A_343 : i32 to vector<16xi32>
      %select_n3A_345 = arith.select %eq3A_342, %sub3A_153, %broadcast_in_dim3A_344 : vector<16xi1>, vector<16xi32>
      %reduce_sum3A_346 = arith.constant true
      %reduce_sum3A_347 = vector.broadcast %reduce_sum3A_346 : i1 to vector<16xi1>
      %reduce_sum3A_348 = tpu.scan <sum>, %select_n3A_345 masked %reduce_sum3A_347 : vector<16xi32>, vector<16xi1> -> vector<16xi32>
      %reduce_sum3A_349 = vector.extract %reduce_sum3A_348[15] : i32 from vector<16xi32>
      %le3A_350 = vector.broadcast %reduce_sum3A_349 : i32 to vector<16xi32>
      %le3A_351 = arith.cmpi sle, %le3A_350, %mul3A_213 : vector<16xi32>
      %jit3A_352 = arith.constant 1 : i32
      %jit3A_353 = arith.constant 0 : i32
      %broadcast_in_dim3A_354 = vector.broadcast %jit3A_352 : i32 to vector<16xi32>
      %broadcast_in_dim3A_355 = vector.broadcast %jit3A_353 : i32 to vector<16xi32>
      %select_n3A_356 = arith.select %le3A_351, %broadcast_in_dim3A_354, %broadcast_in_dim3A_355 : vector<16xi1>, vector<16xi32>
      %add3A_357 = arith.addi %add3A_339, %select_n3A_356 : vector<16xi32>
      %swap3A_358 = arith.constant 0 : index
      %swap3A_359 = tpu.vector_load %arg16[%swap3A_358] {strides = array<i32>} : memref<48xi32, #tpu.memory_space<vmem>>, vector<16xi32>,
      tpu.vector_store %arg16[%swap3A_358], %add3A_357 {strides = array<i32>} : memref<48xi32, #tpu.memory_space<vmem>>, vector<16xi32>,
      %add3A_360 = arith.constant 16 : i32
      %add3A_361 = vector.broadcast %add3A_360 : i32 to vector<16xi32>
      %add3A_362 = arith.addi %iota3A, %add3A_361 : vector<16xi32>
      %mul3A_363 = arith.constant 128 : i32
      %mul3A_364 = vector.broadcast %mul3A_363 : i32 to vector<16xi32>
      %mul3A_365 = arith.muli %add3A_362, %mul3A_364 : vector<16xi32>
      %broadcast_in_dim3A_366 = arith.constant -1 : i32
      %broadcast_in_dim3A_367 = vector.broadcast %broadcast_in_dim3A_366 : i32 to vector<16xi32>
      %eq3A_368 = arith.constant 0 : i32
      %eq3A_369 = vector.broadcast %eq3A_368 : i32 to vector<16xi32>
      %eq3A_370 = arith.cmpi eq, %iota3A, %eq3A_369 : vector<16xi32>
      %jit3A_371 = arith.constant 0 : i32
      %broadcast_in_dim3A_372 = vector.broadcast %jit3A_371 : i32 to vector<16xi32>
      %select_n3A_373 = arith.select %eq3A_370, %sub3A_153, %broadcast_in_dim3A_372 : vector<16xi1>, vector<16xi32>
      %reduce_sum3A_374 = arith.constant true
      %reduce_sum3A_375 = vector.broadcast %reduce_sum3A_374 : i1 to vector<16xi1>
      %reduce_sum3A_376 = tpu.scan <sum>, %select_n3A_373 masked %reduce_sum3A_375 : vector<16xi32>, vector<16xi1> -> vector<16xi32>
      %reduce_sum3A_377 = vector.extract %reduce_sum3A_376[15] : i32 from vector<16xi32>
      %le3A_378 = vector.broadcast %reduce_sum3A_377 : i32 to vector<16xi32>
      %le3A_379 = arith.cmpi sle, %le3A_378, %mul3A_365 : vector<16xi32>
      %jit3A_380 = arith.constant 1 : i32
      %jit3A_381 = arith.constant 0 : i32
      %broadcast_in_dim3A_382 = vector.broadcast %jit3A_380 : i32 to vector<16xi32>
      %broadcast_in_dim3A_383 = vector.broadcast %jit3A_381 : i32 to vector<16xi32>
      %select_n3A_384 = arith.select %le3A_379, %broadcast_in_dim3A_382, %broadcast_in_dim3A_383 : vector<16xi1>, vector<16xi32>
      %add3A_385 = arith.addi %broadcast_in_dim3A_367, %select_n3A_384 : vector<16xi32>
      %eq3A_386 = arith.constant 1 : i32
      %eq3A_387 = vector.broadcast %eq3A_386 : i32 to vector<16xi32>
      %eq3A_388 = arith.cmpi eq, %iota3A, %eq3A_387 : vector<16xi32>
      %jit3A_389 = arith.constant 0 : i32
      %broadcast_in_dim3A_390 = vector.broadcast %jit3A_389 : i32 to vector<16xi32>
      %select_n3A_391 = arith.select %eq3A_388, %sub3A_153, %broadcast_in_dim3A_390 : vector<16xi1>, vector<16xi32>
      %reduce_sum3A_392 = arith.constant true
      %reduce_sum3A_393 = vector.broadcast %reduce_sum3A_392 : i1 to vector<16xi1>
      %reduce_sum3A_394 = tpu.scan <sum>, %select_n3A_391 masked %reduce_sum3A_393 : vector<16xi32>, vector<16xi1> -> vector<16xi32>
      %reduce_sum3A_395 = vector.extract %reduce_sum3A_394[15] : i32 from vector<16xi32>
      %le3A_396 = vector.broadcast %reduce_sum3A_395 : i32 to vector<16xi32>
      %le3A_397 = arith.cmpi sle, %le3A_396, %mul3A_365 : vector<16xi32>
      %jit3A_398 = arith.constant 1 : i32
      %jit3A_399 = arith.constant 0 : i32
      %broadcast_in_dim3A_400 = vector.broadcast %jit3A_398 : i32 to vector<16xi32>
      %broadcast_in_dim3A_401 = vector.broadcast %jit3A_399 : i32 to vector<16xi32>
      %select_n3A_402 = arith.select %le3A_397, %broadcast_in_dim3A_400, %broadcast_in_dim3A_401 : vector<16xi1>, vector<16xi32>
      %add3A_403 = arith.addi %add3A_385, %select_n3A_402 : vector<16xi32>
      %eq3A_404 = arith.constant 2 : i32
      %eq3A_405 = vector.broadcast %eq3A_404 : i32 to vector<16xi32>
      %eq3A_406 = arith.cmpi eq, %iota3A, %eq3A_405 : vector<16xi32>
      %jit3A_407 = arith.constant 0 : i32
      %broadcast_in_dim3A_408 = vector.broadcast %jit3A_407 : i32 to vector<16xi32>
      %select_n3A_409 = arith.select %eq3A_406, %sub3A_153, %broadcast_in_dim3A_408 : vector<16xi1>, vector<16xi32>
      %reduce_sum3A_410 = arith.constant true
      %reduce_sum3A_411 = vector.broadcast %reduce_sum3A_410 : i1 to vector<16xi1>
      %reduce_sum3A_412 = tpu.scan <sum>, %select_n3A_409 masked %reduce_sum3A_411 : vector<16xi32>, vector<16xi1> -> vector<16xi32>
      %reduce_sum3A_413 = vector.extract %reduce_sum3A_412[15] : i32 from vector<16xi32>
      %le3A_414 = vector.broadcast %reduce_sum3A_413 : i32 to vector<16xi32>
      %le3A_415 = arith.cmpi sle, %le3A_414, %mul3A_365 : vector<16xi32>
      %jit3A_416 = arith.constant 1 : i32
      %jit3A_417 = arith.constant 0 : i32
      %broadcast_in_dim3A_418 = vector.broadcast %jit3A_416 : i32 to vector<16xi32>
      %broadcast_in_dim3A_419 = vector.broadcast %jit3A_417 : i32 to vector<16xi32>
      %select_n3A_420 = arith.select %le3A_415, %broadcast_in_dim3A_418, %broadcast_in_dim3A_419 : vector<16xi1>, vector<16xi32>
      %add3A_421 = arith.addi %add3A_403, %select_n3A_420 : vector<16xi32>
      %eq3A_422 = arith.constant 3 : i32
      %eq3A_423 = vector.broadcast %eq3A_422 : i32 to vector<16xi32>
      %eq3A_424 = arith.cmpi eq, %iota3A, %eq3A_423 : vector<16xi32>
      %jit3A_425 = arith.constant 0 : i32
      %broadcast_in_dim3A_426 = vector.broadcast %jit3A_425 : i32 to vector<16xi32>
      %select_n3A_427 = arith.select %eq3A_424, %sub3A_153, %broadcast_in_dim3A_426 : vector<16xi1>, vector<16xi32>
      %reduce_sum3A_428 = arith.constant true
      %reduce_sum3A_429 = vector.broadcast %reduce_sum3A_428 : i1 to vector<16xi1>
      %reduce_sum3A_430 = tpu.scan <sum>, %select_n3A_427 masked %reduce_sum3A_429 : vector<16xi32>, vector<16xi1> -> vector<16xi32>
      %reduce_sum3A_431 = vector.extract %reduce_sum3A_430[15] : i32 from vector<16xi32>
      %le3A_432 = vector.broadcast %reduce_sum3A_431 : i32 to vector<16xi32>
      %le3A_433 = arith.cmpi sle, %le3A_432, %mul3A_365 : vector<16xi32>
      %jit3A_434 = arith.constant 1 : i32
      %jit3A_435 = arith.constant 0 : i32
      %broadcast_in_dim3A_436 = vector.broadcast %jit3A_434 : i32 to vector<16xi32>
      %broadcast_in_dim3A_437 = vector.broadcast %jit3A_435 : i32 to vector<16xi32>
      %select_n3A_438 = arith.select %le3A_433, %broadcast_in_dim3A_436, %broadcast_in_dim3A_437 : vector<16xi1>, vector<16xi32>
      %add3A_439 = arith.addi %add3A_421, %select_n3A_438 : vector<16xi32>
      %eq3A_440 = arith.constant 4 : i32
      %eq3A_441 = vector.broadcast %eq3A_440 : i32 to vector<16xi32>
      %eq3A_442 = arith.cmpi eq, %iota3A, %eq3A_441 : vector<16xi32>
      %jit3A_443 = arith.constant 0 : i32
      %broadcast_in_dim3A_444 = vector.broadcast %jit3A_443 : i32 to vector<16xi32>
      %select_n3A_445 = arith.select %eq3A_442, %sub3A_153, %broadcast_in_dim3A_444 : vector<16xi1>, vector<16xi32>
      %reduce_sum3A_446 = arith.constant true
      %reduce_sum3A_447 = vector.broadcast %reduce_sum3A_446 : i1 to vector<16xi1>
      %reduce_sum3A_448 = tpu.scan <sum>, %select_n3A_445 masked %reduce_sum3A_447 : vector<16xi32>, vector<16xi1> -> vector<16xi32>
      %reduce_sum3A_449 = vector.extract %reduce_sum3A_448[15] : i32 from vector<16xi32>
      %le3A_450 = vector.broadcast %reduce_sum3A_449 : i32 to vector<16xi32>
      %le3A_451 = arith.cmpi sle, %le3A_450, %mul3A_365 : vector<16xi32>
      %jit3A_452 = arith.constant 1 : i32
      %jit3A_453 = arith.constant 0 : i32
      %broadcast_in_dim3A_454 = vector.broadcast %jit3A_452 : i32 to vector<16xi32>
      %broadcast_in_dim3A_455 = vector.broadcast %jit3A_453 : i32 to vector<16xi32>
      %select_n3A_456 = arith.select %le3A_451, %broadcast_in_dim3A_454, %broadcast_in_dim3A_455 : vector<16xi1>, vector<16xi32>
      %add3A_457 = arith.addi %add3A_439, %select_n3A_456 : vector<16xi32>
      %eq3A_458 = arith.constant 5 : i32
      %eq3A_459 = vector.broadcast %eq3A_458 : i32 to vector<16xi32>
      %eq3A_460 = arith.cmpi eq, %iota3A, %eq3A_459 : vector<16xi32>
      %jit3A_461 = arith.constant 0 : i32
      %broadcast_in_dim3A_462 = vector.broadcast %jit3A_461 : i32 to vector<16xi32>
      %select_n3A_463 = arith.select %eq3A_460, %sub3A_153, %broadcast_in_dim3A_462 : vector<16xi1>, vector<16xi32>
      %reduce_sum3A_464 = arith.constant true
      %reduce_sum3A_465 = vector.broadcast %reduce_sum3A_464 : i1 to vector<16xi1>
      %reduce_sum3A_466 = tpu.scan <sum>, %select_n3A_463 masked %reduce_sum3A_465 : vector<16xi32>, vector<16xi1> -> vector<16xi32>
      %reduce_sum3A_467 = vector.extract %reduce_sum3A_466[15] : i32 from vector<16xi32>
      %le3A_468 = vector.broadcast %reduce_sum3A_467 : i32 to vector<16xi32>
      %le3A_469 = arith.cmpi sle, %le3A_468, %mul3A_365 : vector<16xi32>
      %jit3A_470 = arith.constant 1 : i32
      %jit3A_471 = arith.constant 0 : i32
      %broadcast_in_dim3A_472 = vector.broadcast %jit3A_470 : i32 to vector<16xi32>
      %broadcast_in_dim3A_473 = vector.broadcast %jit3A_471 : i32 to vector<16xi32>
      %select_n3A_474 = arith.select %le3A_469, %broadcast_in_dim3A_472, %broadcast_in_dim3A_473 : vector<16xi1>, vector<16xi32>
      %add3A_475 = arith.addi %add3A_457, %select_n3A_474 : vector<16xi32>
      %eq3A_476 = arith.constant 6 : i32
      %eq3A_477 = vector.broadcast %eq3A_476 : i32 to vector<16xi32>
      %eq3A_478 = arith.cmpi eq, %iota3A, %eq3A_477 : vector<16xi32>
      %jit3A_479 = arith.constant 0 : i32
      %broadcast_in_dim3A_480 = vector.broadcast %jit3A_479 : i32 to vector<16xi32>
      %select_n3A_481 = arith.select %eq3A_478, %sub3A_153, %broadcast_in_dim3A_480 : vector<16xi1>, vector<16xi32>
      %reduce_sum3A_482 = arith.constant true
      %reduce_sum3A_483 = vector.broadcast %reduce_sum3A_482 : i1 to vector<16xi1>
      %reduce_sum3A_484 = tpu.scan <sum>, %select_n3A_481 masked %reduce_sum3A_483 : vector<16xi32>, vector<16xi1> -> vector<16xi32>
      %reduce_sum3A_485 = vector.extract %reduce_sum3A_484[15] : i32 from vector<16xi32>
      %le3A_486 = vector.broadcast %reduce_sum3A_485 : i32 to vector<16xi32>
      %le3A_487 = arith.cmpi sle, %le3A_486, %mul3A_365 : vector<16xi32>
      %jit3A_488 = arith.constant 1 : i32
      %jit3A_489 = arith.constant 0 : i32
      %broadcast_in_dim3A_490 = vector.broadcast %jit3A_488 : i32 to vector<16xi32>
      %broadcast_in_dim3A_491 = vector.broadcast %jit3A_489 : i32 to vector<16xi32>
      %select_n3A_492 = arith.select %le3A_487, %broadcast_in_dim3A_490, %broadcast_in_dim3A_491 : vector<16xi1>, vector<16xi32>
      %add3A_493 = arith.addi %add3A_475, %select_n3A_492 : vector<16xi32>
      %eq3A_494 = arith.constant 7 : i32
      %eq3A_495 = vector.broadcast %eq3A_494 : i32 to vector<16xi32>
      %eq3A_496 = arith.cmpi eq, %iota3A, %eq3A_495 : vector<16xi32>
      %jit3A_497 = arith.constant 0 : i32
      %broadcast_in_dim3A_498 = vector.broadcast %jit3A_497 : i32 to vector<16xi32>
      %select_n3A_499 = arith.select %eq3A_496, %sub3A_153, %broadcast_in_dim3A_498 : vector<16xi1>, vector<16xi32>
      %reduce_sum3A_500 = arith.constant true
      %reduce_sum3A_501 = vector.broadcast %reduce_sum3A_500 : i1 to vector<16xi1>
      %reduce_sum3A_502 = tpu.scan <sum>, %select_n3A_499 masked %reduce_sum3A_501 : vector<16xi32>, vector<16xi1> -> vector<16xi32>
      %reduce_sum3A_503 = vector.extract %reduce_sum3A_502[15] : i32 from vector<16xi32>
      %le3A_504 = vector.broadcast %reduce_sum3A_503 : i32 to vector<16xi32>
      %le3A_505 = arith.cmpi sle, %le3A_504, %mul3A_365 : vector<16xi32>
      %jit3A_506 = arith.constant 1 : i32
      %jit3A_507 = arith.constant 0 : i32
      %broadcast_in_dim3A_508 = vector.broadcast %jit3A_506 : i32 to vector<16xi32>
      %broadcast_in_dim3A_509 = vector.broadcast %jit3A_507 : i32 to vector<16xi32>
      %select_n3A_510 = arith.select %le3A_505, %broadcast_in_dim3A_508, %broadcast_in_dim3A_509 : vector<16xi1>, vector<16xi32>
      %add3A_511 = arith.addi %add3A_493, %select_n3A_510 : vector<16xi32>
      %swap3A_512 = arith.constant 16 : index
      %swap3A_513 = tpu.vector_load %arg16[%swap3A_512] {strides = array<i32>} : memref<48xi32, #tpu.memory_space<vmem>>, vector<16xi32>,
      tpu.vector_store %arg16[%swap3A_512], %add3A_511 {strides = array<i32>} : memref<48xi32, #tpu.memory_space<vmem>>, vector<16xi32>,
      %add3A_514 = arith.constant 32 : i32
      %add3A_515 = vector.broadcast %add3A_514 : i32 to vector<16xi32>
      %add3A_516 = arith.addi %iota3A, %add3A_515 : vector<16xi32>
      %mul3A_517 = arith.constant 128 : i32
      %mul3A_518 = vector.broadcast %mul3A_517 : i32 to vector<16xi32>
      %mul3A_519 = arith.muli %add3A_516, %mul3A_518 : vector<16xi32>
      %broadcast_in_dim3A_520 = arith.constant -1 : i32
      %broadcast_in_dim3A_521 = vector.broadcast %broadcast_in_dim3A_520 : i32 to vector<16xi32>
      %eq3A_522 = arith.constant 0 : i32
      %eq3A_523 = vector.broadcast %eq3A_522 : i32 to vector<16xi32>
      %eq3A_524 = arith.cmpi eq, %iota3A, %eq3A_523 : vector<16xi32>
      %jit3A_525 = arith.constant 0 : i32
      %broadcast_in_dim3A_526 = vector.broadcast %jit3A_525 : i32 to vector<16xi32>
      %select_n3A_527 = arith.select %eq3A_524, %sub3A_153, %broadcast_in_dim3A_526 : vector<16xi1>, vector<16xi32>
      %reduce_sum3A_528 = arith.constant true
      %reduce_sum3A_529 = vector.broadcast %reduce_sum3A_528 : i1 to vector<16xi1>
      %reduce_sum3A_530 = tpu.scan <sum>, %select_n3A_527 masked %reduce_sum3A_529 : vector<16xi32>, vector<16xi1> -> vector<16xi32>
      %reduce_sum3A_531 = vector.extract %reduce_sum3A_530[15] : i32 from vector<16xi32>
      %le3A_532 = vector.broadcast %reduce_sum3A_531 : i32 to vector<16xi32>
      %le3A_533 = arith.cmpi sle, %le3A_532, %mul3A_519 : vector<16xi32>
      %jit3A_534 = arith.constant 1 : i32
      %jit3A_535 = arith.constant 0 : i32
      %broadcast_in_dim3A_536 = vector.broadcast %jit3A_534 : i32 to vector<16xi32>
      %broadcast_in_dim3A_537 = vector.broadcast %jit3A_535 : i32 to vector<16xi32>
      %select_n3A_538 = arith.select %le3A_533, %broadcast_in_dim3A_536, %broadcast_in_dim3A_537 : vector<16xi1>, vector<16xi32>
      %add3A_539 = arith.addi %broadcast_in_dim3A_521, %select_n3A_538 : vector<16xi32>
      %eq3A_540 = arith.constant 1 : i32
      %eq3A_541 = vector.broadcast %eq3A_540 : i32 to vector<16xi32>
      %eq3A_542 = arith.cmpi eq, %iota3A, %eq3A_541 : vector<16xi32>
      %jit3A_543 = arith.constant 0 : i32
      %broadcast_in_dim3A_544 = vector.broadcast %jit3A_543 : i32 to vector<16xi32>
      %select_n3A_545 = arith.select %eq3A_542, %sub3A_153, %broadcast_in_dim3A_544 : vector<16xi1>, vector<16xi32>
      %reduce_sum3A_546 = arith.constant true
      %reduce_sum3A_547 = vector.broadcast %reduce_sum3A_546 : i1 to vector<16xi1>
      %reduce_sum3A_548 = tpu.scan <sum>, %select_n3A_545 masked %reduce_sum3A_547 : vector<16xi32>, vector<16xi1> -> vector<16xi32>
      %reduce_sum3A_549 = vector.extract %reduce_sum3A_548[15] : i32 from vector<16xi32>
      %le3A_550 = vector.broadcast %reduce_sum3A_549 : i32 to vector<16xi32>
      %le3A_551 = arith.cmpi sle, %le3A_550, %mul3A_519 : vector<16xi32>
      %jit3A_552 = arith.constant 1 : i32
      %jit3A_553 = arith.constant 0 : i32
      %broadcast_in_dim3A_554 = vector.broadcast %jit3A_552 : i32 to vector<16xi32>
      %broadcast_in_dim3A_555 = vector.broadcast %jit3A_553 : i32 to vector<16xi32>
      %select_n3A_556 = arith.select %le3A_551, %broadcast_in_dim3A_554, %broadcast_in_dim3A_555 : vector<16xi1>, vector<16xi32>
      %add3A_557 = arith.addi %add3A_539, %select_n3A_556 : vector<16xi32>
      %eq3A_558 = arith.constant 2 : i32
      %eq3A_559 = vector.broadcast %eq3A_558 : i32 to vector<16xi32>
      %eq3A_560 = arith.cmpi eq, %iota3A, %eq3A_559 : vector<16xi32>
      %jit3A_561 = arith.constant 0 : i32
      %broadcast_in_dim3A_562 = vector.broadcast %jit3A_561 : i32 to vector<16xi32>
      %select_n3A_563 = arith.select %eq3A_560, %sub3A_153, %broadcast_in_dim3A_562 : vector<16xi1>, vector<16xi32>
      %reduce_sum3A_564 = arith.constant true
      %reduce_sum3A_565 = vector.broadcast %reduce_sum3A_564 : i1 to vector<16xi1>
      %reduce_sum3A_566 = tpu.scan <sum>, %select_n3A_563 masked %reduce_sum3A_565 : vector<16xi32>, vector<16xi1> -> vector<16xi32>
      %reduce_sum3A_567 = vector.extract %reduce_sum3A_566[15] : i32 from vector<16xi32>
      %le3A_568 = vector.broadcast %reduce_sum3A_567 : i32 to vector<16xi32>
      %le3A_569 = arith.cmpi sle, %le3A_568, %mul3A_519 : vector<16xi32>
      %jit3A_570 = arith.constant 1 : i32
      %jit3A_571 = arith.constant 0 : i32
      %broadcast_in_dim3A_572 = vector.broadcast %jit3A_570 : i32 to vector<16xi32>
      %broadcast_in_dim3A_573 = vector.broadcast %jit3A_571 : i32 to vector<16xi32>
      %select_n3A_574 = arith.select %le3A_569, %broadcast_in_dim3A_572, %broadcast_in_dim3A_573 : vector<16xi1>, vector<16xi32>
      %add3A_575 = arith.addi %add3A_557, %select_n3A_574 : vector<16xi32>
      %eq3A_576 = arith.constant 3 : i32
      %eq3A_577 = vector.broadcast %eq3A_576 : i32 to vector<16xi32>
      %eq3A_578 = arith.cmpi eq, %iota3A, %eq3A_577 : vector<16xi32>
      %jit3A_579 = arith.constant 0 : i32
      %broadcast_in_dim3A_580 = vector.broadcast %jit3A_579 : i32 to vector<16xi32>
      %select_n3A_581 = arith.select %eq3A_578, %sub3A_153, %broadcast_in_dim3A_580 : vector<16xi1>, vector<16xi32>
      %reduce_sum3A_582 = arith.constant true
      %reduce_sum3A_583 = vector.broadcast %reduce_sum3A_582 : i1 to vector<16xi1>
      %reduce_sum3A_584 = tpu.scan <sum>, %select_n3A_581 masked %reduce_sum3A_583 : vector<16xi32>, vector<16xi1> -> vector<16xi32>
      %reduce_sum3A_585 = vector.extract %reduce_sum3A_584[15] : i32 from vector<16xi32>
      %le3A_586 = vector.broadcast %reduce_sum3A_585 : i32 to vector<16xi32>
      %le3A_587 = arith.cmpi sle, %le3A_586, %mul3A_519 : vector<16xi32>
      %jit3A_588 = arith.constant 1 : i32
      %jit3A_589 = arith.constant 0 : i32
      %broadcast_in_dim3A_590 = vector.broadcast %jit3A_588 : i32 to vector<16xi32>
      %broadcast_in_dim3A_591 = vector.broadcast %jit3A_589 : i32 to vector<16xi32>
      %select_n3A_592 = arith.select %le3A_587, %broadcast_in_dim3A_590, %broadcast_in_dim3A_591 : vector<16xi1>, vector<16xi32>
      %add3A_593 = arith.addi %add3A_575, %select_n3A_592 : vector<16xi32>
      %eq3A_594 = arith.constant 4 : i32
      %eq3A_595 = vector.broadcast %eq3A_594 : i32 to vector<16xi32>
      %eq3A_596 = arith.cmpi eq, %iota3A, %eq3A_595 : vector<16xi32>
      %jit3A_597 = arith.constant 0 : i32
      %broadcast_in_dim3A_598 = vector.broadcast %jit3A_597 : i32 to vector<16xi32>
      %select_n3A_599 = arith.select %eq3A_596, %sub3A_153, %broadcast_in_dim3A_598 : vector<16xi1>, vector<16xi32>
      %reduce_sum3A_600 = arith.constant true
      %reduce_sum3A_601 = vector.broadcast %reduce_sum3A_600 : i1 to vector<16xi1>
      %reduce_sum3A_602 = tpu.scan <sum>, %select_n3A_599 masked %reduce_sum3A_601 : vector<16xi32>, vector<16xi1> -> vector<16xi32>
      %reduce_sum3A_603 = vector.extract %reduce_sum3A_602[15] : i32 from vector<16xi32>
      %le3A_604 = vector.broadcast %reduce_sum3A_603 : i32 to vector<16xi32>
      %le3A_605 = arith.cmpi sle, %le3A_604, %mul3A_519 : vector<16xi32>
      %jit3A_606 = arith.constant 1 : i32
      %jit3A_607 = arith.constant 0 : i32
      %broadcast_in_dim3A_608 = vector.broadcast %jit3A_606 : i32 to vector<16xi32>
      %broadcast_in_dim3A_609 = vector.broadcast %jit3A_607 : i32 to vector<16xi32>
      %select_n3A_610 = arith.select %le3A_605, %broadcast_in_dim3A_608, %broadcast_in_dim3A_609 : vector<16xi1>, vector<16xi32>
      %add3A_611 = arith.addi %add3A_593, %select_n3A_610 : vector<16xi32>
      %eq3A_612 = arith.constant 5 : i32
      %eq3A_613 = vector.broadcast %eq3A_612 : i32 to vector<16xi32>
      %eq3A_614 = arith.cmpi eq, %iota3A, %eq3A_613 : vector<16xi32>
      %jit3A_615 = arith.constant 0 : i32
      %broadcast_in_dim3A_616 = vector.broadcast %jit3A_615 : i32 to vector<16xi32>
      %select_n3A_617 = arith.select %eq3A_614, %sub3A_153, %broadcast_in_dim3A_616 : vector<16xi1>, vector<16xi32>
      %reduce_sum3A_618 = arith.constant true
      %reduce_sum3A_619 = vector.broadcast %reduce_sum3A_618 : i1 to vector<16xi1>
      %reduce_sum3A_620 = tpu.scan <sum>, %select_n3A_617 masked %reduce_sum3A_619 : vector<16xi32>, vector<16xi1> -> vector<16xi32>
      %reduce_sum3A_621 = vector.extract %reduce_sum3A_620[15] : i32 from vector<16xi32>
      %le3A_622 = vector.broadcast %reduce_sum3A_621 : i32 to vector<16xi32>
      %le3A_623 = arith.cmpi sle, %le3A_622, %mul3A_519 : vector<16xi32>
      %jit3A_624 = arith.constant 1 : i32
      %jit3A_625 = arith.constant 0 : i32
      %broadcast_in_dim3A_626 = vector.broadcast %jit3A_624 : i32 to vector<16xi32>
      %broadcast_in_dim3A_627 = vector.broadcast %jit3A_625 : i32 to vector<16xi32>
      %select_n3A_628 = arith.select %le3A_623, %broadcast_in_dim3A_626, %broadcast_in_dim3A_627 : vector<16xi1>, vector<16xi32>
      %add3A_629 = arith.addi %add3A_611, %select_n3A_628 : vector<16xi32>
      %eq3A_630 = arith.constant 6 : i32
      %eq3A_631 = vector.broadcast %eq3A_630 : i32 to vector<16xi32>
      %eq3A_632 = arith.cmpi eq, %iota3A, %eq3A_631 : vector<16xi32>
      %jit3A_633 = arith.constant 0 : i32
      %broadcast_in_dim3A_634 = vector.broadcast %jit3A_633 : i32 to vector<16xi32>
      %select_n3A_635 = arith.select %eq3A_632, %sub3A_153, %broadcast_in_dim3A_634 : vector<16xi1>, vector<16xi32>
      %reduce_sum3A_636 = arith.constant true
      %reduce_sum3A_637 = vector.broadcast %reduce_sum3A_636 : i1 to vector<16xi1>
      %reduce_sum3A_638 = tpu.scan <sum>, %select_n3A_635 masked %reduce_sum3A_637 : vector<16xi32>, vector<16xi1> -> vector<16xi32>
      %reduce_sum3A_639 = vector.extract %reduce_sum3A_638[15] : i32 from vector<16xi32>
      %le3A_640 = vector.broadcast %reduce_sum3A_639 : i32 to vector<16xi32>
      %le3A_641 = arith.cmpi sle, %le3A_640, %mul3A_519 : vector<16xi32>
      %jit3A_642 = arith.constant 1 : i32
      %jit3A_643 = arith.constant 0 : i32
      %broadcast_in_dim3A_644 = vector.broadcast %jit3A_642 : i32 to vector<16xi32>
      %broadcast_in_dim3A_645 = vector.broadcast %jit3A_643 : i32 to vector<16xi32>
      %select_n3A_646 = arith.select %le3A_641, %broadcast_in_dim3A_644, %broadcast_in_dim3A_645 : vector<16xi1>, vector<16xi32>
      %add3A_647 = arith.addi %add3A_629, %select_n3A_646 : vector<16xi32>
      %eq3A_648 = arith.constant 7 : i32
      %eq3A_649 = vector.broadcast %eq3A_648 : i32 to vector<16xi32>
      %eq3A_650 = arith.cmpi eq, %iota3A, %eq3A_649 : vector<16xi32>
      %jit3A_651 = arith.constant 0 : i32
      %broadcast_in_dim3A_652 = vector.broadcast %jit3A_651 : i32 to vector<16xi32>
      %select_n3A_653 = arith.select %eq3A_650, %sub3A_153, %broadcast_in_dim3A_652 : vector<16xi1>, vector<16xi32>
      %reduce_sum3A_654 = arith.constant true
      %reduce_sum3A_655 = vector.broadcast %reduce_sum3A_654 : i1 to vector<16xi1>
      %reduce_sum3A_656 = tpu.scan <sum>, %select_n3A_653 masked %reduce_sum3A_655 : vector<16xi32>, vector<16xi1> -> vector<16xi32>
      %reduce_sum3A_657 = vector.extract %reduce_sum3A_656[15] : i32 from vector<16xi32>
      %le3A_658 = vector.broadcast %reduce_sum3A_657 : i32 to vector<16xi32>
      %le3A_659 = arith.cmpi sle, %le3A_658, %mul3A_519 : vector<16xi32>
      %jit3A_660 = arith.constant 1 : i32
      %jit3A_661 = arith.constant 0 : i32
      %broadcast_in_dim3A_662 = vector.broadcast %jit3A_660 : i32 to vector<16xi32>
      %broadcast_in_dim3A_663 = vector.broadcast %jit3A_661 : i32 to vector<16xi32>
      %select_n3A_664 = arith.select %le3A_659, %broadcast_in_dim3A_662, %broadcast_in_dim3A_663 : vector<16xi1>, vector<16xi32>
      %add3A_665 = arith.addi %add3A_647, %select_n3A_664 : vector<16xi32>
      %swap3A_666 = arith.constant 32 : index
      %swap3A_667 = tpu.vector_load %arg16[%swap3A_666] {strides = array<i32>} : memref<48xi32, #tpu.memory_space<vmem>>, vector<16xi32>,
      tpu.vector_store %arg16[%swap3A_666], %add3A_665 {strides = array<i32>} : memref<48xi32, #tpu.memory_space<vmem>>, vector<16xi32>,
      "tpu.region"() ({
        %run_scoped3A = tpu.sem_alloc : memref<!tpu.dma_semaphore, #tpu.memory_space<semaphore_mem>>
        tpu.enqueue_dma source(%arg16 : memref<48xi32, #tpu.memory_space<vmem>>) target(%arg8 : memref<48xi32, #tpu.memory_space<hbm>>) target_semaphore(%run_scoped3A : memref<!tpu.dma_semaphore, #tpu.memory_space<semaphore_mem>>)
        tpu.wait_dma2 semaphore(%run_scoped3A : memref<!tpu.dma_semaphore, #tpu.memory_space<semaphore_mem>>) src(%arg16 : memref<48xi32, #tpu.memory_space<vmem>>) dst(%arg8 : memref<48xi32, #tpu.memory_space<hbm>>)
        tpu.yield
      }) : () -> ()
    } else {
    }
    return
  }
}

#map = affine_map<(d0, d1) -> (0)>
#map1 = affine_map<(d0, d1) -> (0, 0)>
module attributes {stable_mosaic.version = 14 : i64} {
  func.func @_sc_combgather_body(%arg0: i32, %arg1: i32, %arg2: memref<4096xi32, #tpu.memory_space<hbm>>, %arg3: memref<5120x1024xf32, #tpu.memory_space<hbm>>, %arg4: memref<4096x1024xf32, #tpu.memory_space<hbm>>, %arg5: memref<4x32xi32, #tpu.memory_space<vmem>>, %arg6: memref<32x1024xf32, #tpu.memory_space<vmem>>, %arg7: memref<32x1024xf32, #tpu.memory_space<vmem>>, %arg8: memref<!tpu.dma_semaphore, #tpu.memory_space<semaphore_mem>>, %arg9: memref<!tpu.dma_semaphore, #tpu.memory_space<semaphore_mem>>) attributes {dimension_semantics = [#tpu.dimension_semantics<core_parallel>, #tpu.dimension_semantics<subcore_parallel>], iteration_bounds = array<i64: 2, 16>, scalar_prefetch = 0 : i64, scratch_operands = 5 : i64, tpu.core_type = #tpu.core_type<sc_vector_subcore>, window_params = [{transform_indices = #map}, {transform_indices = #map1}, {transform_indices = #map1}]} {
    %mul3A = arith.constant 2 : i32
    %mul3A_0 = arith.muli %arg1, %mul3A : i32
    %add3A = arith.addi %mul3A_0, %arg0 : i32
    %mul3A_1 = arith.constant 128 : i32
    %mul3A_2 = arith.muli %add3A, %mul3A_1 : i32
    %add3A_3 = arith.constant 0 : i32
    %add3A_4 = arith.addi %mul3A_2, %add3A_3 : i32
    %run_scoped3A = arith.constant 0 : i32
    "tpu.region"() ({
      %run_scoped3A_76 = tpu.sem_alloc : memref<!tpu.dma_semaphore, #tpu.memory_space<semaphore_mem>>
      %dma_start3A_77 = arith.constant 0 : i32
      %dma_start3A_78 = tpu.memref_slice %arg5[%run_scoped3A, %dma_start3A_77] : memref<4x32xi32, #tpu.memory_space<vmem>> -> memref<1x32xi32, #tpu.memory_space<vmem>>
      %dma_start3A_79 = tpu.memref_squeeze %dma_start3A_78 : memref<1x32xi32, #tpu.memory_space<vmem>> -> memref<32xi32, #tpu.memory_space<vmem>>
      %dma_start3A_80 = tpu.memref_slice %arg2[%add3A_4] : memref<4096xi32, #tpu.memory_space<hbm>> -> memref<32xi32, #tpu.memory_space<hbm>>
      %dma_start3A_81 = arith.constant 0 : i32
      %dma_start3A_82 = tpu.memref_slice %arg5[%run_scoped3A, %dma_start3A_81] : memref<4x32xi32, #tpu.memory_space<vmem>> -> memref<1x32xi32, #tpu.memory_space<vmem>>
      %dma_start3A_83 = tpu.memref_squeeze %dma_start3A_82 : memref<1x32xi32, #tpu.memory_space<vmem>> -> memref<32xi32, #tpu.memory_space<vmem>>
      %dma_start3A_84 = tpu.memref_slice %arg2[%add3A_4] : memref<4096xi32, #tpu.memory_space<hbm>> -> memref<32xi32, #tpu.memory_space<hbm>>
      tpu.enqueue_dma source(%dma_start3A_84 : memref<32xi32, #tpu.memory_space<hbm>>) target(%dma_start3A_83 : memref<32xi32, #tpu.memory_space<vmem>>) target_semaphore(%run_scoped3A_76 : memref<!tpu.dma_semaphore, #tpu.memory_space<semaphore_mem>>)
      %dma_wait3A_85 = arith.constant 0 : i32
      %dma_wait3A_86 = tpu.memref_slice %arg5[%run_scoped3A, %dma_wait3A_85] : memref<4x32xi32, #tpu.memory_space<vmem>> -> memref<1x32xi32, #tpu.memory_space<vmem>>
      %dma_wait3A_87 = tpu.memref_squeeze %dma_wait3A_86 : memref<1x32xi32, #tpu.memory_space<vmem>> -> memref<32xi32, #tpu.memory_space<vmem>>
      %dma_wait3A_88 = tpu.memref_slice %arg2[%add3A_4] : memref<4096xi32, #tpu.memory_space<hbm>> -> memref<32xi32, #tpu.memory_space<hbm>>
      %dma_wait3A_89 = arith.constant 0 : i32
      %dma_wait3A_90 = tpu.memref_slice %arg5[%run_scoped3A, %dma_wait3A_89] : memref<4x32xi32, #tpu.memory_space<vmem>> -> memref<1x32xi32, #tpu.memory_space<vmem>>
      %dma_wait3A_91 = tpu.memref_squeeze %dma_wait3A_90 : memref<1x32xi32, #tpu.memory_space<vmem>> -> memref<32xi32, #tpu.memory_space<vmem>>
      %dma_wait3A_92 = tpu.memref_slice %arg2[%add3A_4] : memref<4096xi32, #tpu.memory_space<hbm>> -> memref<32xi32, #tpu.memory_space<hbm>>
      tpu.wait_dma2 semaphore(%run_scoped3A_76 : memref<!tpu.dma_semaphore, #tpu.memory_space<semaphore_mem>>) src(%dma_wait3A_92 : memref<32xi32, #tpu.memory_space<hbm>>) dst(%dma_wait3A_91 : memref<32xi32, #tpu.memory_space<vmem>>)
      tpu.yield
    }) : () -> ()
    %add3A_5 = arith.constant 32 : i32
    %add3A_6 = arith.addi %mul3A_2, %add3A_5 : i32
    %run_scoped3A_7 = arith.constant 1 : i32
    "tpu.region"() ({
      %run_scoped3A_76 = tpu.sem_alloc : memref<!tpu.dma_semaphore, #tpu.memory_space<semaphore_mem>>
      %dma_start3A_77 = arith.constant 0 : i32
      %dma_start3A_78 = tpu.memref_slice %arg5[%run_scoped3A_7, %dma_start3A_77] : memref<4x32xi32, #tpu.memory_space<vmem>> -> memref<1x32xi32, #tpu.memory_space<vmem>>
      %dma_start3A_79 = tpu.memref_squeeze %dma_start3A_78 : memref<1x32xi32, #tpu.memory_space<vmem>> -> memref<32xi32, #tpu.memory_space<vmem>>
      %dma_start3A_80 = tpu.memref_slice %arg2[%add3A_6] : memref<4096xi32, #tpu.memory_space<hbm>> -> memref<32xi32, #tpu.memory_space<hbm>>
      %dma_start3A_81 = arith.constant 0 : i32
      %dma_start3A_82 = tpu.memref_slice %arg5[%run_scoped3A_7, %dma_start3A_81] : memref<4x32xi32, #tpu.memory_space<vmem>> -> memref<1x32xi32, #tpu.memory_space<vmem>>
      %dma_start3A_83 = tpu.memref_squeeze %dma_start3A_82 : memref<1x32xi32, #tpu.memory_space<vmem>> -> memref<32xi32, #tpu.memory_space<vmem>>
      %dma_start3A_84 = tpu.memref_slice %arg2[%add3A_6] : memref<4096xi32, #tpu.memory_space<hbm>> -> memref<32xi32, #tpu.memory_space<hbm>>
      tpu.enqueue_dma source(%dma_start3A_84 : memref<32xi32, #tpu.memory_space<hbm>>) target(%dma_start3A_83 : memref<32xi32, #tpu.memory_space<vmem>>) target_semaphore(%run_scoped3A_76 : memref<!tpu.dma_semaphore, #tpu.memory_space<semaphore_mem>>)
      %dma_wait3A_85 = arith.constant 0 : i32
      %dma_wait3A_86 = tpu.memref_slice %arg5[%run_scoped3A_7, %dma_wait3A_85] : memref<4x32xi32, #tpu.memory_space<vmem>> -> memref<1x32xi32, #tpu.memory_space<vmem>>
      %dma_wait3A_87 = tpu.memref_squeeze %dma_wait3A_86 : memref<1x32xi32, #tpu.memory_space<vmem>> -> memref<32xi32, #tpu.memory_space<vmem>>
      %dma_wait3A_88 = tpu.memref_slice %arg2[%add3A_6] : memref<4096xi32, #tpu.memory_space<hbm>> -> memref<32xi32, #tpu.memory_space<hbm>>
      %dma_wait3A_89 = arith.constant 0 : i32
      %dma_wait3A_90 = tpu.memref_slice %arg5[%run_scoped3A_7, %dma_wait3A_89] : memref<4x32xi32, #tpu.memory_space<vmem>> -> memref<1x32xi32, #tpu.memory_space<vmem>>
      %dma_wait3A_91 = tpu.memref_squeeze %dma_wait3A_90 : memref<1x32xi32, #tpu.memory_space<vmem>> -> memref<32xi32, #tpu.memory_space<vmem>>
      %dma_wait3A_92 = tpu.memref_slice %arg2[%add3A_6] : memref<4096xi32, #tpu.memory_space<hbm>> -> memref<32xi32, #tpu.memory_space<hbm>>
      tpu.wait_dma2 semaphore(%run_scoped3A_76 : memref<!tpu.dma_semaphore, #tpu.memory_space<semaphore_mem>>) src(%dma_wait3A_92 : memref<32xi32, #tpu.memory_space<hbm>>) dst(%dma_wait3A_91 : memref<32xi32, #tpu.memory_space<vmem>>)
      tpu.yield
    }) : () -> ()
    %add3A_8 = arith.constant 64 : i32
    %add3A_9 = arith.addi %mul3A_2, %add3A_8 : i32
    %run_scoped3A_10 = arith.constant 2 : i32
    "tpu.region"() ({
      %run_scoped3A_76 = tpu.sem_alloc : memref<!tpu.dma_semaphore, #tpu.memory_space<semaphore_mem>>
      %dma_start3A_77 = arith.constant 0 : i32
      %dma_start3A_78 = tpu.memref_slice %arg5[%run_scoped3A_10, %dma_start3A_77] : memref<4x32xi32, #tpu.memory_space<vmem>> -> memref<1x32xi32, #tpu.memory_space<vmem>>
      %dma_start3A_79 = tpu.memref_squeeze %dma_start3A_78 : memref<1x32xi32, #tpu.memory_space<vmem>> -> memref<32xi32, #tpu.memory_space<vmem>>
      %dma_start3A_80 = tpu.memref_slice %arg2[%add3A_9] : memref<4096xi32, #tpu.memory_space<hbm>> -> memref<32xi32, #tpu.memory_space<hbm>>
      %dma_start3A_81 = arith.constant 0 : i32
      %dma_start3A_82 = tpu.memref_slice %arg5[%run_scoped3A_10, %dma_start3A_81] : memref<4x32xi32, #tpu.memory_space<vmem>> -> memref<1x32xi32, #tpu.memory_space<vmem>>
      %dma_start3A_83 = tpu.memref_squeeze %dma_start3A_82 : memref<1x32xi32, #tpu.memory_space<vmem>> -> memref<32xi32, #tpu.memory_space<vmem>>
      %dma_start3A_84 = tpu.memref_slice %arg2[%add3A_9] : memref<4096xi32, #tpu.memory_space<hbm>> -> memref<32xi32, #tpu.memory_space<hbm>>
      tpu.enqueue_dma source(%dma_start3A_84 : memref<32xi32, #tpu.memory_space<hbm>>) target(%dma_start3A_83 : memref<32xi32, #tpu.memory_space<vmem>>) target_semaphore(%run_scoped3A_76 : memref<!tpu.dma_semaphore, #tpu.memory_space<semaphore_mem>>)
      %dma_wait3A_85 = arith.constant 0 : i32
      %dma_wait3A_86 = tpu.memref_slice %arg5[%run_scoped3A_10, %dma_wait3A_85] : memref<4x32xi32, #tpu.memory_space<vmem>> -> memref<1x32xi32, #tpu.memory_space<vmem>>
      %dma_wait3A_87 = tpu.memref_squeeze %dma_wait3A_86 : memref<1x32xi32, #tpu.memory_space<vmem>> -> memref<32xi32, #tpu.memory_space<vmem>>
      %dma_wait3A_88 = tpu.memref_slice %arg2[%add3A_9] : memref<4096xi32, #tpu.memory_space<hbm>> -> memref<32xi32, #tpu.memory_space<hbm>>
      %dma_wait3A_89 = arith.constant 0 : i32
      %dma_wait3A_90 = tpu.memref_slice %arg5[%run_scoped3A_10, %dma_wait3A_89] : memref<4x32xi32, #tpu.memory_space<vmem>> -> memref<1x32xi32, #tpu.memory_space<vmem>>
      %dma_wait3A_91 = tpu.memref_squeeze %dma_wait3A_90 : memref<1x32xi32, #tpu.memory_space<vmem>> -> memref<32xi32, #tpu.memory_space<vmem>>
      %dma_wait3A_92 = tpu.memref_slice %arg2[%add3A_9] : memref<4096xi32, #tpu.memory_space<hbm>> -> memref<32xi32, #tpu.memory_space<hbm>>
      tpu.wait_dma2 semaphore(%run_scoped3A_76 : memref<!tpu.dma_semaphore, #tpu.memory_space<semaphore_mem>>) src(%dma_wait3A_92 : memref<32xi32, #tpu.memory_space<hbm>>) dst(%dma_wait3A_91 : memref<32xi32, #tpu.memory_space<vmem>>)
      tpu.yield
    }) : () -> ()
    %add3A_11 = arith.constant 96 : i32
    %add3A_12 = arith.addi %mul3A_2, %add3A_11 : i32
    %run_scoped3A_13 = arith.constant 3 : i32
    "tpu.region"() ({
      %run_scoped3A_76 = tpu.sem_alloc : memref<!tpu.dma_semaphore, #tpu.memory_space<semaphore_mem>>
      %dma_start3A_77 = arith.constant 0 : i32
      %dma_start3A_78 = tpu.memref_slice %arg5[%run_scoped3A_13, %dma_start3A_77] : memref<4x32xi32, #tpu.memory_space<vmem>> -> memref<1x32xi32, #tpu.memory_space<vmem>>
      %dma_start3A_79 = tpu.memref_squeeze %dma_start3A_78 : memref<1x32xi32, #tpu.memory_space<vmem>> -> memref<32xi32, #tpu.memory_space<vmem>>
      %dma_start3A_80 = tpu.memref_slice %arg2[%add3A_12] : memref<4096xi32, #tpu.memory_space<hbm>> -> memref<32xi32, #tpu.memory_space<hbm>>
      %dma_start3A_81 = arith.constant 0 : i32
      %dma_start3A_82 = tpu.memref_slice %arg5[%run_scoped3A_13, %dma_start3A_81] : memref<4x32xi32, #tpu.memory_space<vmem>> -> memref<1x32xi32, #tpu.memory_space<vmem>>
      %dma_start3A_83 = tpu.memref_squeeze %dma_start3A_82 : memref<1x32xi32, #tpu.memory_space<vmem>> -> memref<32xi32, #tpu.memory_space<vmem>>
      %dma_start3A_84 = tpu.memref_slice %arg2[%add3A_12] : memref<4096xi32, #tpu.memory_space<hbm>> -> memref<32xi32, #tpu.memory_space<hbm>>
      tpu.enqueue_dma source(%dma_start3A_84 : memref<32xi32, #tpu.memory_space<hbm>>) target(%dma_start3A_83 : memref<32xi32, #tpu.memory_space<vmem>>) target_semaphore(%run_scoped3A_76 : memref<!tpu.dma_semaphore, #tpu.memory_space<semaphore_mem>>)
      %dma_wait3A_85 = arith.constant 0 : i32
      %dma_wait3A_86 = tpu.memref_slice %arg5[%run_scoped3A_13, %dma_wait3A_85] : memref<4x32xi32, #tpu.memory_space<vmem>> -> memref<1x32xi32, #tpu.memory_space<vmem>>
      %dma_wait3A_87 = tpu.memref_squeeze %dma_wait3A_86 : memref<1x32xi32, #tpu.memory_space<vmem>> -> memref<32xi32, #tpu.memory_space<vmem>>
      %dma_wait3A_88 = tpu.memref_slice %arg2[%add3A_12] : memref<4096xi32, #tpu.memory_space<hbm>> -> memref<32xi32, #tpu.memory_space<hbm>>
      %dma_wait3A_89 = arith.constant 0 : i32
      %dma_wait3A_90 = tpu.memref_slice %arg5[%run_scoped3A_13, %dma_wait3A_89] : memref<4x32xi32, #tpu.memory_space<vmem>> -> memref<1x32xi32, #tpu.memory_space<vmem>>
      %dma_wait3A_91 = tpu.memref_squeeze %dma_wait3A_90 : memref<1x32xi32, #tpu.memory_space<vmem>> -> memref<32xi32, #tpu.memory_space<vmem>>
      %dma_wait3A_92 = tpu.memref_slice %arg2[%add3A_12] : memref<4096xi32, #tpu.memory_space<hbm>> -> memref<32xi32, #tpu.memory_space<hbm>>
      tpu.wait_dma2 semaphore(%run_scoped3A_76 : memref<!tpu.dma_semaphore, #tpu.memory_space<semaphore_mem>>) src(%dma_wait3A_92 : memref<32xi32, #tpu.memory_space<hbm>>) dst(%dma_wait3A_91 : memref<32xi32, #tpu.memory_space<vmem>>)
      tpu.yield
    }) : () -> ()
    %dma_start3A = arith.constant 0 : i32
    %dma_start3A_14 = arith.constant 0 : i32
    %dma_start3A_15 = tpu.memref_slice %arg5[%dma_start3A, %dma_start3A_14] : memref<4x32xi32, #tpu.memory_space<vmem>> -> memref<1x32xi32, #tpu.memory_space<vmem>>
    %dma_start3A_16 = tpu.memref_squeeze %dma_start3A_15 : memref<1x32xi32, #tpu.memory_space<vmem>> -> memref<32xi32, #tpu.memory_space<vmem>>
    %dma_start3A_17 = arith.constant 0 : i32
    %dma_start3A_18 = arith.constant 0 : i32
    %dma_start3A_19 = tpu.memref_slice %arg3[%dma_start3A_17, %dma_start3A_18] : memref<5120x1024xf32, #tpu.memory_space<hbm>> -> memref<5120x1024xf32, #tpu.memory_space<hbm>>
    tpu.enqueue_indirect_dma source(%dma_start3A_19 : memref<5120x1024xf32, #tpu.memory_space<hbm>>) target(%arg6 : memref<32x1024xf32, #tpu.memory_space<vmem>>) offsets(%dma_start3A_16 : memref<32xi32, #tpu.memory_space<vmem>>) semaphore(%arg8 : memref<!tpu.dma_semaphore, #tpu.memory_space<semaphore_mem>>)
    %dma_start3A_20 = arith.constant 1 : i32
    %dma_start3A_21 = arith.constant 0 : i32
    %dma_start3A_22 = tpu.memref_slice %arg5[%dma_start3A_20, %dma_start3A_21] : memref<4x32xi32, #tpu.memory_space<vmem>> -> memref<1x32xi32, #tpu.memory_space<vmem>>
    %dma_start3A_23 = tpu.memref_squeeze %dma_start3A_22 : memref<1x32xi32, #tpu.memory_space<vmem>> -> memref<32xi32, #tpu.memory_space<vmem>>
    %dma_start3A_24 = arith.constant 0 : i32
    %dma_start3A_25 = arith.constant 0 : i32
    %dma_start3A_26 = tpu.memref_slice %arg3[%dma_start3A_24, %dma_start3A_25] : memref<5120x1024xf32, #tpu.memory_space<hbm>> -> memref<5120x1024xf32, #tpu.memory_space<hbm>>
    tpu.enqueue_indirect_dma source(%dma_start3A_26 : memref<5120x1024xf32, #tpu.memory_space<hbm>>) target(%arg7 : memref<32x1024xf32, #tpu.memory_space<vmem>>) offsets(%dma_start3A_23 : memref<32xi32, #tpu.memory_space<vmem>>) semaphore(%arg9 : memref<!tpu.dma_semaphore, #tpu.memory_space<semaphore_mem>>)
    %dma_wait3A = arith.constant 0 : i32
    %dma_wait3A_27 = arith.constant 0 : i32
    %dma_wait3A_28 = tpu.memref_slice %arg5[%dma_wait3A, %dma_wait3A_27] : memref<4x32xi32, #tpu.memory_space<vmem>> -> memref<1x32xi32, #tpu.memory_space<vmem>>
    %dma_wait3A_29 = tpu.memref_squeeze %dma_wait3A_28 : memref<1x32xi32, #tpu.memory_space<vmem>> -> memref<32xi32, #tpu.memory_space<vmem>>
    %dma_wait3A_30 = arith.constant 0 : i32
    %dma_wait3A_31 = arith.constant 0 : i32
    %dma_wait3A_32 = tpu.memref_slice %arg3[%dma_wait3A_30, %dma_wait3A_31] : memref<5120x1024xf32, #tpu.memory_space<hbm>> -> memref<5120x1024xf32, #tpu.memory_space<hbm>>
    tpu.wait_indirect_dma semaphore(%arg8 : memref<!tpu.dma_semaphore, #tpu.memory_space<semaphore_mem>>) src(%dma_wait3A_32 : memref<5120x1024xf32, #tpu.memory_space<hbm>>) dst(%arg6 : memref<32x1024xf32, #tpu.memory_space<vmem>>)
    %add3A_33 = arith.constant 0 : i32
    %add3A_34 = arith.addi %mul3A_2, %add3A_33 : i32
    "tpu.region"() ({
      %run_scoped3A_76 = tpu.sem_alloc : memref<!tpu.dma_semaphore, #tpu.memory_space<semaphore_mem>>
      %dma_start3A_77 = arith.constant 0 : i32
      %dma_start3A_78 = tpu.memref_slice %arg4[%add3A_34, %dma_start3A_77] : memref<4096x1024xf32, #tpu.memory_space<hbm>> -> memref<32x1024xf32, #tpu.memory_space<hbm>>
      %dma_start3A_79 = arith.constant 0 : i32
      %dma_start3A_80 = tpu.memref_slice %arg4[%add3A_34, %dma_start3A_79] : memref<4096x1024xf32, #tpu.memory_space<hbm>> -> memref<32x1024xf32, #tpu.memory_space<hbm>>
      tpu.enqueue_dma source(%arg6 : memref<32x1024xf32, #tpu.memory_space<vmem>>) target(%dma_start3A_80 : memref<32x1024xf32, #tpu.memory_space<hbm>>) target_semaphore(%run_scoped3A_76 : memref<!tpu.dma_semaphore, #tpu.memory_space<semaphore_mem>>)
      %dma_wait3A_81 = arith.constant 0 : i32
      %dma_wait3A_82 = tpu.memref_slice %arg4[%add3A_34, %dma_wait3A_81] : memref<4096x1024xf32, #tpu.memory_space<hbm>> -> memref<32x1024xf32, #tpu.memory_space<hbm>>
      %dma_wait3A_83 = arith.constant 0 : i32
      %dma_wait3A_84 = tpu.memref_slice %arg4[%add3A_34, %dma_wait3A_83] : memref<4096x1024xf32, #tpu.memory_space<hbm>> -> memref<32x1024xf32, #tpu.memory_space<hbm>>
      tpu.wait_dma2 semaphore(%run_scoped3A_76 : memref<!tpu.dma_semaphore, #tpu.memory_space<semaphore_mem>>) src(%arg6 : memref<32x1024xf32, #tpu.memory_space<vmem>>) dst(%dma_wait3A_84 : memref<32x1024xf32, #tpu.memory_space<hbm>>)
      tpu.yield
    }) : () -> ()
    %dma_start3A_35 = arith.constant 2 : i32
    %dma_start3A_36 = arith.constant 0 : i32
    %dma_start3A_37 = tpu.memref_slice %arg5[%dma_start3A_35, %dma_start3A_36] : memref<4x32xi32, #tpu.memory_space<vmem>> -> memref<1x32xi32, #tpu.memory_space<vmem>>
    %dma_start3A_38 = tpu.memref_squeeze %dma_start3A_37 : memref<1x32xi32, #tpu.memory_space<vmem>> -> memref<32xi32, #tpu.memory_space<vmem>>
    %dma_start3A_39 = arith.constant 0 : i32
    %dma_start3A_40 = arith.constant 0 : i32
    %dma_start3A_41 = tpu.memref_slice %arg3[%dma_start3A_39, %dma_start3A_40] : memref<5120x1024xf32, #tpu.memory_space<hbm>> -> memref<5120x1024xf32, #tpu.memory_space<hbm>>
    tpu.enqueue_indirect_dma source(%dma_start3A_41 : memref<5120x1024xf32, #tpu.memory_space<hbm>>) target(%arg6 : memref<32x1024xf32, #tpu.memory_space<vmem>>) offsets(%dma_start3A_38 : memref<32xi32, #tpu.memory_space<vmem>>) semaphore(%arg8 : memref<!tpu.dma_semaphore, #tpu.memory_space<semaphore_mem>>)
    %dma_wait3A_42 = arith.constant 1 : i32
    %dma_wait3A_43 = arith.constant 0 : i32
    %dma_wait3A_44 = tpu.memref_slice %arg5[%dma_wait3A_42, %dma_wait3A_43] : memref<4x32xi32, #tpu.memory_space<vmem>> -> memref<1x32xi32, #tpu.memory_space<vmem>>
    %dma_wait3A_45 = tpu.memref_squeeze %dma_wait3A_44 : memref<1x32xi32, #tpu.memory_space<vmem>> -> memref<32xi32, #tpu.memory_space<vmem>>
    %dma_wait3A_46 = arith.constant 0 : i32
    %dma_wait3A_47 = arith.constant 0 : i32
    %dma_wait3A_48 = tpu.memref_slice %arg3[%dma_wait3A_46, %dma_wait3A_47] : memref<5120x1024xf32, #tpu.memory_space<hbm>> -> memref<5120x1024xf32, #tpu.memory_space<hbm>>
    tpu.wait_indirect_dma semaphore(%arg9 : memref<!tpu.dma_semaphore, #tpu.memory_space<semaphore_mem>>) src(%dma_wait3A_48 : memref<5120x1024xf32, #tpu.memory_space<hbm>>) dst(%arg7 : memref<32x1024xf32, #tpu.memory_space<vmem>>)
    %add3A_49 = arith.constant 32 : i32
    %add3A_50 = arith.addi %mul3A_2, %add3A_49 : i32
    "tpu.region"() ({
      %run_scoped3A_76 = tpu.sem_alloc : memref<!tpu.dma_semaphore, #tpu.memory_space<semaphore_mem>>
      %dma_start3A_77 = arith.constant 0 : i32
      %dma_start3A_78 = tpu.memref_slice %arg4[%add3A_50, %dma_start3A_77] : memref<4096x1024xf32, #tpu.memory_space<hbm>> -> memref<32x1024xf32, #tpu.memory_space<hbm>>
      %dma_start3A_79 = arith.constant 0 : i32
      %dma_start3A_80 = tpu.memref_slice %arg4[%add3A_50, %dma_start3A_79] : memref<4096x1024xf32, #tpu.memory_space<hbm>> -> memref<32x1024xf32, #tpu.memory_space<hbm>>
      tpu.enqueue_dma source(%arg7 : memref<32x1024xf32, #tpu.memory_space<vmem>>) target(%dma_start3A_80 : memref<32x1024xf32, #tpu.memory_space<hbm>>) target_semaphore(%run_scoped3A_76 : memref<!tpu.dma_semaphore, #tpu.memory_space<semaphore_mem>>)
      %dma_wait3A_81 = arith.constant 0 : i32
      %dma_wait3A_82 = tpu.memref_slice %arg4[%add3A_50, %dma_wait3A_81] : memref<4096x1024xf32, #tpu.memory_space<hbm>> -> memref<32x1024xf32, #tpu.memory_space<hbm>>
      %dma_wait3A_83 = arith.constant 0 : i32
      %dma_wait3A_84 = tpu.memref_slice %arg4[%add3A_50, %dma_wait3A_83] : memref<4096x1024xf32, #tpu.memory_space<hbm>> -> memref<32x1024xf32, #tpu.memory_space<hbm>>
      tpu.wait_dma2 semaphore(%run_scoped3A_76 : memref<!tpu.dma_semaphore, #tpu.memory_space<semaphore_mem>>) src(%arg7 : memref<32x1024xf32, #tpu.memory_space<vmem>>) dst(%dma_wait3A_84 : memref<32x1024xf32, #tpu.memory_space<hbm>>)
      tpu.yield
    }) : () -> ()
    %dma_start3A_51 = arith.constant 3 : i32
    %dma_start3A_52 = arith.constant 0 : i32
    %dma_start3A_53 = tpu.memref_slice %arg5[%dma_start3A_51, %dma_start3A_52] : memref<4x32xi32, #tpu.memory_space<vmem>> -> memref<1x32xi32, #tpu.memory_space<vmem>>
    %dma_start3A_54 = tpu.memref_squeeze %dma_start3A_53 : memref<1x32xi32, #tpu.memory_space<vmem>> -> memref<32xi32, #tpu.memory_space<vmem>>
    %dma_start3A_55 = arith.constant 0 : i32
    %dma_start3A_56 = arith.constant 0 : i32
    %dma_start3A_57 = tpu.memref_slice %arg3[%dma_start3A_55, %dma_start3A_56] : memref<5120x1024xf32, #tpu.memory_space<hbm>> -> memref<5120x1024xf32, #tpu.memory_space<hbm>>
    tpu.enqueue_indirect_dma source(%dma_start3A_57 : memref<5120x1024xf32, #tpu.memory_space<hbm>>) target(%arg7 : memref<32x1024xf32, #tpu.memory_space<vmem>>) offsets(%dma_start3A_54 : memref<32xi32, #tpu.memory_space<vmem>>) semaphore(%arg9 : memref<!tpu.dma_semaphore, #tpu.memory_space<semaphore_mem>>)
    %dma_wait3A_58 = arith.constant 2 : i32
    %dma_wait3A_59 = arith.constant 0 : i32
    %dma_wait3A_60 = tpu.memref_slice %arg5[%dma_wait3A_58, %dma_wait3A_59] : memref<4x32xi32, #tpu.memory_space<vmem>> -> memref<1x32xi32, #tpu.memory_space<vmem>>
    %dma_wait3A_61 = tpu.memref_squeeze %dma_wait3A_60 : memref<1x32xi32, #tpu.memory_space<vmem>> -> memref<32xi32, #tpu.memory_space<vmem>>
    %dma_wait3A_62 = arith.constant 0 : i32
    %dma_wait3A_63 = arith.constant 0 : i32
    %dma_wait3A_64 = tpu.memref_slice %arg3[%dma_wait3A_62, %dma_wait3A_63] : memref<5120x1024xf32, #tpu.memory_space<hbm>> -> memref<5120x1024xf32, #tpu.memory_space<hbm>>
    tpu.wait_indirect_dma semaphore(%arg8 : memref<!tpu.dma_semaphore, #tpu.memory_space<semaphore_mem>>) src(%dma_wait3A_64 : memref<5120x1024xf32, #tpu.memory_space<hbm>>) dst(%arg6 : memref<32x1024xf32, #tpu.memory_space<vmem>>)
    %add3A_65 = arith.constant 64 : i32
    %add3A_66 = arith.addi %mul3A_2, %add3A_65 : i32
    "tpu.region"() ({
      %run_scoped3A_76 = tpu.sem_alloc : memref<!tpu.dma_semaphore, #tpu.memory_space<semaphore_mem>>
      %dma_start3A_77 = arith.constant 0 : i32
      %dma_start3A_78 = tpu.memref_slice %arg4[%add3A_66, %dma_start3A_77] : memref<4096x1024xf32, #tpu.memory_space<hbm>> -> memref<32x1024xf32, #tpu.memory_space<hbm>>
      %dma_start3A_79 = arith.constant 0 : i32
      %dma_start3A_80 = tpu.memref_slice %arg4[%add3A_66, %dma_start3A_79] : memref<4096x1024xf32, #tpu.memory_space<hbm>> -> memref<32x1024xf32, #tpu.memory_space<hbm>>
      tpu.enqueue_dma source(%arg6 : memref<32x1024xf32, #tpu.memory_space<vmem>>) target(%dma_start3A_80 : memref<32x1024xf32, #tpu.memory_space<hbm>>) target_semaphore(%run_scoped3A_76 : memref<!tpu.dma_semaphore, #tpu.memory_space<semaphore_mem>>)
      %dma_wait3A_81 = arith.constant 0 : i32
      %dma_wait3A_82 = tpu.memref_slice %arg4[%add3A_66, %dma_wait3A_81] : memref<4096x1024xf32, #tpu.memory_space<hbm>> -> memref<32x1024xf32, #tpu.memory_space<hbm>>
      %dma_wait3A_83 = arith.constant 0 : i32
      %dma_wait3A_84 = tpu.memref_slice %arg4[%add3A_66, %dma_wait3A_83] : memref<4096x1024xf32, #tpu.memory_space<hbm>> -> memref<32x1024xf32, #tpu.memory_space<hbm>>
      tpu.wait_dma2 semaphore(%run_scoped3A_76 : memref<!tpu.dma_semaphore, #tpu.memory_space<semaphore_mem>>) src(%arg6 : memref<32x1024xf32, #tpu.memory_space<vmem>>) dst(%dma_wait3A_84 : memref<32x1024xf32, #tpu.memory_space<hbm>>)
      tpu.yield
    }) : () -> ()
    %dma_wait3A_67 = arith.constant 3 : i32
    %dma_wait3A_68 = arith.constant 0 : i32
    %dma_wait3A_69 = tpu.memref_slice %arg5[%dma_wait3A_67, %dma_wait3A_68] : memref<4x32xi32, #tpu.memory_space<vmem>> -> memref<1x32xi32, #tpu.memory_space<vmem>>
    %dma_wait3A_70 = tpu.memref_squeeze %dma_wait3A_69 : memref<1x32xi32, #tpu.memory_space<vmem>> -> memref<32xi32, #tpu.memory_space<vmem>>
    %dma_wait3A_71 = arith.constant 0 : i32
    %dma_wait3A_72 = arith.constant 0 : i32
    %dma_wait3A_73 = tpu.memref_slice %arg3[%dma_wait3A_71, %dma_wait3A_72] : memref<5120x1024xf32, #tpu.memory_space<hbm>> -> memref<5120x1024xf32, #tpu.memory_space<hbm>>
    tpu.wait_indirect_dma semaphore(%arg9 : memref<!tpu.dma_semaphore, #tpu.memory_space<semaphore_mem>>) src(%dma_wait3A_73 : memref<5120x1024xf32, #tpu.memory_space<hbm>>) dst(%arg7 : memref<32x1024xf32, #tpu.memory_space<vmem>>)
    %add3A_74 = arith.constant 96 : i32
    %add3A_75 = arith.addi %mul3A_2, %add3A_74 : i32
    "tpu.region"() ({
      %run_scoped3A_76 = tpu.sem_alloc : memref<!tpu.dma_semaphore, #tpu.memory_space<semaphore_mem>>
      %dma_start3A_77 = arith.constant 0 : i32
      %dma_start3A_78 = tpu.memref_slice %arg4[%add3A_75, %dma_start3A_77] : memref<4096x1024xf32, #tpu.memory_space<hbm>> -> memref<32x1024xf32, #tpu.memory_space<hbm>>
      %dma_start3A_79 = arith.constant 0 : i32
      %dma_start3A_80 = tpu.memref_slice %arg4[%add3A_75, %dma_start3A_79] : memref<4096x1024xf32, #tpu.memory_space<hbm>> -> memref<32x1024xf32, #tpu.memory_space<hbm>>
      tpu.enqueue_dma source(%arg7 : memref<32x1024xf32, #tpu.memory_space<vmem>>) target(%dma_start3A_80 : memref<32x1024xf32, #tpu.memory_space<hbm>>) target_semaphore(%run_scoped3A_76 : memref<!tpu.dma_semaphore, #tpu.memory_space<semaphore_mem>>)
      %dma_wait3A_81 = arith.constant 0 : i32
      %dma_wait3A_82 = tpu.memref_slice %arg4[%add3A_75, %dma_wait3A_81] : memref<4096x1024xf32, #tpu.memory_space<hbm>> -> memref<32x1024xf32, #tpu.memory_space<hbm>>
      %dma_wait3A_83 = arith.constant 0 : i32
      %dma_wait3A_84 = tpu.memref_slice %arg4[%add3A_75, %dma_wait3A_83] : memref<4096x1024xf32, #tpu.memory_space<hbm>> -> memref<32x1024xf32, #tpu.memory_space<hbm>>
      tpu.wait_dma2 semaphore(%run_scoped3A_76 : memref<!tpu.dma_semaphore, #tpu.memory_space<semaphore_mem>>) src(%arg7 : memref<32x1024xf32, #tpu.memory_space<vmem>>) dst(%dma_wait3A_84 : memref<32x1024xf32, #tpu.memory_space<hbm>>)
      tpu.yield
    }) : () -> ()
    return
  }
}

module attributes {stable_mosaic.version = 14 : i64} {
  func.func @_routing_body(%arg0: i32, %arg1: memref<512x1024xf32, #tpu.memory_space<vmem>>, %arg2: memref<8x1024xf32, #tpu.memory_space<vmem>>, %arg3: memref<8xf32, #tpu.memory_space<vmem>>, %arg4: memref<512x2xi32, #tpu.memory_space<vmem>>, %arg5: memref<512x2xf32, #tpu.memory_space<vmem>>) attributes {dimension_semantics = [#tpu.dimension_semantics<arbitrary>], iteration_bounds = array<i64: 4>, scalar_prefetch = 0 : i64, scratch_operands = 0 : i64, tpu.core_type = #tpu.core_type<tc>, window_params = [{transform_indices = @transform_0, window_bounds = array<i64: 512, 1024>}, {pipeline_mode = #tpu.pipeline_mode<synchronous>, transform_indices = @transform_1, window_bounds = array<i64: 8, 1024>}, {pipeline_mode = #tpu.pipeline_mode<synchronous>, transform_indices = @transform_2, window_bounds = array<i64: 8>}, {transform_indices = @transform_3, window_bounds = array<i64: 512, 2>}, {transform_indices = @transform_4, window_bounds = array<i64: 512, 2>}]} {
    %get3A = arith.constant 0 : index
    %get3A_0 = arith.constant 0 : index
    %get3A_1 = vector.load %arg1[%get3A, %get3A_0] : memref<512x1024xf32, #tpu.memory_space<vmem>>, vector<512x1024xf32>
    %get3A_2 = arith.constant 0 : index
    %get3A_3 = arith.constant 0 : index
    %get3A_4 = vector.load %arg2[%get3A_2, %get3A_3] : memref<8x1024xf32, #tpu.memory_space<vmem>>, vector<8x1024xf32>
    %dot_general3A = arith.constant dense<0.000000e+00> : vector<512x8xf32>
    %dot_general3A_5 = tpu.matmul %get3A_1, %get3A_4, %dot_general3A {dimension_numbers = #tpu.dot_dimension_numbers<[1], [1], [0], [0], [0, 0, 1, 0], [], []>, transpose_lhs_hint = false} : vector<512x1024xf32>, vector<8x1024xf32>, vector<512x8xf32> -> vector<512x8xf32>
    %neg3A = arith.constant 0.000000e+00 : f32
    %neg3A_6 = vector.broadcast %neg3A : f32 to vector<512x8xf32>
    %neg3A_7 = arith.subf %neg3A_6, %dot_general3A_5 : vector<512x8xf32>
    %exp3A = math.exp %neg3A_7 : vector<512x8xf32>
    %add3A = arith.constant 1.000000e+00 : f32
    %add3A_8 = vector.broadcast %add3A : f32 to vector<512x8xf32>
    %add3A_9 = arith.addf %add3A_8, %exp3A : vector<512x8xf32>
    %div3A = arith.constant 1.000000e+00 : f32
    %div3A_10 = vector.broadcast %div3A : f32 to vector<512x8xf32>
    %div3A_11 = arith.divf %div3A_10, %add3A_9 : vector<512x8xf32>
    %get3A_12 = arith.constant 0 : index
    %get3A_13 = vector.load %arg3[%get3A_12] : memref<8xf32, #tpu.memory_space<vmem>>, vector<8xf32>
    %broadcast_in_dim3A = vector.shape_cast %get3A_13 : vector<8xf32> to vector<1x8xf32>
    %add3A_14 = vector.broadcast %broadcast_in_dim3A : vector<1x8xf32> to vector<512x8xf32>
    %add3A_15 = arith.addf %div3A_11, %add3A_14 : vector<512x8xf32>
    %slice3A = vector.extract_strided_slice %add3A_15 {offsets = [0, 0], sizes = [512, 4], strides = [1, 1]} : vector<512x8xf32> to vector<512x4xf32>
    %slice3A_16 = vector.extract_strided_slice %slice3A {offsets = [0, 0], sizes = [512, 1], strides = [1, 1]} : vector<512x4xf32> to vector<512x1xf32>
    %squeeze3A = vector.shape_cast %slice3A_16 : vector<512x1xf32> to vector<512xf32>
    %slice3A_17 = vector.extract_strided_slice %slice3A {offsets = [0, 1], sizes = [512, 1], strides = [1, 1]} : vector<512x4xf32> to vector<512x1xf32>
    %squeeze3A_18 = vector.shape_cast %slice3A_17 : vector<512x1xf32> to vector<512xf32>
    %add3A_19 = arith.addf %squeeze3A, %squeeze3A_18 : vector<512xf32>
    %slice3A_20 = vector.extract_strided_slice %slice3A {offsets = [0, 0], sizes = [512, 1], strides = [1, 1]} : vector<512x4xf32> to vector<512x1xf32>
    %squeeze3A_21 = vector.shape_cast %slice3A_20 : vector<512x1xf32> to vector<512xf32>
    %slice3A_22 = vector.extract_strided_slice %slice3A {offsets = [0, 2], sizes = [512, 1], strides = [1, 1]} : vector<512x4xf32> to vector<512x1xf32>
    %squeeze3A_23 = vector.shape_cast %slice3A_22 : vector<512x1xf32> to vector<512xf32>
    %add3A_24 = arith.addf %squeeze3A_21, %squeeze3A_23 : vector<512xf32>
    %slice3A_25 = vector.extract_strided_slice %slice3A {offsets = [0, 0], sizes = [512, 1], strides = [1, 1]} : vector<512x4xf32> to vector<512x1xf32>
    %squeeze3A_26 = vector.shape_cast %slice3A_25 : vector<512x1xf32> to vector<512xf32>
    %slice3A_27 = vector.extract_strided_slice %slice3A {offsets = [0, 3], sizes = [512, 1], strides = [1, 1]} : vector<512x4xf32> to vector<512x1xf32>
    %squeeze3A_28 = vector.shape_cast %slice3A_27 : vector<512x1xf32> to vector<512xf32>
    %add3A_29 = arith.addf %squeeze3A_26, %squeeze3A_28 : vector<512xf32>
    %slice3A_30 = vector.extract_strided_slice %slice3A {offsets = [0, 1], sizes = [512, 1], strides = [1, 1]} : vector<512x4xf32> to vector<512x1xf32>
    %squeeze3A_31 = vector.shape_cast %slice3A_30 : vector<512x1xf32> to vector<512xf32>
    %slice3A_32 = vector.extract_strided_slice %slice3A {offsets = [0, 2], sizes = [512, 1], strides = [1, 1]} : vector<512x4xf32> to vector<512x1xf32>
    %squeeze3A_33 = vector.shape_cast %slice3A_32 : vector<512x1xf32> to vector<512xf32>
    %add3A_34 = arith.addf %squeeze3A_31, %squeeze3A_33 : vector<512xf32>
    %slice3A_35 = vector.extract_strided_slice %slice3A {offsets = [0, 1], sizes = [512, 1], strides = [1, 1]} : vector<512x4xf32> to vector<512x1xf32>
    %squeeze3A_36 = vector.shape_cast %slice3A_35 : vector<512x1xf32> to vector<512xf32>
    %slice3A_37 = vector.extract_strided_slice %slice3A {offsets = [0, 3], sizes = [512, 1], strides = [1, 1]} : vector<512x4xf32> to vector<512x1xf32>
    %squeeze3A_38 = vector.shape_cast %slice3A_37 : vector<512x1xf32> to vector<512xf32>
    %add3A_39 = arith.addf %squeeze3A_36, %squeeze3A_38 : vector<512xf32>
    %slice3A_40 = vector.extract_strided_slice %slice3A {offsets = [0, 2], sizes = [512, 1], strides = [1, 1]} : vector<512x4xf32> to vector<512x1xf32>
    %squeeze3A_41 = vector.shape_cast %slice3A_40 : vector<512x1xf32> to vector<512xf32>
    %slice3A_42 = vector.extract_strided_slice %slice3A {offsets = [0, 3], sizes = [512, 1], strides = [1, 1]} : vector<512x4xf32> to vector<512x1xf32>
    %squeeze3A_43 = vector.shape_cast %slice3A_42 : vector<512x1xf32> to vector<512xf32>
    %add3A_44 = arith.addf %squeeze3A_41, %squeeze3A_43 : vector<512xf32>
    %stack3A = vector.shape_cast %add3A_19 : vector<512xf32> to vector<512x1xf32>
    %stack3A_45 = vector.shape_cast %add3A_24 : vector<512xf32> to vector<512x1xf32>
    %stack3A_46 = vector.shape_cast %add3A_29 : vector<512xf32> to vector<512x1xf32>
    %stack3A_47 = vector.shape_cast %add3A_34 : vector<512xf32> to vector<512x1xf32>
    %stack3A_48 = vector.shape_cast %add3A_39 : vector<512xf32> to vector<512x1xf32>
    %stack3A_49 = vector.shape_cast %add3A_44 : vector<512xf32> to vector<512x1xf32>
    %stack3A_50 = tpu.concatenate %stack3A, %stack3A_45, %stack3A_46, %stack3A_47, %stack3A_48, %stack3A_49 in 1 : vector<512x1xf32>, vector<512x1xf32>, vector<512x1xf32>, vector<512x1xf32>, vector<512x1xf32>, vector<512x1xf32> -> vector<512x6xf32>
    %reduce_max3A = arith.constant dense<0xFF800000> : vector<512xf32>
    %reduce_max3A_51 = vector.multi_reduction <maximumf>, %stack3A_50, %reduce_max3A [1] : vector<512x6xf32> to vector<512xf32>
    %slice3A_52 = vector.extract_strided_slice %add3A_15 {offsets = [0, 4], sizes = [512, 4], strides = [1, 1]} : vector<512x8xf32> to vector<512x4xf32>
    %slice3A_53 = vector.extract_strided_slice %slice3A_52 {offsets = [0, 0], sizes = [512, 1], strides = [1, 1]} : vector<512x4xf32> to vector<512x1xf32>
    %squeeze3A_54 = vector.shape_cast %slice3A_53 : vector<512x1xf32> to vector<512xf32>
    %slice3A_55 = vector.extract_strided_slice %slice3A_52 {offsets = [0, 1], sizes = [512, 1], strides = [1, 1]} : vector<512x4xf32> to vector<512x1xf32>
    %squeeze3A_56 = vector.shape_cast %slice3A_55 : vector<512x1xf32> to vector<512xf32>
    %add3A_57 = arith.addf %squeeze3A_54, %squeeze3A_56 : vector<512xf32>
    %slice3A_58 = vector.extract_strided_slice %slice3A_52 {offsets = [0, 0], sizes = [512, 1], strides = [1, 1]} : vector<512x4xf32> to vector<512x1xf32>
    %squeeze3A_59 = vector.shape_cast %slice3A_58 : vector<512x1xf32> to vector<512xf32>
    %slice3A_60 = vector.extract_strided_slice %slice3A_52 {offsets = [0, 2], sizes = [512, 1], strides = [1, 1]} : vector<512x4xf32> to vector<512x1xf32>
    %squeeze3A_61 = vector.shape_cast %slice3A_60 : vector<512x1xf32> to vector<512xf32>
    %add3A_62 = arith.addf %squeeze3A_59, %squeeze3A_61 : vector<512xf32>
    %slice3A_63 = vector.extract_strided_slice %slice3A_52 {offsets = [0, 0], sizes = [512, 1], strides = [1, 1]} : vector<512x4xf32> to vector<512x1xf32>
    %squeeze3A_64 = vector.shape_cast %slice3A_63 : vector<512x1xf32> to vector<512xf32>
    %slice3A_65 = vector.extract_strided_slice %slice3A_52 {offsets = [0, 3], sizes = [512, 1], strides = [1, 1]} : vector<512x4xf32> to vector<512x1xf32>
    %squeeze3A_66 = vector.shape_cast %slice3A_65 : vector<512x1xf32> to vector<512xf32>
    %add3A_67 = arith.addf %squeeze3A_64, %squeeze3A_66 : vector<512xf32>
    %slice3A_68 = vector.extract_strided_slice %slice3A_52 {offsets = [0, 1], sizes = [512, 1], strides = [1, 1]} : vector<512x4xf32> to vector<512x1xf32>
    %squeeze3A_69 = vector.shape_cast %slice3A_68 : vector<512x1xf32> to vector<512xf32>
    %slice3A_70 = vector.extract_strided_slice %slice3A_52 {offsets = [0, 2], sizes = [512, 1], strides = [1, 1]} : vector<512x4xf32> to vector<512x1xf32>
    %squeeze3A_71 = vector.shape_cast %slice3A_70 : vector<512x1xf32> to vector<512xf32>
    %add3A_72 = arith.addf %squeeze3A_69, %squeeze3A_71 : vector<512xf32>
    %slice3A_73 = vector.extract_strided_slice %slice3A_52 {offsets = [0, 1], sizes = [512, 1], strides = [1, 1]} : vector<512x4xf32> to vector<512x1xf32>
    %squeeze3A_74 = vector.shape_cast %slice3A_73 : vector<512x1xf32> to vector<512xf32>
    %slice3A_75 = vector.extract_strided_slice %slice3A_52 {offsets = [0, 3], sizes = [512, 1], strides = [1, 1]} : vector<512x4xf32> to vector<512x1xf32>
    %squeeze3A_76 = vector.shape_cast %slice3A_75 : vector<512x1xf32> to vector<512xf32>
    %add3A_77 = arith.addf %squeeze3A_74, %squeeze3A_76 : vector<512xf32>
    %slice3A_78 = vector.extract_strided_slice %slice3A_52 {offsets = [0, 2], sizes = [512, 1], strides = [1, 1]} : vector<512x4xf32> to vector<512x1xf32>
    %squeeze3A_79 = vector.shape_cast %slice3A_78 : vector<512x1xf32> to vector<512xf32>
    %slice3A_80 = vector.extract_strided_slice %slice3A_52 {offsets = [0, 3], sizes = [512, 1], strides = [1, 1]} : vector<512x4xf32> to vector<512x1xf32>
    %squeeze3A_81 = vector.shape_cast %slice3A_80 : vector<512x1xf32> to vector<512xf32>
    %add3A_82 = arith.addf %squeeze3A_79, %squeeze3A_81 : vector<512xf32>
    %stack3A_83 = vector.shape_cast %add3A_57 : vector<512xf32> to vector<512x1xf32>
    %stack3A_84 = vector.shape_cast %add3A_62 : vector<512xf32> to vector<512x1xf32>
    %stack3A_85 = vector.shape_cast %add3A_67 : vector<512xf32> to vector<512x1xf32>
    %stack3A_86 = vector.shape_cast %add3A_72 : vector<512xf32> to vector<512x1xf32>
    %stack3A_87 = vector.shape_cast %add3A_77 : vector<512xf32> to vector<512x1xf32>
    %stack3A_88 = vector.shape_cast %add3A_82 : vector<512xf32> to vector<512x1xf32>
    %stack3A_89 = tpu.concatenate %stack3A_83, %stack3A_84, %stack3A_85, %stack3A_86, %stack3A_87, %stack3A_88 in 1 : vector<512x1xf32>, vector<512x1xf32>, vector<512x1xf32>, vector<512x1xf32>, vector<512x1xf32>, vector<512x1xf32> -> vector<512x6xf32>
    %reduce_max3A_90 = arith.constant dense<0xFF800000> : vector<512xf32>
    %reduce_max3A_91 = vector.multi_reduction <maximumf>, %stack3A_89, %reduce_max3A_90 [1] : vector<512x6xf32> to vector<512xf32>
    %ge3A = arith.cmpf oge, %reduce_max3A_51, %reduce_max3A_91 : vector<512xf32>
    %convert_element_type3A = arith.extui %ge3A : vector<512xi1> to vector<512xi32>
    %convert_element_type3A_92 = arith.sitofp %convert_element_type3A : vector<512xi32> to vector<512xf32>
    %iota3A = tpu.iota {dimensions = array<i32: 1>} : vector<512x8xi32>
    %convert_element_type3A_93 = arith.sitofp %iota3A : vector<512x8xi32> to vector<512x8xf32>
    %lt3A = arith.constant 4 : i32
    %lt3A_94 = vector.broadcast %lt3A : i32 to vector<512x8xi32>
    %lt3A_95 = arith.cmpi slt, %iota3A, %lt3A_94 : vector<512x8xi32>
    %convert_element_type3A_96 = arith.extui %lt3A_95 : vector<512x8xi1> to vector<512x8xi32>
    %convert_element_type3A_97 = arith.sitofp %convert_element_type3A_96 : vector<512x8xi32> to vector<512x8xf32>
    %broadcast_in_dim3A_98 = vector.shape_cast %convert_element_type3A_92 : vector<512xf32> to vector<512x1xf32>
    %mul3A = vector.broadcast %broadcast_in_dim3A_98 : vector<512x1xf32> to vector<512x8xf32>
    %mul3A_99 = arith.mulf %mul3A, %convert_element_type3A_97 : vector<512x8xf32>
    %broadcast_in_dim3A_100 = vector.shape_cast %convert_element_type3A_92 : vector<512xf32> to vector<512x1xf32>
    %sub3A = arith.constant 1.000000e+00 : f32
    %sub3A_101 = vector.broadcast %sub3A : f32 to vector<512x1xf32>
    %sub3A_102 = arith.subf %sub3A_101, %broadcast_in_dim3A_100 : vector<512x1xf32>
    %sub3A_103 = arith.constant 1.000000e+00 : f32
    %sub3A_104 = vector.broadcast %sub3A_103 : f32 to vector<512x8xf32>
    %sub3A_105 = arith.subf %sub3A_104, %convert_element_type3A_97 : vector<512x8xf32>
    %mul3A_106 = vector.broadcast %sub3A_102 : vector<512x1xf32> to vector<512x8xf32>
    %mul3A_107 = arith.mulf %mul3A_106, %sub3A_105 : vector<512x8xf32>
    %add3A_108 = arith.addf %mul3A_99, %mul3A_107 : vector<512x8xf32>
    %mul3A_109 = arith.mulf %add3A_15, %add3A_108 : vector<512x8xf32>
    %sub3A_110 = arith.constant 1.000000e+00 : f32
    %sub3A_111 = vector.broadcast %sub3A_110 : f32 to vector<512x8xf32>
    %sub3A_112 = arith.subf %sub3A_111, %add3A_108 : vector<512x8xf32>
    %mul3A_113 = arith.constant 1.000000e+09 : f32
    %mul3A_114 = vector.broadcast %mul3A_113 : f32 to vector<512x8xf32>
    %mul3A_115 = arith.mulf %mul3A_114, %sub3A_112 : vector<512x8xf32>
    %sub3A_116 = arith.subf %mul3A_109, %mul3A_115 : vector<512x8xf32>
    %reduce_max3A_117 = arith.constant dense<0xFF800000> : vector<512xf32>
    %reduce_max3A_118 = vector.multi_reduction <maximumf>, %sub3A_116, %reduce_max3A_117 [1] : vector<512x8xf32> to vector<512xf32>
    %broadcast_in_dim3A_119 = vector.shape_cast %reduce_max3A_118 : vector<512xf32> to vector<512x1xf32>
    %ne3A = vector.broadcast %broadcast_in_dim3A_119 : vector<512x1xf32> to vector<512x8xf32>
    %ne3A_120 = arith.cmpf one, %sub3A_116, %ne3A : vector<512x8xf32>
    %convert_element_type3A_121 = arith.extui %ne3A_120 : vector<512x8xi1> to vector<512x8xi32>
    %convert_element_type3A_122 = arith.sitofp %convert_element_type3A_121 : vector<512x8xi32> to vector<512x8xf32>
    %mul3A_123 = arith.constant 9.000000e+00 : f32
    %mul3A_124 = vector.broadcast %mul3A_123 : f32 to vector<512x8xf32>
    %mul3A_125 = arith.mulf %mul3A_124, %convert_element_type3A_122 : vector<512x8xf32>
    %add3A_126 = arith.addf %convert_element_type3A_93, %mul3A_125 : vector<512x8xf32>
    %reduce_min3A = arith.constant dense<0x7F800000> : vector<512xf32>
    %reduce_min3A_127 = vector.multi_reduction <minimumf>, %add3A_126, %reduce_min3A [1] : vector<512x8xf32> to vector<512xf32>
    %broadcast_in_dim3A_128 = vector.shape_cast %reduce_min3A_127 : vector<512xf32> to vector<512x1xf32>
    %eq3A = vector.broadcast %broadcast_in_dim3A_128 : vector<512x1xf32> to vector<512x8xf32>
    %eq3A_129 = arith.cmpf oeq, %convert_element_type3A_93, %eq3A : vector<512x8xf32>
    %convert_element_type3A_130 = arith.extui %eq3A_129 : vector<512x8xi1> to vector<512x8xi32>
    %convert_element_type3A_131 = arith.sitofp %convert_element_type3A_130 : vector<512x8xi32> to vector<512x8xf32>
    %mul3A_132 = arith.constant 2.000000e+09 : f32
    %mul3A_133 = vector.broadcast %mul3A_132 : f32 to vector<512x8xf32>
    %mul3A_134 = arith.mulf %mul3A_133, %convert_element_type3A_131 : vector<512x8xf32>
    %sub3A_135 = arith.subf %sub3A_116, %mul3A_134 : vector<512x8xf32>
    %reduce_max3A_136 = arith.constant dense<0xFF800000> : vector<512xf32>
    %reduce_max3A_137 = vector.multi_reduction <maximumf>, %sub3A_135, %reduce_max3A_136 [1] : vector<512x8xf32> to vector<512xf32>
    %broadcast_in_dim3A_138 = vector.shape_cast %reduce_max3A_137 : vector<512xf32> to vector<512x1xf32>
    %ne3A_139 = vector.broadcast %broadcast_in_dim3A_138 : vector<512x1xf32> to vector<512x8xf32>
    %ne3A_140 = arith.cmpf one, %sub3A_135, %ne3A_139 : vector<512x8xf32>
    %convert_element_type3A_141 = arith.extui %ne3A_140 : vector<512x8xi1> to vector<512x8xi32>
    %convert_element_type3A_142 = arith.sitofp %convert_element_type3A_141 : vector<512x8xi32> to vector<512x8xf32>
    %mul3A_143 = arith.constant 9.000000e+00 : f32
    %mul3A_144 = vector.broadcast %mul3A_143 : f32 to vector<512x8xf32>
    %mul3A_145 = arith.mulf %mul3A_144, %convert_element_type3A_142 : vector<512x8xf32>
    %add3A_146 = arith.addf %convert_element_type3A_93, %mul3A_145 : vector<512x8xf32>
    %reduce_min3A_147 = arith.constant dense<0x7F800000> : vector<512xf32>
    %reduce_min3A_148 = vector.multi_reduction <minimumf>, %add3A_146, %reduce_min3A_147 [1] : vector<512x8xf32> to vector<512xf32>
    %broadcast_in_dim3A_149 = vector.shape_cast %reduce_min3A_148 : vector<512xf32> to vector<512x1xf32>
    %eq3A_150 = vector.broadcast %broadcast_in_dim3A_149 : vector<512x1xf32> to vector<512x8xf32>
    %eq3A_151 = arith.cmpf oeq, %convert_element_type3A_93, %eq3A_150 : vector<512x8xf32>
    %convert_element_type3A_152 = arith.extui %eq3A_151 : vector<512x8xi1> to vector<512x8xi32>
    %convert_element_type3A_153 = arith.sitofp %convert_element_type3A_152 : vector<512x8xi32> to vector<512x8xf32>
    %mul3A_154 = arith.mulf %div3A_11, %convert_element_type3A_131 : vector<512x8xf32>
    %reduce_sum3A = arith.constant dense<0.000000e+00> : vector<512xf32>
    %reduce_sum3A_155 = vector.multi_reduction <add>, %mul3A_154, %reduce_sum3A [1] : vector<512x8xf32> to vector<512xf32>
    %mul3A_156 = arith.mulf %div3A_11, %convert_element_type3A_153 : vector<512x8xf32>
    %reduce_sum3A_157 = arith.constant dense<0.000000e+00> : vector<512xf32>
    %reduce_sum3A_158 = vector.multi_reduction <add>, %mul3A_156, %reduce_sum3A_157 [1] : vector<512x8xf32> to vector<512xf32>
    %add3A_159 = arith.addf %reduce_sum3A_155, %reduce_sum3A_158 : vector<512xf32>
    %add3A_160 = arith.constant 9.99999968E-21 : f32
    %add3A_161 = vector.broadcast %add3A_160 : f32 to vector<512xf32>
    %add3A_162 = arith.addf %add3A_159, %add3A_161 : vector<512xf32>
    %div3A_163 = arith.divf %reduce_sum3A_155, %add3A_162 : vector<512xf32>
    %mul3A_164 = arith.constant 2.500000e+00 : f32
    %mul3A_165 = vector.broadcast %mul3A_164 : f32 to vector<512xf32>
    %mul3A_166 = arith.mulf %div3A_163, %mul3A_165 : vector<512xf32>
    %div3A_167 = arith.divf %reduce_sum3A_158, %add3A_162 : vector<512xf32>
    %mul3A_168 = arith.constant 2.500000e+00 : f32
    %mul3A_169 = vector.broadcast %mul3A_168 : f32 to vector<512xf32>
    %mul3A_170 = arith.mulf %div3A_167, %mul3A_169 : vector<512xf32>
    %broadcast_in_dim3A_171 = vector.shape_cast %reduce_min3A_127 : vector<512xf32> to vector<512x1xf32>
    %convert_element_type3A_172 = arith.fptosi %broadcast_in_dim3A_171 : vector<512x1xf32> to vector<512x1xi32>
    %broadcast_in_dim3A_173 = vector.shape_cast %reduce_min3A_148 : vector<512xf32> to vector<512x1xf32>
    %convert_element_type3A_174 = arith.fptosi %broadcast_in_dim3A_173 : vector<512x1xf32> to vector<512x1xi32>
    %concatenate3A = tpu.concatenate %convert_element_type3A_172, %convert_element_type3A_174 in 1 : vector<512x1xi32>, vector<512x1xi32> -> vector<512x2xi32>
    %swap3A = arith.constant 0 : index
    %swap3A_175 = arith.constant 0 : index
    %swap3A_176 = vector.load %arg4[%swap3A, %swap3A_175] : memref<512x2xi32, #tpu.memory_space<vmem>>, vector<512x2xi32>
    tpu.vector_store %arg4[%swap3A, %swap3A_175], %concatenate3A {strides = array<i32>} : memref<512x2xi32, #tpu.memory_space<vmem>>, vector<512x2xi32>,
    %broadcast_in_dim3A_177 = vector.shape_cast %mul3A_166 : vector<512xf32> to vector<512x1xf32>
    %broadcast_in_dim3A_178 = vector.shape_cast %mul3A_170 : vector<512xf32> to vector<512x1xf32>
    %concatenate3A_179 = tpu.concatenate %broadcast_in_dim3A_177, %broadcast_in_dim3A_178 in 1 : vector<512x1xf32>, vector<512x1xf32> -> vector<512x2xf32>
    %swap3A_180 = arith.constant 0 : index
    %swap3A_181 = arith.constant 0 : index
    %swap3A_182 = vector.load %arg5[%swap3A_180, %swap3A_181] : memref<512x2xf32, #tpu.memory_space<vmem>>, vector<512x2xf32>
    tpu.vector_store %arg5[%swap3A_180, %swap3A_181], %concatenate3A_179 {strides = array<i32>} : memref<512x2xf32, #tpu.memory_space<vmem>>, vector<512x2xf32>,
    return
  }
  func.func @transform_0(%arg0: i32) -> (i32, i32) {
    %c0_i32 = arith.constant 0 : i32
    %c0_i32_0 = arith.constant 0 : i32
    return %arg0, %c0_i32 : i32, i32
  }
  func.func @transform_1(%arg0: i32) -> (i32, i32) {
    %c0_i32 = arith.constant 0 : i32
    %c0_i32_0 = arith.constant 0 : i32
    %c0_i32_1 = arith.constant 0 : i32
    return %c0_i32, %c0_i32_0 : i32, i32
  }
  func.func @transform_2(%arg0: i32) -> i32 {
    %c0_i32 = arith.constant 0 : i32
    %c0_i32_0 = arith.constant 0 : i32
    return %c0_i32 : i32
  }
  func.func @transform_3(%arg0: i32) -> (i32, i32) {
    %c0_i32 = arith.constant 0 : i32
    %c0_i32_0 = arith.constant 0 : i32
    return %arg0, %c0_i32 : i32, i32
  }
  func.func @transform_4(%arg0: i32) -> (i32, i32) {
    %c0_i32 = arith.constant 0 : i32
    %c0_i32_0 = arith.constant 0 : i32
    return %arg0, %c0_i32 : i32, i32
  }
}

module attributes {stable_mosaic.version = 14 : i64} {
  func.func @_ggemm_body(%arg0: i32, %arg1: memref<48xi32, #tpu.memory_space<smem>>, %arg2: memref<128x1024xf32, #tpu.memory_space<vmem>>, %arg3: memref<1x1024x1024xf32, #tpu.memory_space<vmem>>, %arg4: memref<1x512x1024xf32, #tpu.memory_space<vmem>>, %arg5: memref<128x1xf32, #tpu.memory_space<vmem>>, %arg6: memref<128x1024xf32, #tpu.memory_space<vmem>>) attributes {dimension_semantics = [#tpu.dimension_semantics<arbitrary>], iteration_bounds = array<i64: 40>, scalar_prefetch = 1 : i64, scratch_operands = 0 : i64, tpu.core_type = #tpu.core_type<tc>, window_params = [{transform_indices = @transform_0, window_bounds = array<i64: 128, 1024>}, {transform_indices = @transform_1, window_bounds = array<i64: 1, 1024, 1024>}, {transform_indices = @transform_2, window_bounds = array<i64: 1, 512, 1024>}, {transform_indices = @transform_3, window_bounds = array<i64: 128, 1>}, {transform_indices = @transform_4, window_bounds = array<i64: 128, 1024>}]} {
    %get3A = arith.constant 0 : index
    %get3A_0 = arith.constant 0 : index
    %get3A_1 = vector.load %arg2[%get3A, %get3A_0] : memref<128x1024xf32, #tpu.memory_space<vmem>>, vector<128x1024xf32>
    %get3A_2 = arith.constant 0 : index
    %get3A_3 = arith.constant 0 : index
    %get3A_4 = arith.constant 0 : index
    %get3A_5 = vector.load %arg3[%get3A_2, %get3A_3, %get3A_4] : memref<1x1024x1024xf32, #tpu.memory_space<vmem>>, vector<1x1024x1024xf32>
    %get3A_6 = vector.shape_cast %get3A_5 : vector<1x1024x1024xf32> to vector<1024x1024xf32>
    %dot_general3A = arith.constant dense<0.000000e+00> : vector<128x1024xf32>
    %dot_general3A_7 = tpu.matmul %get3A_1, %get3A_6, %dot_general3A {dimension_numbers = #tpu.dot_dimension_numbers<[1], [0], [0], [1], [0, 0, 1, 1], [], []>, transpose_lhs_hint = false} : vector<128x1024xf32>, vector<1024x1024xf32>, vector<128x1024xf32> -> vector<128x1024xf32>
    %slice3A = vector.extract_strided_slice %dot_general3A_7 {offsets = [0, 0], sizes = [128, 512], strides = [1, 1]} : vector<128x1024xf32> to vector<128x512xf32>
    %slice3A_8 = vector.extract_strided_slice %dot_general3A_7 {offsets = [0, 512], sizes = [128, 512], strides = [1, 1]} : vector<128x1024xf32> to vector<128x512xf32>
    %neg3A = arith.constant 0.000000e+00 : f32
    %neg3A_9 = vector.broadcast %neg3A : f32 to vector<128x512xf32>
    %neg3A_10 = arith.subf %neg3A_9, %slice3A : vector<128x512xf32>
    %exp3A = math.exp %neg3A_10 : vector<128x512xf32>
    %add3A = arith.constant 1.000000e+00 : f32
    %add3A_11 = vector.broadcast %add3A : f32 to vector<128x512xf32>
    %add3A_12 = arith.addf %add3A_11, %exp3A : vector<128x512xf32>
    %div3A = arith.constant 1.000000e+00 : f32
    %div3A_13 = vector.broadcast %div3A : f32 to vector<128x512xf32>
    %div3A_14 = arith.divf %div3A_13, %add3A_12 : vector<128x512xf32>
    %mul3A = arith.mulf %slice3A, %div3A_14 : vector<128x512xf32>
    %mul3A_15 = arith.mulf %mul3A, %slice3A_8 : vector<128x512xf32>
    %get3A_16 = arith.constant 0 : index
    %get3A_17 = arith.constant 0 : index
    %get3A_18 = arith.constant 0 : index
    %get3A_19 = vector.load %arg4[%get3A_16, %get3A_17, %get3A_18] : memref<1x512x1024xf32, #tpu.memory_space<vmem>>, vector<1x512x1024xf32>
    %get3A_20 = vector.shape_cast %get3A_19 : vector<1x512x1024xf32> to vector<512x1024xf32>
    %dot_general3A_21 = arith.constant dense<0.000000e+00> : vector<128x1024xf32>
    %dot_general3A_22 = tpu.matmul %mul3A_15, %get3A_20, %dot_general3A_21 {dimension_numbers = #tpu.dot_dimension_numbers<[1], [0], [0], [1], [0, 0, 1, 1], [], []>, transpose_lhs_hint = false} : vector<128x512xf32>, vector<512x1024xf32>, vector<128x1024xf32> -> vector<128x1024xf32>
    %get3A_23 = arith.constant 0 : index
    %get3A_24 = arith.constant 0 : index
    %get3A_25 = vector.load %arg5[%get3A_23, %get3A_24] : memref<128x1xf32, #tpu.memory_space<vmem>>, vector<128x1xf32>
    %mul3A_26 = vector.broadcast %get3A_25 : vector<128x1xf32> to vector<128x1024xf32>
    %mul3A_27 = arith.mulf %dot_general3A_22, %mul3A_26 : vector<128x1024xf32>
    %swap3A = arith.constant 0 : index
    %swap3A_28 = arith.constant 0 : index
    %swap3A_29 = vector.load %arg6[%swap3A, %swap3A_28] : memref<128x1024xf32, #tpu.memory_space<vmem>>, vector<128x1024xf32>
    tpu.vector_store %arg6[%swap3A, %swap3A_28], %mul3A_27 {strides = array<i32>} : memref<128x1024xf32, #tpu.memory_space<vmem>>, vector<128x1024xf32>,
    return
  }
  func.func @transform_0(%arg0: i32, %arg1: memref<48xi32, #tpu.memory_space<smem>>) -> (i32, i32) {
    %c0_i32 = arith.constant 0 : i32
    %c0_i32_0 = arith.constant 0 : i32
    return %arg0, %c0_i32 : i32, i32
  }
  func.func @transform_1(%arg0: i32, %arg1: memref<48xi32, #tpu.memory_space<smem>>) -> (i32, i32, i32) {
    %get3A = arith.index_cast %arg0 : i32 to index
    %get3A_0 = memref.load %arg1[%get3A] : memref<48xi32, #tpu.memory_space<smem>>
    %c0_i32 = arith.constant 0 : i32
    %c0_i32_1 = arith.constant 0 : i32
    %c0_i32_2 = arith.constant 0 : i32
    return %get3A_0, %c0_i32, %c0_i32_1 : i32, i32, i32
  }
  func.func @transform_2(%arg0: i32, %arg1: memref<48xi32, #tpu.memory_space<smem>>) -> (i32, i32, i32) {
    %get3A = arith.index_cast %arg0 : i32 to index
    %get3A_0 = memref.load %arg1[%get3A] : memref<48xi32, #tpu.memory_space<smem>>
    %c0_i32 = arith.constant 0 : i32
    %c0_i32_1 = arith.constant 0 : i32
    %c0_i32_2 = arith.constant 0 : i32
    return %get3A_0, %c0_i32, %c0_i32_1 : i32, i32, i32
  }
  func.func @transform_3(%arg0: i32, %arg1: memref<48xi32, #tpu.memory_space<smem>>) -> (i32, i32) {
    %c0_i32 = arith.constant 0 : i32
    %c0_i32_0 = arith.constant 0 : i32
    return %arg0, %c0_i32 : i32, i32
  }
  func.func @transform_4(%arg0: i32, %arg1: memref<48xi32, #tpu.memory_space<smem>>) -> (i32, i32) {
    %c0_i32 = arith.constant 0 : i32
    %c0_i32_0 = arith.constant 0 : i32
    return %arg0, %c0_i32 : i32, i32
  }
}

module attributes {stable_mosaic.version = 14 : i64} {
  func.func @_shared_body(%arg0: i32, %arg1: memref<512x1024xf32, #tpu.memory_space<vmem>>, %arg2: memref<1024x2048xf32, #tpu.memory_space<vmem>>, %arg3: memref<1024x1024xf32, #tpu.memory_space<vmem>>, %arg4: memref<512x1024xf32, #tpu.memory_space<vmem>>) attributes {dimension_semantics = [#tpu.dimension_semantics<arbitrary>], iteration_bounds = array<i64: 4>, scalar_prefetch = 0 : i64, scratch_operands = 0 : i64, tpu.core_type = #tpu.core_type<tc>, window_params = [{transform_indices = @transform_0, window_bounds = array<i64: 512, 1024>}, {pipeline_mode = #tpu.pipeline_mode<synchronous>, transform_indices = @transform_1, window_bounds = array<i64: 1024, 2048>}, {pipeline_mode = #tpu.pipeline_mode<synchronous>, transform_indices = @transform_2, window_bounds = array<i64: 1024, 1024>}, {transform_indices = @transform_3, window_bounds = array<i64: 512, 1024>}]} {
    %get3A = arith.constant 0 : index
    %get3A_0 = arith.constant 0 : index
    %get3A_1 = vector.load %arg1[%get3A, %get3A_0] : memref<512x1024xf32, #tpu.memory_space<vmem>>, vector<512x1024xf32>
    %get3A_2 = arith.constant 0 : index
    %get3A_3 = arith.constant 0 : index
    %get3A_4 = vector.load %arg2[%get3A_2, %get3A_3] : memref<1024x2048xf32, #tpu.memory_space<vmem>>, vector<1024x2048xf32>
    %dot_general3A = arith.constant dense<0.000000e+00> : vector<512x2048xf32>
    %dot_general3A_5 = tpu.matmul %get3A_1, %get3A_4, %dot_general3A {dimension_numbers = #tpu.dot_dimension_numbers<[1], [0], [0], [1], [0, 0, 1, 1], [], []>, transpose_lhs_hint = false} : vector<512x1024xf32>, vector<1024x2048xf32>, vector<512x2048xf32> -> vector<512x2048xf32>
    %slice3A = vector.extract_strided_slice %dot_general3A_5 {offsets = [0, 0], sizes = [512, 1024], strides = [1, 1]} : vector<512x2048xf32> to vector<512x1024xf32>
    %slice3A_6 = vector.extract_strided_slice %dot_general3A_5 {offsets = [0, 1024], sizes = [512, 1024], strides = [1, 1]} : vector<512x2048xf32> to vector<512x1024xf32>
    %neg3A = arith.constant 0.000000e+00 : f32
    %neg3A_7 = vector.broadcast %neg3A : f32 to vector<512x1024xf32>
    %neg3A_8 = arith.subf %neg3A_7, %slice3A : vector<512x1024xf32>
    %exp3A = math.exp %neg3A_8 : vector<512x1024xf32>
    %add3A = arith.constant 1.000000e+00 : f32
    %add3A_9 = vector.broadcast %add3A : f32 to vector<512x1024xf32>
    %add3A_10 = arith.addf %add3A_9, %exp3A : vector<512x1024xf32>
    %div3A = arith.constant 1.000000e+00 : f32
    %div3A_11 = vector.broadcast %div3A : f32 to vector<512x1024xf32>
    %div3A_12 = arith.divf %div3A_11, %add3A_10 : vector<512x1024xf32>
    %mul3A = arith.mulf %slice3A, %div3A_12 : vector<512x1024xf32>
    %mul3A_13 = arith.mulf %mul3A, %slice3A_6 : vector<512x1024xf32>
    %get3A_14 = arith.constant 0 : index
    %get3A_15 = arith.constant 0 : index
    %get3A_16 = vector.load %arg3[%get3A_14, %get3A_15] : memref<1024x1024xf32, #tpu.memory_space<vmem>>, vector<1024x1024xf32>
    %dot_general3A_17 = arith.constant dense<0.000000e+00> : vector<512x1024xf32>
    %dot_general3A_18 = tpu.matmul %mul3A_13, %get3A_16, %dot_general3A_17 {dimension_numbers = #tpu.dot_dimension_numbers<[1], [0], [0], [1], [0, 0, 1, 1], [], []>, transpose_lhs_hint = false} : vector<512x1024xf32>, vector<1024x1024xf32>, vector<512x1024xf32> -> vector<512x1024xf32>
    %swap3A = arith.constant 0 : index
    %swap3A_19 = arith.constant 0 : index
    %swap3A_20 = vector.load %arg4[%swap3A, %swap3A_19] : memref<512x1024xf32, #tpu.memory_space<vmem>>, vector<512x1024xf32>
    tpu.vector_store %arg4[%swap3A, %swap3A_19], %dot_general3A_18 {strides = array<i32>} : memref<512x1024xf32, #tpu.memory_space<vmem>>, vector<512x1024xf32>,
    return
  }
  func.func @transform_0(%arg0: i32) -> (i32, i32) {
    %c0_i32 = arith.constant 0 : i32
    %c0_i32_0 = arith.constant 0 : i32
    return %arg0, %c0_i32 : i32, i32
  }
  func.func @transform_1(%arg0: i32) -> (i32, i32) {
    %c0_i32 = arith.constant 0 : i32
    %c0_i32_0 = arith.constant 0 : i32
    %c0_i32_1 = arith.constant 0 : i32
    return %c0_i32, %c0_i32_0 : i32, i32
  }
  func.func @transform_2(%arg0: i32) -> (i32, i32) {
    %c0_i32 = arith.constant 0 : i32
    %c0_i32_0 = arith.constant 0 : i32
    %c0_i32_1 = arith.constant 0 : i32
    return %c0_i32, %c0_i32_0 : i32, i32
  }
  func.func @transform_3(%arg0: i32) -> (i32, i32) {
    %c0_i32 = arith.constant 0 : i32
    %c0_i32_0 = arith.constant 0 : i32
    return %arg0, %c0_i32 : i32, i32
  }
}

module attributes {stable_mosaic.version = 14 : i64} {
  func.func @_combine_body(%arg0: i32, %arg1: memref<512x2048xf32, #tpu.memory_space<vmem>>, %arg2: memref<512x1024xf32, #tpu.memory_space<vmem>>, %arg3: memref<512x1024xf32, #tpu.memory_space<vmem>>) attributes {dimension_semantics = [#tpu.dimension_semantics<arbitrary>], iteration_bounds = array<i64: 4>, scalar_prefetch = 0 : i64, scratch_operands = 0 : i64, tpu.core_type = #tpu.core_type<tc>, window_params = [{transform_indices = @transform_0, window_bounds = array<i64: 512, 2048>}, {transform_indices = @transform_1, window_bounds = array<i64: 512, 1024>}, {transform_indices = @transform_2, window_bounds = array<i64: 512, 1024>}]} {
    %get3A = arith.constant 0 : index
    %get3A_0 = arith.constant 0 : index
    %get3A_1 = vector.load %arg1[%get3A, %get3A_0] : memref<512x2048xf32, #tpu.memory_space<vmem>>, vector<512x2048xf32>
    %slice3A = vector.extract_strided_slice %get3A_1 {offsets = [0, 0], sizes = [512, 1024], strides = [1, 1]} : vector<512x2048xf32> to vector<512x1024xf32>
    %slice3A_2 = vector.extract_strided_slice %get3A_1 {offsets = [0, 1024], sizes = [512, 1024], strides = [1, 1]} : vector<512x2048xf32> to vector<512x1024xf32>
    %add3A = arith.addf %slice3A, %slice3A_2 : vector<512x1024xf32>
    %get3A_3 = arith.constant 0 : index
    %get3A_4 = arith.constant 0 : index
    %get3A_5 = vector.load %arg2[%get3A_3, %get3A_4] : memref<512x1024xf32, #tpu.memory_space<vmem>>, vector<512x1024xf32>
    %add3A_6 = arith.addf %add3A, %get3A_5 : vector<512x1024xf32>
    %swap3A = arith.constant 0 : index
    %swap3A_7 = arith.constant 0 : index
    %swap3A_8 = vector.load %arg3[%swap3A, %swap3A_7] : memref<512x1024xf32, #tpu.memory_space<vmem>>, vector<512x1024xf32>
    tpu.vector_store %arg3[%swap3A, %swap3A_7], %add3A_6 {strides = array<i32>} : memref<512x1024xf32, #tpu.memory_space<vmem>>, vector<512x1024xf32>,
    return
  }
  func.func @transform_0(%arg0: i32) -> (i32, i32) {
    %c0_i32 = arith.constant 0 : i32
    %c0_i32_0 = arith.constant 0 : i32
    return %arg0, %c0_i32 : i32, i32
  }
  func.func @transform_1(%arg0: i32) -> (i32, i32) {
    %c0_i32 = arith.constant 0 : i32
    %c0_i32_0 = arith.constant 0 : i32
    return %arg0, %c0_i32 : i32, i32
  }
  func.func @transform_2(%arg0: i32) -> (i32, i32) {
    %c0_i32 = arith.constant 0 : i32
    %c0_i32_0 = arith.constant 0 : i32
    return %arg0, %c0_i32 : i32, i32
  }
}

</mosaic_0001>

<sc_bundles>
// kernel: kernel.11.cloned.1.call-start
scs
__scs_entry_jumppad:
0x0: {  	(pc) =	sbr.rel $0x88, $3  }
0x1: {  	(tag) =	ssettag $0x0;
	lr =	simm.s32 $0x1  }
0x2: {  	[smem:$0x3F9A] =	sst lr;
	_ =	strace $0xD0000000  }
0x3: {  	_ = 	snop  }
0x4: {  	_ = 	snop  }
0x5: {  	_ = 	snop  }
0x6: {  	_ = 	snop  }
0x7: {  	_ = 	snop  }
__scs_overlays_trampoline_lowered:
0x8: {  	[smem:$0x3FA9] =	sst s0  }
0x9: {  	[smem:$0x3FAA] =	sst s1  }
0xa: {  	[smem:$0x3FAB] =	sst s2  }
0xb: {  	[smem:$0x3FAC] =	sst s3  }
0xc: {  	[smem:$0x3FAD] =	sst s4  }
0xd: {  	[smem:$0x3FAE] =	sst s5  }
0xe: {  	[smem:$0x3FAF] =	sst s6  }
0xf: {  	[smem:$0x3FB0] =	sst s7  }
0x10: {  	[smem:$0x3FB1] =	sst s8  }
0x11: {  	[smem:$0x3FB2] =	sst s9;
	s0 =	simm.s32 @!p0 $0x0  }
0x12: {  	s1 =	sld [smem:$0x3F98];
	s0 =	simm.s32 @p0 $0x1  }
0x13: {  	[smem:$0x3FB3] =	sst s0;
	s0 =	simm.s32 @!p1 $0x0  }
0x14: {  	s2 =	sld [smem:$0x3F97];
	s0 =	simm.s32 @p1 $0x1  }
0x15: {  	[smem:$0x3FB4] =	sst s0;
	s0 =	simm.s32 @!p2 $0x0  }
0x16: {  	s3 =	sld [smem:$0x3FDB];
	s0 =	simm.s32 @p2 $0x1  }
0x17: {  	s4 =	simm.s32 $0x1BF5;
	[smem:$0x3FB6] =	sst s0  }
0x18: {  	s0 =	sld [smem:$0x3F99];
	_ =	swait.ge [sflag:s4], $0x0  }
0x19: {  	s7 =	sld [smem:$0x3F9A]  }
0x1a: {  	s8 =	sadd.s32 $0xFFFFE003, lr  }
0x1b: {  	s9 =	sadd.s32 $0xFFFFFEF7, lr;
	s5 =	simm.s32 $0xFFFFFFFF;
	p2 =	slt.u32 s8, $0xFFFFF086  }
0x1c: {  	p1 =	slt.u32 s9, $0xF7A;
	s5 =	simm.s32 @!p2 $0x0  }
0x1d: {  	s5 =	simm.s32 @p1 $0x1;
	p0 =	seq.s32 s7, s2  }
0x1e: {  	s7 =	smul.u32 @!p0 $0xF7A, s2;
	p2 =	seq.s32 @!p0 s5, $0x0  }
0x1f: {  	s9 =	smul.u32 $0xF7A, s1;
	s8 =	simm.s32 @!p0 $0x1BF5;
	p2 =	por !p2, p0  }
0x20: {  	[sflag:s8] =	ssyncset.s32 @!p0 $0xFFFFF086;
	s6 =	sadd.s32 @!p0 s3, s7;
	s7 =	simm.s32 @!p0 $0x108  }
0x21: {  	s3 =	sadd.s32 s3, s9;
	s6 =	sadd.s32 @!p0 $0x88, s6;
	s7 =	simm.s32 @p2 $0x1082  }
0x22: {  	[simem:s7], [sflag:s8] =	dma.local @!p0 [hbm:s6], $0xF7A  }
0x23: {  	s9 =	sor.u32 $0xD0000000, s2;
	s6 =	simm.s32 $0x108;
	_ =	swait.ge @!p0 [sflag:s8], $0x0  }
0x24: {  	s3 =	sadd.s32 $0x88, s3;
	s6 =	simm.s32 @!p1 $0x1082;
	[sflag:s4] =	ssyncset.s32 $0xFFFFF086  }
0x25: {  	[simem:s6], [sflag:s4] =	dma.local [hbm:s3], $0xF7A  }
0x26: {  	[smem:$0x3F9A] =	sst s1;
	(tag) =	ssettag s2;
	_ =	strace s9  }
0x27: {  	s1 =	sld [smem:$0x3FAA]  }
0x28: {  	s2 =	sld [smem:$0x3FAB]  }
0x29: {  	s4 =	sld [smem:$0x3FAD]  }
0x2a: {  	p0 =	seq.s32 s5, $0x0;
	s5 =	sld [smem:$0x3FAE]  }
0x2b: {  	s6 =	sld [smem:$0x3FAF]  }
0x2c: {  	s7 =	sld [smem:$0x3FB0]  }
0x2d: {  	s3 =	simm.s32 $0x108;
	s8 =	sld [smem:$0x3FB1]  }
0x2e: {  	s3 =	simm.s32 @!p0 $0x1082;
	s9 =	sld [smem:$0x3FB2]  }
0x2f: {  	lr =	sadd.s32 s0, s3;
	s0 =	sld [smem:$0x3FA9]  }
0x30: {  	s3 =	sld [smem:$0x3FAC]  }
0x31: {  	[smem:$0x3FB5] =	sst s10  }
0x32: {  	s10 =	sld [smem:$0x3FB3];
	_ =	sdelay $0x3  }
0x33: {  	p0 =	seq.s32 s10, $0x1;
	s10 =	sld [smem:$0x3FB5];
	_ =	sdelay $0x3  }
0x34: {  	[smem:$0x3FB5] =	sst s10  }
0x35: {  	s10 =	sld [smem:$0x3FB4];
	_ =	sdelay $0x3  }
0x36: {  	p1 =	seq.s32 s10, $0x1;
	s10 =	sld [smem:$0x3FB5];
	_ =	sdelay $0x3  }
0x37: {  	[smem:$0x3FB5] =	sst s10  }
0x38: {  	s10 =	sld [smem:$0x3FB6]  }
0x39: {  	_ = 	snop;
	(pc) =	sbr.ind lr, $3  }
0x3a: {  	_ = 	snop  }
0x3b: {  	_ = 	snop  }
0x3c: {  	p2 =	seq.s32 s10, $0x1;
	s10 =	sld [smem:$0x3FB5]  }
0x3d: {  	_ =	shalt  }
0x3e: {  	_ =	shalt  }
0x3f: {  	_ =	shalt  }
0x40: {  	_ =	shalt  }
0x41: {  	_ =	shalt  }
0x42: {  	_ =	shalt  }
0x43: {  	_ =	shalt  }
0x44: {  	_ =	shalt  }
0x45: {  	_ =	shalt  }
0x46: {  	_ =	shalt  }
0x47: {  	_ =	shalt  }
0x48: {  	_ =	shalt  }
0x49: {  	_ =	shalt  }
0x4a: {  	_ =	shalt  }
0x4b: {  	_ =	shalt  }
0x4c: {  	_ =	shalt  }
0x4d: {  	_ =	shalt  }
0x4e: {  	_ =	shalt  }
0x4f: {  	_ =	shalt  }
0x50: {  	_ =	shalt  }
0x51: {  	_ =	shalt  }
0x52: {  	_ =	shalt  }
0x53: {  	_ =	shalt  }
0x54: {  	_ =	shalt  }
0x55: {  	_ =	shalt  }
0x56: {  	_ =	shalt  }
0x57: {  	_ =	shalt  }
0x58: {  	_ =	shalt  }
0x59: {  	_ =	shalt  }
0x5a: {  	_ =	shalt  }
0x5b: {  	_ =	shalt  }
0x5c: {  	_ =	shalt  }
0x5d: {  	_ =	shalt  }
0x5e: {  	_ =	shalt  }
0x5f: {  	_ =	shalt  }
0x60: {  	_ =	shalt  }
0x61: {  	_ =	shalt  }
0x62: {  	_ =	shalt  }
0x63: {  	_ =	shalt  }
0x64: {  	_ =	shalt  }
0x65: {  	_ =	shalt  }
0x66: {  	_ =	shalt  }
0x67: {  	_ =	shalt  }
0x68: {  	_ =	shalt  }
0x69: {  	_ =	shalt  }
0x6a: {  	_ =	shalt  }
0x6b: {  	_ =	shalt  }
0x6c: {  	_ =	shalt  }
0x6d: {  	_ =	shalt  }
0x6e: {  	_ =	shalt  }
0x6f: {  	_ =	shalt  }
0x70: {  	_ =	shalt  }
0x71: {  	_ =	shalt  }
0x72: {  	_ =	shalt  }
0x73: {  	_ =	shalt  }
0x74: {  	_ =	shalt  }
0x75: {  	_ =	shalt  }
0x76: {  	_ =	shalt  }
0x77: {  	_ =	shalt  }
0x78: {  	_ =	shalt  }
0x79: {  	_ =	shalt  }
0x7a: {  	_ =	shalt  }
0x7b: {  	_ =	shalt  }
0x7c: {  	_ =	shalt  }
0x7d: {  	_ =	shalt  }
0x7e: {  	_ =	shalt  }
0x7f: {  	_ =	shalt  }
0x80: {  	_ =	shalt  }
0x81: {  	_ =	shalt  }
0x82: {  	_ =	shalt  }
0x83: {  	_ =	shalt  }
0x84: {  	_ =	shalt  }
0x85: {  	_ =	shalt  }
0x86: {  	_ =	shalt  }
0x87: {  	_ =	shalt  }
.Lfunc_end0:
.L_simem_size_0:
called_computation.1_lowered:
.L_overlay_start_0:
0x88: {  	s2 =	sld [smem:$0x3FD9]  }
0x89: {  	s3 =	sld [smem:$0x3FFE];
	_ =	sdelay $0x1  }
0x8a: {  	s1 =	srdreg.scid  }
0x8b: {  	s0 =	sand.u32 $0x1, s1  }
0x8c: {  	s16 =	sshll.u32 s0, $0xA;
	s2 =	sadd.s32 s3, s2  }
0x8d: {  	s2 =	sadd.s32 s2, s16  }
0x8e: {  	[smem:$0x3FC1] =	sst s2  }
0x8f: {  	_ = 	snop  }
0x90: {  	(tm) =	ssettm $0x1  }
0x91: {  	s17 =	sld [smem:$0x3FFB];
	_ =	sdelay $0x3  }
0x92: {  	_ =	strace s17  }
0x93: {  	s2 =	sld [smem:$0x3FFC];
	_ =	sdelay $0x3  }
0x94: {  	_ =	strace s2  }
0x95: {  	s2 =	sld [smem:$0x3FFD];
	_ =	sdelay $0x3  }
0x96: {  	_ =	strace s2  }
0x97: {  	_ =	strace $0x8FFFFFFF  }
0x98: {  	s18 =	sld [smem:$0x3FDB];
	_ =	sdelay $0x1  }
0x99: {  	s19 =	simm.s32 $_scs_section_size  }
0x9a: {  	s4 =	simm.s32 $_size__tile_overlayer_lowered;
	s5 =	simm.s32 $_tile_overlayer_lowered  }
0x9b: {  	s22 =	simm.s32 $0x1BFF;
	s21 =	sshll.u32 s5, $0x1;
	s2 =	sadd.s32 s19, s18  }
0x9c: {  	s6 =	simm.s32 $0x0;
	s20 =	sshll.u32 s4, $0x1;
	s4 =	sadd.s32 s21, s2  }
0x9d: {  	[timem:s6], [sflag:s22] =	dma.local [hbm:s4], s20  }
0x9e: {  	_ =	swait.ge [sflag:s22], s20  }
0x9f: {  	s3 =	ssub.s32 $0x0, s20;
	[sflag:s22] =	ssyncset.done $0x0  }
0xa0: {  	[sflag:s22] =	ssyncadd.s32 s3;
	_ =	sdelay $0x1  }
0xa1: {  	s23 =	simm.s32 $0x1B8B  }
0xa2: {  	_ =	swait.ge [sflag:s23], $0x1  }
0xa3: {  	[sflag:s23] =	ssyncset.done $0x0  }
0xa4: {  	s25 =	simm.s32 $0x1B8E;
	s24 =	sld [smem:$0x3FFE];
	[sflag:s23] =	ssyncadd.s32 $0xFFFFFFFF  }
0xa5: {  	s26 =	simm.s32 $execute0_lowered;
	[smem:$0x3FD2] =	sst s25  }
0xa6: {  	s4 =	sshll.u32 s26, $0x1;
	_ =	strace $0x80000049;
	[dreg:$0x1] =	wrdreg $0xFFFFFFFF  }
0xa7: {  	s28 =	simm.s32 $_size_execute0_lowered;
	s2 =	sadd.s32 s2, s4;
	[dreg:$0x0] =	wrdreg $0x0  }
0xa8: {  	s4 =	sshll.u32 s28, $0x1;
	[dreg:$0x2] =	wrdreg s2  }
0xa9: {  	[dreg:$0x3] =	wrdreg s4  }
0xaa: {  	[dreg:$0x4] =	wrdreg $0xC0  }
0xab: {  	_ =	task [dreg:s6], $0x5FFFF  }
0xac: {  	[dreg:$0x1] =	wrdreg $0xFFFFFFFF  }
0xad: {  	[dreg:$0x0] =	wrdreg $0x60  }
0xae: {  	[dreg:$0x2] =	wrdreg s24  }
0xaf: {  	[dreg:$0x3] =	wrdreg $0x9  }
0xb0: {  	_ =	task.clear_ibuf [dreg:s6], $0x4FFFF;
	_ =	strace $0x90000049  }
0xb1: {  	s29 =	simm.s32 $0x9;
	_ =	strace $0x8000004B  }
0xb2: {  	_ =	swait.ge [sflag:s29], $0x1  }
0xb3: {  	[sflag:s29] =	ssyncadd.s32 $0xFFFFFFFF  }
0xb4: {  	_ =	strace $0x9000004B  }
0xb5: {  	_ =	sfence  }
0xb6: {  	s30 =	sld [smem:$0x0];
	_ =	sdelay $0x2  }
0xb7: {  	s31 =	sshll.u32 s1, $0xD;
	s1 =	sshrl.u32 s1, $0x2  }
0xb8: {  	s3 =	sand.u32 $0x4000, s31;
	s1 =	sadd.s32 s1, s30  }
0xb9: {  	s0 =	sor.u32 s3, s0;
	s1 =	sshll.u32 s1, $0x11  }
0xba: {  	s0 =	sor.u32 s1, s0  }
0xbb: {  	s0 =	sadd.s32 $0x8F2B, s0  }
0xbc: {  	[sflag:s0] =	ssyncadd.remote.s32 $0x1  }
0xbd: {  	_ =	sfence.sel $0xFFFF  }
0xbe: {  	[dreg:$0x0] =	wrdreg $0xFFFFFFFF;
	(pc) =	sbr.abs _section_cstart, $3  }
0xbf: {  	[dreg:$0x1] =	wrdreg $0xFFFFFFFF  }
0xc0: {  	_ =	task.clear_ibuf [dreg:s6], $0x2FFFF;
	_ =	strace $0x9FFFFFFF  }
0xc1: {  	(tm) =	ssettm $0x7FFFFFFF  }
tec
execute0_lowered:
.L_overlay_start_1:
0x0: {  	(tag) =	ssettag $0x1  }
0x1: {  	s0 =	rddreg [dreg:$0x0]  }
0x2: {  	s2 =	simm.s32 $0x0;
	s1 =	srdreg.scid;
	s3 =	stileid.u32  }
0x3: {  	s24 =	simm.s32 $0x80;
	s25 =	simm.s32 $0x100;
	s26 =	simm.s32 $0x180  }
0x4: {  	s28 =	simm.s32 $0x3200;
	s29 =	simm.s32 $0x3A00;
	s30 =	simm.s32 $0x4200  }
0x5: {  	s31 =	simm.s32 $0x4A00;
	s12 =	simm.s32 $0x7200;
	[smem:$0x7FF] =	sst s2  }
0x6: {  	s1 =	sand.u32 $0x1, s1;
	s4 =	sadd.s32 $0xA3800, s0;
	s5 =	sshll.u32 s3, $0x8  }
0x7: {  	s3 =	sadd.s32 $0xA3A00, s0;
	_ =	strace $0x8000004A;
	[dreg:$0xa] =	wrdreg s24  }
0x8: {  	s13 =	sadd.s32 $0x3000, s0;
	s6 =	sshll.u32 s1, $0x7;
	[dreg:$0xb] =	wrdreg s25  }
0x9: {  	s1 =	ssub.s32 $0x2, s1;
	[dreg:$0xc] =	wrdreg s26;
	s25 =	simm.s32 $0x200  }
0xa: {  	s24 =	simm.s32 $0x2200;
	s5 =	sor.u32 s6, s5;
	s7 =	sshrl.u32 s1, $0x1  }
0xb: {  	s26 =	simm.s32 $0x2A00;
	s8 =	sshrl.u32 s5, $0x3;
	s1 =	ssub.s32 s1, s7  }
0xc: {  	s15 =	sor.u32 $0x20, s5;
	s9 =	sor.u32 $0x40, s5;
	s11 =	sor.u32 $0x60, s5  }
0xd: {  	s5 =	sshll.u32 s5, $0x7;
	s14 =	sadd.s32 s4, s8;
	s16 =	sshrl.u32 s15, $0x3  }
0xe: {  	s10 =	sshrl.u32 s9, $0x3;
	s18 =	sshrl.u32 s11, $0x3;
	s19 =	sadd.s32 s13, s5  }
0xf: {  	s20 =	sshll.u32 s15, $0x7;
	s22 =	sshll.u32 s9, $0x7;
	s23 =	sshll.u32 s11, $0x7  }
0x10: {  	s8 =	simm.s32 $0x3;
	s11 =	simm.s32 $0x6A00;
	s15 =	simm.s32 $0x9200  }
0x11: {  	[dreg:$0x2] =	wrdreg s14;
	s7 =	sadd.s32 s4, s16;
	s17 =	sadd.s32 s4, s10  }
0x12: {  	s4 =	sadd.s32 s4, s18;
	[dreg:$0x6] =	wrdreg s19;
	s21 =	sadd.s32 s13, s20  }
0x13: {  	s5 =	sadd.s32 s13, s22;
	s6 =	sadd.s32 s13, s23;
	[dreg:$0x3] =	wrdreg s7  }
0x14: {  	s22 =	simm.s32 $0x1200;
	s23 =	simm.s32 $0x1A00;
	[dreg:$0x4] =	wrdreg s17  }
0x15: {  	s10 =	simm.s32 $0x6200;
	s13 =	simm.s32 $0x7A00;
	[dreg:$0x5] =	wrdreg s4  }
0x16: {  	s18 =	simm.s32 $0x8200;
	s14 =	simm.s32 $0x8A00;
	[dreg:$0x7] =	wrdreg s21  }
0x17: {  	v2 =	vlaneseq.u32;
	s16 =	simm.s32 $0x9A00;
	s19 =	simm.s32 $0xB200;
	[dreg:$0x8] =	wrdreg s5  }
0x18: {  	vm0 =	vmmov $0xffff;
	v1 =	vshrl.u32 v2, $0x3;
	s4 =	sadd.s32 $0xA3B00, s0;
	s5 =	sadd.s32 $0xA3C00, s0;
	[dreg:$0x9] =	wrdreg s6  }
0x19: {  	v0 =	vand.u32 $0x7, v2;
	v2 =	vor.u32 $0x8, v2;
	v1 =	vmul.u32 $0x8, v1;
	s6 =	sadd.s32 $0xA3D00, s0;
	s7 =	smax.u32 s1, $0x1;
	s17 =	simm.s32 $0xA200  }
.LBB2_1:
0x1a: {  	s20 =	rddreg [dreg:$0x2]  }
0x1b: {  	[tilespmem:s2], [sflag:$0x3] =	stream.linear.gather [hbm4b:s20+s2], $0x20, $0x38;
	[tilespmem:$0x10200] =	vst v63  }
0x1c: {  	_ =	swait.ge [sflag:s8], $0x20  }
0x1d: {  	s9 =	rddreg [dreg:$0x3];
	[sflag:s8] =	ssyncset.done $0x0  }
0x1e: {  	s21 =	rddreg [dreg:$0xa];
	[sflag:s8] =	ssyncadd.s32 $0xFFFFFFE0  }
0x1f: {  	[tilespmem:s21], [sflag:$0x3] =	stream.linear.gather [hbm4b:s9+s2], $0x20, $0x38;
	[tilespmem:$0x10200] =	vst v63  }
0x20: {  	_ =	swait.ge [sflag:s8], $0x20  }
0x21: {  	s21 =	rddreg [dreg:$0x4];
	[sflag:s8] =	ssyncset.done $0x0  }
0x22: {  	s0 =	rddreg [dreg:$0xb];
	[sflag:s8] =	ssyncadd.s32 $0xFFFFFFE0  }
0x23: {  	[tilespmem:s0], [sflag:$0x3] =	stream.linear.gather [hbm4b:s21+s2], $0x20, $0x38;
	[tilespmem:$0x10200] =	vst v63  }
0x24: {  	_ =	swait.ge [sflag:s8], $0x20  }
0x25: {  	s1 =	rddreg [dreg:$0x5];
	[sflag:s8] =	ssyncset.done $0x0  }
0x26: {  	s9 =	rddreg [dreg:$0xc];
	[sflag:s8] =	ssyncadd.s32 $0xFFFFFFE0  }
0x27: {  	[tilespmem:s9], [sflag:$0x3] =	stream.linear.gather [hbm4b:s1+s2], $0x20, $0x38;
	[tilespmem:$0x10200] =	vst v63  }
0x28: {  	_ =	swait.ge [sflag:s8], $0x20  }
0x29: {  	[sflag:s8] =	ssyncset.done $0x0  }
0x2a: {  	[sflag:s8] =	ssyncadd.s32 $0xFFFFFFE0  }
0x2b: {  	v3 =	vld [tilespmem:$0x0];
	_ =	sdelay $0x4  }
0x2c: {  	v4 =	vshll.u32 v3, $0x3  }
0x2d: {  	v3 =	vand.u32 $0x7, v3;
	v4 =	vand.u32 $0xFFFFFFC0, v4  }
0x2e: {  	v3 =	vor.u32 v3, v4  }
0x2f: {  	v4 =	vperm.xlane v3, v0;
	_ =	sdelay $0x1  }
0x30: {  	v4 =	vadd.s32 v1, v4;
	_ =	sdelay $0x4  }
0x31: {  	[tilespmem:s25], [sflag:$0x1] =	stream.indirect_vreg.gather [hbm4b:s3+s2], $0x80, v4, vm0, $0xb8;
	[tilespmem:$0x10200] =	vst v63  }
0x32: {  	s21 =	simm.s32 $0xA00;
	v3 =	vperm.xlane v3, v2  }
0x33: {  	[tilespmem:s21], [sflag:$0x1] =	stream.indirect_vreg.gather [hbm4b:s4+s2], $0x80, v4, vm0, $0xb8;
	[tilespmem:$0x10200] =	vst v63  }
0x34: {  	v3 =	vadd.s32 v1, v3  }
0x35: {  	[tilespmem:s22], [sflag:$0x1] =	stream.indirect_vreg.gather [hbm4b:s5+s2], $0x80, v4, vm0, $0xb8;
	[tilespmem:$0x10200] =	vst v63  }
0x36: {  	_ = 	snop  }
0x37: {  	[tilespmem:s23], [sflag:$0x1] =	stream.indirect_vreg.gather [hbm4b:s6+s2], $0x80, v4, vm0, $0xb8;
	[tilespmem:$0x10200] =	vst v63  }
0x38: {  	_ = 	snop  }
0x39: {  	[tilespmem:s24], [sflag:$0x1] =	stream.indirect_vreg.gather [hbm4b:s3+s2], $0x80, v3, vm0, $0xb8;
	[tilespmem:$0x10200] =	vst v63  }
0x3a: {  	_ = 	snop  }
0x3b: {  	[tilespmem:s26], [sflag:$0x1] =	stream.indirect_vreg.gather [hbm4b:s4+s2], $0x80, v3, vm0, $0xb8;
	[tilespmem:$0x10200] =	vst v63  }
0x3c: {  	_ = 	snop  }
0x3d: {  	[tilespmem:s28], [sflag:$0x1] =	stream.indirect_vreg.gather [hbm4b:s5+s2], $0x80, v3, vm0, $0xb8;
	[tilespmem:$0x10200] =	vst v63  }
0x3e: {  	_ = 	snop  }
0x3f: {  	[tilespmem:s29], [sflag:$0x1] =	stream.indirect_vreg.gather [hbm4b:s6+s2], $0x80, v3, vm0, $0xb8;
	[tilespmem:$0x10200] =	vst v63  }
0x40: {  	v3 =	vld [tilespmem:$0x10];
	_ =	sdelay $0x4  }
0x41: {  	v57 =	vshll.u32 v3, $0x3  }
0x42: {  	v3 =	vand.u32 $0x7, v3;
	v4 =	vand.u32 $0xFFFFFFC0, v57  }
0x43: {  	v3 =	vor.u32 v3, v4  }
0x44: {  	v4 =	vperm.xlane v3, v0;
	_ =	sdelay $0x1  }
0x45: {  	v4 =	vadd.s32 v1, v4;
	_ =	sdelay $0x4  }
0x46: {  	[tilespmem:s30], [sflag:$0x1] =	stream.indirect_vreg.gather [hbm4b:s3+s2], $0x80, v4, vm0, $0xb8;
	[tilespmem:$0x10200] =	vst v63  }
0x47: {  	v3 =	vperm.xlane v3, v2  }
0x48: {  	[tilespmem:s31], [sflag:$0x1] =	stream.indirect_vreg.gather [hbm4b:s4+s2], $0x80, v4, vm0, $0xb8;
	[tilespmem:$0x10200] =	vst v63  }
0x49: {  	s9 =	simm.s32 $0x5200;
	v3 =	vadd.s32 v1, v3  }
0x4a: {  	[tilespmem:s9], [sflag:$0x1] =	stream.indirect_vreg.gather [hbm4b:s5+s2], $0x80, v4, vm0, $0xb8;
	[tilespmem:$0x10200] =	vst v63  }
0x4b: {  	s1 =	simm.s32 $0x5A00  }
0x4c: {  	[tilespmem:s1], [sflag:$0x1] =	stream.indirect_vreg.gather [hbm4b:s6+s2], $0x80, v4, vm0, $0xb8;
	[tilespmem:$0x10200] =	vst v63  }
0x4d: {  	_ = 	snop  }
0x4e: {  	[tilespmem:s10], [sflag:$0x1] =	stream.indirect_vreg.gather [hbm4b:s3+s2], $0x80, v3, vm0, $0xb8;
	[tilespmem:$0x10200] =	vst v63  }
0x4f: {  	_ = 	snop  }
0x50: {  	[tilespmem:s11], [sflag:$0x1] =	stream.indirect_vreg.gather [hbm4b:s4+s2], $0x80, v3, vm0, $0xb8;
	[tilespmem:$0x10200] =	vst v63  }
0x51: {  	_ = 	snop  }
0x52: {  	[tilespmem:s12], [sflag:$0x1] =	stream.indirect_vreg.gather [hbm4b:s5+s2], $0x80, v3, vm0, $0xb8;
	[tilespmem:$0x10200] =	vst v63  }
0x53: {  	_ = 	snop  }
0x54: {  	[tilespmem:s13], [sflag:$0x1] =	stream.indirect_vreg.gather [hbm4b:s6+s2], $0x80, v3, vm0, $0xb8;
	[tilespmem:$0x10200] =	vst v63  }
0x55: {  	v3 =	vld [tilespmem:$0x80];
	_ =	sdelay $0x4  }
0x56: {  	v58 =	vshll.u32 v3, $0x3  }
0x57: {  	v3 =	vand.u32 $0x7, v3;
	v4 =	vand.u32 $0xFFFFFFC0, v58  }
0x58: {  	v3 =	vor.u32 v3, v4  }
0x59: {  	v4 =	vperm.xlane v3, v0;
	_ =	sdelay $0x1  }
0x5a: {  	v4 =	vadd.s32 v1, v4;
	_ =	sdelay $0x4  }
0x5b: {  	[tilespmem:s18], [sflag:$0x2] =	stream.indirect_vreg.gather [hbm4b:s3+s2], $0x80, v4, vm0, $0xb8;
	[tilespmem:$0x10200] =	vst v63  }
0x5c: {  	v3 =	vperm.xlane v3, v2  }
0x5d: {  	[tilespmem:s14], [sflag:$0x2] =	stream.indirect_vreg.gather [hbm4b:s4+s2], $0x80, v4, vm0, $0xb8;
	[tilespmem:$0x10200] =	vst v63  }
0x5e: {  	v3 =	vadd.s32 v1, v3  }
0x5f: {  	[tilespmem:s15], [sflag:$0x2] =	stream.indirect_vreg.gather [hbm4b:s5+s2], $0x80, v4, vm0, $0xb8;
	[tilespmem:$0x10200] =	vst v63  }
0x60: {  	_ = 	snop  }
0x61: {  	[tilespmem:s16], [sflag:$0x2] =	stream.indirect_vreg.gather [hbm4b:s6+s2], $0x80, v4, vm0, $0xb8;
	[tilespmem:$0x10200] =	vst v63  }
0x62: {  	_ = 	snop  }
0x63: {  	[tilespmem:s17], [sflag:$0x2] =	stream.indirect_vreg.gather [hbm4b:s3+s2], $0x80, v3, vm0, $0xb8;
	[tilespmem:$0x10200] =	vst v63  }
0x64: {  	s0 =	simm.s32 $0xAA00  }
0x65: {  	[tilespmem:s0], [sflag:$0x2] =	stream.indirect_vreg.gather [hbm4b:s4+s2], $0x80, v3, vm0, $0xb8;
	[tilespmem:$0x10200] =	vst v63  }
0x66: {  	_ = 	snop  }
0x67: {  	[tilespmem:s19], [sflag:$0x2] =	stream.indirect_vreg.gather [hbm4b:s5+s2], $0x80, v3, vm0, $0xb8;
	[tilespmem:$0x10200] =	vst v63  }
0x68: {  	s20 =	simm.s32 $0xBA00  }
0x69: {  	[tilespmem:s20], [sflag:$0x2] =	stream.indirect_vreg.gather [hbm4b:s6+s2], $0x80, v3, vm0, $0xb8;
	[tilespmem:$0x10200] =	vst v63  }
0x6a: {  	v3 =	vld [tilespmem:$0x90];
	_ =	sdelay $0x4  }
0x6b: {  	v59 =	vshll.u32 v3, $0x3  }
0x6c: {  	v3 =	vand.u32 $0x7, v3;
	v4 =	vand.u32 $0xFFFFFFC0, v59  }
0x6d: {  	v3 =	vor.u32 v3, v4  }
0x6e: {  	v4 =	vperm.xlane v3, v0;
	_ =	sdelay $0x1  }
0x6f: {  	v4 =	vadd.s32 v1, v4;
	_ =	sdelay $0x3  }
0x70: {  	s20 =	simm.s32 $0xC200  }
0x71: {  	[tilespmem:s20], [sflag:$0x2] =	stream.indirect_vreg.gather [hbm4b:s3+s2], $0x80, v4, vm0, $0xb8;
	[tilespmem:$0x10200] =	vst v63  }
0x72: {  	v3 =	vperm.xlane v3, v2;
	s20 =	simm.s32 $0xCA00  }
0x73: {  	[tilespmem:s20], [sflag:$0x2] =	stream.indirect_vreg.gather [hbm4b:s4+s2], $0x80, v4, vm0, $0xb8;
	[tilespmem:$0x10200] =	vst v63  }
0x74: {  	v3 =	vadd.s32 v1, v3;
	s20 =	simm.s32 $0xD200  }
0x75: {  	[tilespmem:s20], [sflag:$0x2] =	stream.indirect_vreg.gather [hbm4b:s5+s2], $0x80, v4, vm0, $0xb8;
	[tilespmem:$0x10200] =	vst v63  }
0x76: {  	s20 =	simm.s32 $0xDA00  }
0x77: {  	[tilespmem:s20], [sflag:$0x2] =	stream.indirect_vreg.gather [hbm4b:s6+s2], $0x80, v4, vm0, $0xb8;
	[tilespmem:$0x10200] =	vst v63  }
0x78: {  	s20 =	simm.s32 $0xE200  }
0x79: {  	[tilespmem:s20], [sflag:$0x2] =	stream.indirect_vreg.gather [hbm4b:s3+s2], $0x80, v3, vm0, $0xb8;
	[tilespmem:$0x10200] =	vst v63  }
0x7a: {  	s20 =	simm.s32 $0xEA00  }
0x7b: {  	[tilespmem:s20], [sflag:$0x2] =	stream.indirect_vreg.gather [hbm4b:s4+s2], $0x80, v3, vm0, $0xb8;
	[tilespmem:$0x10200] =	vst v63  }
0x7c: {  	s20 =	simm.s32 $0xF200  }
0x7d: {  	[tilespmem:s20], [sflag:$0x2] =	stream.indirect_vreg.gather [hbm4b:s5+s2], $0x80, v3, vm0, $0xb8;
	[tilespmem:$0x10200] =	vst v63  }
0x7e: {  	s0 =	simm.s32 $0x1;
	s20 =	simm.s32 $0xFA00  }
0x7f: {  	[tilespmem:s20], [sflag:$0x2] =	stream.indirect_vreg.gather [hbm4b:s6+s2], $0x80, v3, vm0, $0xb8;
	[tilespmem:$0x10200] =	vst v63  }
0x80: {  	_ =	swait.ge [sflag:s0], $0x8000  }
0x81: {  	[sflag:s0] =	ssyncset.done $0x0  }
0x82: {  	s20 =	rddreg [dreg:$0x6];
	[sflag:s0] =	ssyncadd.s32 $0xFFFF8000  }
0x83: {  	[hbm4b:s20+s2] =	stream.linear.scatter [tilespmem:s25], [sflag:$0x3], $0x8000, $0x38;
	[tilespmem:$0x10200] =	vst v63  }
0x84: {  	_ =	swait.ge [sflag:s8], $0x8000  }
0x85: {  	[sflag:s8] =	ssyncset.done $0x0  }
0x86: {  	[sflag:s8] =	ssyncadd.s32 $0xFFFF8000  }
0x87: {  	v3 =	vld [tilespmem:$0x100];
	_ =	sdelay $0x4  }
0x88: {  	v60 =	vshll.u32 v3, $0x3  }
0x89: {  	v3 =	vand.u32 $0x7, v3;
	v4 =	vand.u32 $0xFFFFFFC0, v60  }
0x8a: {  	v3 =	vor.u32 v3, v4  }
0x8b: {  	v4 =	vperm.xlane v3, v0;
	_ =	sdelay $0x1  }
0x8c: {  	v4 =	vadd.s32 v1, v4;
	_ =	sdelay $0x4  }
0x8d: {  	[tilespmem:s25], [sflag:$0x1] =	stream.indirect_vreg.gather [hbm4b:s3+s2], $0x80, v4, vm0, $0xb8;
	[tilespmem:$0x10200] =	vst v63  }
0x8e: {  	v3 =	vperm.xlane v3, v2  }
0x8f: {  	[tilespmem:s21], [sflag:$0x1] =	stream.indirect_vreg.gather [hbm4b:s4+s2], $0x80, v4, vm0, $0xb8;
	[tilespmem:$0x10200] =	vst v63  }
0x90: {  	v3 =	vadd.s32 v1, v3  }
0x91: {  	[tilespmem:s22], [sflag:$0x1] =	stream.indirect_vreg.gather [hbm4b:s5+s2], $0x80, v4, vm0, $0xb8;
	[tilespmem:$0x10200] =	vst v63  }
0x92: {  	_ = 	snop  }
0x93: {  	[tilespmem:s23], [sflag:$0x1] =	stream.indirect_vreg.gather [hbm4b:s6+s2], $0x80, v4, vm0, $0xb8;
	[tilespmem:$0x10200] =	vst v63  }
0x94: {  	_ = 	snop  }
0x95: {  	[tilespmem:s24], [sflag:$0x1] =	stream.indirect_vreg.gather [hbm4b:s3+s2], $0x80, v3, vm0, $0xb8;
	[tilespmem:$0x10200] =	vst v63  }
0x96: {  	_ = 	snop  }
0x97: {  	[tilespmem:s26], [sflag:$0x1] =	stream.indirect_vreg.gather [hbm4b:s4+s2], $0x80, v3, vm0, $0xb8;
	[tilespmem:$0x10200] =	vst v63  }
0x98: {  	_ = 	snop  }
0x99: {  	[tilespmem:s28], [sflag:$0x1] =	stream.indirect_vreg.gather [hbm4b:s5+s2], $0x80, v3, vm0, $0xb8;
	[tilespmem:$0x10200] =	vst v63  }
0x9a: {  	_ = 	snop  }
0x9b: {  	[tilespmem:s29], [sflag:$0x1] =	stream.indirect_vreg.gather [hbm4b:s6+s2], $0x80, v3, vm0, $0xb8;
	[tilespmem:$0x10200] =	vst v63  }
0x9c: {  	v3 =	vld [tilespmem:$0x110];
	_ =	sdelay $0x4  }
0x9d: {  	v61 =	vshll.u32 v3, $0x3  }
0x9e: {  	v3 =	vand.u32 $0x7, v3;
	v4 =	vand.u32 $0xFFFFFFC0, v61  }
0x9f: {  	v3 =	vor.u32 v3, v4  }
0xa0: {  	v4 =	vperm.xlane v3, v0;
	_ =	sdelay $0x1  }
0xa1: {  	v4 =	vadd.s32 v1, v4;
	_ =	sdelay $0x4  }
0xa2: {  	[tilespmem:s30], [sflag:$0x1] =	stream.indirect_vreg.gather [hbm4b:s3+s2], $0x80, v4, vm0, $0xb8;
	[tilespmem:$0x10200] =	vst v63  }
0xa3: {  	v3 =	vperm.xlane v3, v2  }
0xa4: {  	[tilespmem:s31], [sflag:$0x1] =	stream.indirect_vreg.gather [hbm4b:s4+s2], $0x80, v4, vm0, $0xb8;
	[tilespmem:$0x10200] =	vst v63  }
0xa5: {  	v3 =	vadd.s32 v1, v3  }
0xa6: {  	[tilespmem:s9], [sflag:$0x1] =	stream.indirect_vreg.gather [hbm4b:s5+s2], $0x80, v4, vm0, $0xb8;
	[tilespmem:$0x10200] =	vst v63  }
0xa7: {  	_ = 	snop  }
0xa8: {  	[tilespmem:s1], [sflag:$0x1] =	stream.indirect_vreg.gather [hbm4b:s6+s2], $0x80, v4, vm0, $0xb8;
	[tilespmem:$0x10200] =	vst v63  }
0xa9: {  	_ = 	snop  }
0xaa: {  	[tilespmem:s10], [sflag:$0x1] =	stream.indirect_vreg.gather [hbm4b:s3+s2], $0x80, v3, vm0, $0xb8;
	[tilespmem:$0x10200] =	vst v63  }
0xab: {  	_ = 	snop  }
0xac: {  	[tilespmem:s11], [sflag:$0x1] =	stream.indirect_vreg.gather [hbm4b:s4+s2], $0x80, v3, vm0, $0xb8;
	[tilespmem:$0x10200] =	vst v63  }
0xad: {  	_ = 	snop  }
0xae: {  	[tilespmem:s12], [sflag:$0x1] =	stream.indirect_vreg.gather [hbm4b:s5+s2], $0x80, v3, vm0, $0xb8;
	[tilespmem:$0x10200] =	vst v63  }
0xaf: {  	s1 =	simm.s32 $0x2  }
0xb0: {  	[tilespmem:s13], [sflag:$0x1] =	stream.indirect_vreg.gather [hbm4b:s6+s2], $0x80, v3, vm0, $0xb8;
	[tilespmem:$0x10200] =	vst v63  }
0xb1: {  	_ =	swait.ge [sflag:s1], $0x8000  }
0xb2: {  	[sflag:s1] =	ssyncset.done $0x0  }
0xb3: {  	s9 =	rddreg [dreg:$0x7];
	[sflag:s1] =	ssyncadd.s32 $0xFFFF8000  }
0xb4: {  	[hbm4b:s9+s2] =	stream.linear.scatter [tilespmem:s18], [sflag:$0x3], $0x8000, $0x38;
	[tilespmem:$0x10200] =	vst v63  }
0xb5: {  	_ =	swait.ge [sflag:s8], $0x8000  }
0xb6: {  	[sflag:s8] =	ssyncset.done $0x0  }
0xb7: {  	[sflag:s8] =	ssyncadd.s32 $0xFFFF8000  }
0xb8: {  	v3 =	vld [tilespmem:$0x180];
	_ =	sdelay $0x4  }
0xb9: {  	v62 =	vshll.u32 v3, $0x3  }
0xba: {  	v3 =	vand.u32 $0x7, v3;
	v4 =	vand.u32 $0xFFFFFFC0, v62  }
0xbb: {  	v3 =	vor.u32 v3, v4  }
0xbc: {  	v4 =	vperm.xlane v3, v0;
	_ =	sdelay $0x1  }
0xbd: {  	v4 =	vadd.s32 v1, v4;
	_ =	sdelay $0x4  }
0xbe: {  	[tilespmem:s18], [sflag:$0x2] =	stream.indirect_vreg.gather [hbm4b:s3+s2], $0x80, v4, vm0, $0xb8;
	[tilespmem:$0x10200] =	vst v63  }
0xbf: {  	v3 =	vperm.xlane v3, v2  }
0xc0: {  	[tilespmem:s14], [sflag:$0x2] =	stream.indirect_vreg.gather [hbm4b:s4+s2], $0x80, v4, vm0, $0xb8;
	[tilespmem:$0x10200] =	vst v63  }
0xc1: {  	v3 =	vadd.s32 v1, v3  }
0xc2: {  	[tilespmem:s15], [sflag:$0x2] =	stream.indirect_vreg.gather [hbm4b:s5+s2], $0x80, v4, vm0, $0xb8;
	[tilespmem:$0x10200] =	vst v63  }
0xc3: {  	_ = 	snop  }
0xc4: {  	[tilespmem:s16], [sflag:$0x2] =	stream.indirect_vreg.gather [hbm4b:s6+s2], $0x80, v4, vm0, $0xb8;
	[tilespmem:$0x10200] =	vst v63  }
0xc5: {  	_ = 	snop  }
0xc6: {  	[tilespmem:s17], [sflag:$0x2] =	stream.indirect_vreg.gather [hbm4b:s3+s2], $0x80, v3, vm0, $0xb8;
	[tilespmem:$0x10200] =	vst v63  }
0xc7: {  	s20 =	simm.s32 $0xAA00  }
0xc8: {  	[tilespmem:s20], [sflag:$0x2] =	stream.indirect_vreg.gather [hbm4b:s4+s2], $0x80, v3, vm0, $0xb8;
	[tilespmem:$0x10200] =	vst v63  }
0xc9: {  	_ = 	snop  }
0xca: {  	[tilespmem:s19], [sflag:$0x2] =	stream.indirect_vreg.gather [hbm4b:s5+s2], $0x80, v3, vm0, $0xb8;
	[tilespmem:$0x10200] =	vst v63  }
0xcb: {  	s21 =	simm.s32 $0xBA00  }
0xcc: {  	[tilespmem:s21], [sflag:$0x2] =	stream.indirect_vreg.gather [hbm4b:s6+s2], $0x80, v3, vm0, $0xb8;
	[tilespmem:$0x10200] =	vst v63  }
0xcd: {  	v3 =	vld [tilespmem:$0x190];
	_ =	sdelay $0x4  }
0xce: {  	v63 =	vshll.u32 v3, $0x3  }
0xcf: {  	v3 =	vand.u32 $0x7, v3;
	v4 =	vand.u32 $0xFFFFFFC0, v63  }
0xd0: {  	v3 =	vor.u32 v3, v4  }
0xd1: {  	v4 =	vperm.xlane v3, v0;
	_ =	sdelay $0x1  }
0xd2: {  	v4 =	vadd.s32 v1, v4;
	_ =	sdelay $0x3  }
0xd3: {  	s20 =	simm.s32 $0xC200  }
0xd4: {  	[tilespmem:s20], [sflag:$0x2] =	stream.indirect_vreg.gather [hbm4b:s3+s2], $0x80, v4, vm0, $0xb8;
	[tilespmem:$0x10200] =	vst v63  }
0xd5: {  	s21 =	simm.s32 $0xCA00;
	v3 =	vperm.xlane v3, v2  }
0xd6: {  	[tilespmem:s21], [sflag:$0x2] =	stream.indirect_vreg.gather [hbm4b:s4+s2], $0x80, v4, vm0, $0xb8;
	[tilespmem:$0x10200] =	vst v63  }
0xd7: {  	v3 =	vadd.s32 v1, v3;
	s20 =	simm.s32 $0xD200  }
0xd8: {  	[tilespmem:s20], [sflag:$0x2] =	stream.indirect_vreg.gather [hbm4b:s5+s2], $0x80, v4, vm0, $0xb8;
	[tilespmem:$0x10200] =	vst v63  }
0xd9: {  	s21 =	simm.s32 $0xDA00  }
0xda: {  	[tilespmem:s21], [sflag:$0x2] =	stream.indirect_vreg.gather [hbm4b:s6+s2], $0x80, v4, vm0, $0xb8;
	[tilespmem:$0x10200] =	vst v63  }
0xdb: {  	s20 =	simm.s32 $0xE200  }
0xdc: {  	[tilespmem:s20], [sflag:$0x2] =	stream.indirect_vreg.gather [hbm4b:s3+s2], $0x80, v3, vm0, $0xb8;
	[tilespmem:$0x10200] =	vst v63  }
0xdd: {  	s21 =	simm.s32 $0xEA00  }
0xde: {  	[tilespmem:s21], [sflag:$0x2] =	stream.indirect_vreg.gather [hbm4b:s4+s2], $0x80, v3, vm0, $0xb8;
	[tilespmem:$0x10200] =	vst v63  }
0xdf: {  	s20 =	simm.s32 $0xF200  }
0xe0: {  	[tilespmem:s20], [sflag:$0x2] =	stream.indirect_vreg.gather [hbm4b:s5+s2], $0x80, v3, vm0, $0xb8;
	[tilespmem:$0x10200] =	vst v63  }
0xe1: {  	s21 =	simm.s32 $0xFA00  }
0xe2: {  	[tilespmem:s21], [sflag:$0x2] =	stream.indirect_vreg.gather [hbm4b:s6+s2], $0x80, v3, vm0, $0xb8;
	[tilespmem:$0x10200] =	vst v63  }
0xe3: {  	_ =	swait.ge [sflag:s0], $0x8000  }
0xe4: {  	[sflag:s0] =	ssyncset.done $0x0  }
0xe5: {  	s9 =	rddreg [dreg:$0x8];
	[sflag:s0] =	ssyncadd.s32 $0xFFFF8000  }
0xe6: {  	[hbm4b:s9+s2] =	stream.linear.scatter [tilespmem:s25], [sflag:$0x3], $0x8000, $0x38;
	[tilespmem:$0x10200] =	vst v63  }
0xe7: {  	_ =	swait.ge [sflag:s8], $0x8000  }
0xe8: {  	[sflag:s8] =	ssyncset.done $0x0  }
0xe9: {  	[sflag:s8] =	ssyncadd.s32 $0xFFFF8000  }
0xea: {  	_ =	swait.ge [sflag:s1], $0x8000  }
0xeb: {  	p0 =	sne.s32 s7, $0x1;
	[sflag:s1] =	ssyncset.done $0x0  }
.Ltmp0:
0xec: {  	s21 =	rddreg [dreg:$0x9];
	[sflag:s1] =	ssyncadd.s32 $0xFFFF8000;
	(pc) =	sbr.rel @p0 .LBB2_1-.Ltmp0, $4  }
0xed: {  	[hbm4b:s21+s2] =	stream.linear.scatter [tilespmem:s18], [sflag:$0x3], $0x8000, $0x38;
	[tilespmem:$0x10200] =	vst v63  }
0xee: {  	_ =	swait.ge [sflag:s8], $0x8000  }
0xef: {  	[sflag:s8] =	ssyncset.done $0x0  }
0xf0: {  	s7 =	sadd.s32 $0xFFFFFFFF, s7;
	[sflag:s8] =	ssyncadd.s32 $0xFFFF8000  }
0xf1: {  	_ =	sfence.sel $0x180000  }
0xf2: {  	[bflag:$0x0] =	sbarrier.arrive $0xFFFF  }
0xf3: {  	_ =	strace $0x9000004A  }
0xf4: {  	s0 =	stileid.u32;
	[bflag:$0x2] =	sbarrier.arrive $0xFFFF  }
0xf5: {  	p0 =	sne.s32 s0, $0x0;
	s0 =	rddreg [dreg:$0x1]  }
0xf6: {  	s0 =	sadd.s32 @!p0 $0x100000, s0  }
0xf7: {  	[sflag:s0] =	ssyncadd.tile.s32 @!p0 $0x1;
	_ =	shalt  }
.Lfunc_end2:
_tile_overlayer_lowered:
.L_overlay_start_2:
0xf8: {  	(tag) =	ssettag $0x2  }
0xf9: {  	s0 =	rddreg [dreg:$0x0];
	s2 =	stileid.u32  }
0xfa: {  	s1 =	rddreg [dreg:$0x1];
	p0 =	sne.s32 s2, $0x0  }
0xfb: {  	s3 =	rddreg [dreg:$0x2];
	[bflag:$0x3] =	sbarrier.arrive $0xFFFF;
	s2 =	simm.s32 @!p0 $0x1C03  }
0xfc: {  	[timem:s3], [sflag:s2] =	dma.local @!p0 [hbm:s0], s1  }
0xfd: {  	s0 =	simm.s32 @!p0 $0x3  }
0xfe: {  	_ =	swait.ge @!p0 [sflag:s0], s1  }
0xff: {  	s1 =	ssub.s32 @!p0 $0x0, s1;
	[sflag:s0] =	ssyncset.done @!p0 $0x0  }
0x100: {  	[sflag:s0] =	ssyncadd.s32 @!p0 s1  }
0x101: {  	[bflag:$0x3] =	sbarrier.arrive $0xFFFF  }
0x102: {  	_ =	shalt  }

// kernel: kernel.8.cloned.1.call-start
scs
__scs_entry_jumppad:
0x0: {  	(pc) =	sbr.rel $0x88, $3  }
0x1: {  	(tag) =	ssettag $0x0;
	lr =	simm.s32 $0x1  }
0x2: {  	[smem:$0x3F9A] =	sst lr;
	_ =	strace $0xD0000000  }
0x3: {  	_ = 	snop  }
0x4: {  	_ = 	snop  }
0x5: {  	_ = 	snop  }
0x6: {  	_ = 	snop  }
0x7: {  	_ = 	snop  }
__scs_overlays_trampoline_lowered:
0x8: {  	[smem:$0x3FA9] =	sst s0  }
0x9: {  	[smem:$0x3FAA] =	sst s1  }
0xa: {  	[smem:$0x3FAB] =	sst s2  }
0xb: {  	[smem:$0x3FAC] =	sst s3  }
0xc: {  	[smem:$0x3FAD] =	sst s4  }
0xd: {  	[smem:$0x3FAE] =	sst s5  }
0xe: {  	[smem:$0x3FAF] =	sst s6  }
0xf: {  	[smem:$0x3FB0] =	sst s7  }
0x10: {  	[smem:$0x3FB1] =	sst s8  }
0x11: {  	[smem:$0x3FB2] =	sst s9;
	s0 =	simm.s32 @!p0 $0x0  }
0x12: {  	s1 =	sld [smem:$0x3F98];
	s0 =	simm.s32 @p0 $0x1  }
0x13: {  	[smem:$0x3FB3] =	sst s0;
	s0 =	simm.s32 @!p1 $0x0  }
0x14: {  	s2 =	sld [smem:$0x3F97];
	s0 =	simm.s32 @p1 $0x1  }
0x15: {  	[smem:$0x3FB4] =	sst s0;
	s0 =	simm.s32 @!p2 $0x0  }
0x16: {  	s3 =	sld [smem:$0x3FDB];
	s0 =	simm.s32 @p2 $0x1  }
0x17: {  	s4 =	simm.s32 $0x1BF5;
	[smem:$0x3FB6] =	sst s0  }
0x18: {  	s0 =	sld [smem:$0x3F99];
	_ =	swait.ge [sflag:s4], $0x0  }
0x19: {  	s7 =	sld [smem:$0x3F9A]  }
0x1a: {  	s8 =	sadd.s32 $0xFFFFE003, lr  }
0x1b: {  	s9 =	sadd.s32 $0xFFFFFEF7, lr;
	s5 =	simm.s32 $0xFFFFFFFF;
	p2 =	slt.u32 s8, $0xFFFFF086  }
0x1c: {  	p1 =	slt.u32 s9, $0xF7A;
	s5 =	simm.s32 @!p2 $0x0  }
0x1d: {  	s5 =	simm.s32 @p1 $0x1;
	p0 =	seq.s32 s7, s2  }
0x1e: {  	s7 =	smul.u32 @!p0 $0xF7A, s2;
	p2 =	seq.s32 @!p0 s5, $0x0  }
0x1f: {  	s9 =	smul.u32 $0xF7A, s1;
	s8 =	simm.s32 @!p0 $0x1BF5;
	p2 =	por !p2, p0  }
0x20: {  	[sflag:s8] =	ssyncset.s32 @!p0 $0xFFFFF086;
	s6 =	sadd.s32 @!p0 s3, s7;
	s7 =	simm.s32 @!p0 $0x108  }
0x21: {  	s3 =	sadd.s32 s3, s9;
	s6 =	sadd.s32 @!p0 $0x88, s6;
	s7 =	simm.s32 @p2 $0x1082  }
0x22: {  	[simem:s7], [sflag:s8] =	dma.local @!p0 [hbm:s6], $0xF7A  }
0x23: {  	s9 =	sor.u32 $0xD0000000, s2;
	s6 =	simm.s32 $0x108;
	_ =	swait.ge @!p0 [sflag:s8], $0x0  }
0x24: {  	s3 =	sadd.s32 $0x88, s3;
	s6 =	simm.s32 @!p1 $0x1082;
	[sflag:s4] =	ssyncset.s32 $0xFFFFF086  }
0x25: {  	[simem:s6], [sflag:s4] =	dma.local [hbm:s3], $0xF7A  }
0x26: {  	[smem:$0x3F9A] =	sst s1;
	(tag) =	ssettag s2;
	_ =	strace s9  }
0x27: {  	s1 =	sld [smem:$0x3FAA]  }
0x28: {  	s2 =	sld [smem:$0x3FAB]  }
0x29: {  	s4 =	sld [smem:$0x3FAD]  }
0x2a: {  	p0 =	seq.s32 s5, $0x0;
	s5 =	sld [smem:$0x3FAE]  }
0x2b: {  	s6 =	sld [smem:$0x3FAF]  }
0x2c: {  	s7 =	sld [smem:$0x3FB0]  }
0x2d: {  	s3 =	simm.s32 $0x108;
	s8 =	sld [smem:$0x3FB1]  }
0x2e: {  	s3 =	simm.s32 @!p0 $0x1082;
	s9 =	sld [smem:$0x3FB2]  }
0x2f: {  	lr =	sadd.s32 s0, s3;
	s0 =	sld [smem:$0x3FA9]  }
0x30: {  	s3 =	sld [smem:$0x3FAC]  }
0x31: {  	[smem:$0x3FB5] =	sst s10  }
0x32: {  	s10 =	sld [smem:$0x3FB3];
	_ =	sdelay $0x3  }
0x33: {  	p0 =	seq.s32 s10, $0x1;
	s10 =	sld [smem:$0x3FB5];
	_ =	sdelay $0x3  }
0x34: {  	[smem:$0x3FB5] =	sst s10  }
0x35: {  	s10 =	sld [smem:$0x3FB4];
	_ =	sdelay $0x3  }
0x36: {  	p1 =	seq.s32 s10, $0x1;
	s10 =	sld [smem:$0x3FB5];
	_ =	sdelay $0x3  }
0x37: {  	[smem:$0x3FB5] =	sst s10  }
0x38: {  	s10 =	sld [smem:$0x3FB6]  }
0x39: {  	_ = 	snop;
	(pc) =	sbr.ind lr, $3  }
0x3a: {  	_ = 	snop  }
0x3b: {  	_ = 	snop  }
0x3c: {  	p2 =	seq.s32 s10, $0x1;
	s10 =	sld [smem:$0x3FB5]  }
0x3d: {  	_ =	shalt  }
0x3e: {  	_ =	shalt  }
0x3f: {  	_ =	shalt  }
0x40: {  	_ =	shalt  }
0x41: {  	_ =	shalt  }
0x42: {  	_ =	shalt  }
0x43: {  	_ =	shalt  }
0x44: {  	_ =	shalt  }
0x45: {  	_ =	shalt  }
0x46: {  	_ =	shalt  }
0x47: {  	_ =	shalt  }
0x48: {  	_ =	shalt  }
0x49: {  	_ =	shalt  }
0x4a: {  	_ =	shalt  }
0x4b: {  	_ =	shalt  }
0x4c: {  	_ =	shalt  }
0x4d: {  	_ =	shalt  }
0x4e: {  	_ =	shalt  }
0x4f: {  	_ =	shalt  }
0x50: {  	_ =	shalt  }
0x51: {  	_ =	shalt  }
0x52: {  	_ =	shalt  }
0x53: {  	_ =	shalt  }
0x54: {  	_ =	shalt  }
0x55: {  	_ =	shalt  }
0x56: {  	_ =	shalt  }
0x57: {  	_ =	shalt  }
0x58: {  	_ =	shalt  }
0x59: {  	_ =	shalt  }
0x5a: {  	_ =	shalt  }
0x5b: {  	_ =	shalt  }
0x5c: {  	_ =	shalt  }
0x5d: {  	_ =	shalt  }
0x5e: {  	_ =	shalt  }
0x5f: {  	_ =	shalt  }
0x60: {  	_ =	shalt  }
0x61: {  	_ =	shalt  }
0x62: {  	_ =	shalt  }
0x63: {  	_ =	shalt  }
0x64: {  	_ =	shalt  }
0x65: {  	_ =	shalt  }
0x66: {  	_ =	shalt  }
0x67: {  	_ =	shalt  }
0x68: {  	_ =	shalt  }
0x69: {  	_ =	shalt  }
0x6a: {  	_ =	shalt  }
0x6b: {  	_ =	shalt  }
0x6c: {  	_ =	shalt  }
0x6d: {  	_ =	shalt  }
0x6e: {  	_ =	shalt  }
0x6f: {  	_ =	shalt  }
0x70: {  	_ =	shalt  }
0x71: {  	_ =	shalt  }
0x72: {  	_ =	shalt  }
0x73: {  	_ =	shalt  }
0x74: {  	_ =	shalt  }
0x75: {  	_ =	shalt  }
0x76: {  	_ =	shalt  }
0x77: {  	_ =	shalt  }
0x78: {  	_ =	shalt  }
0x79: {  	_ =	shalt  }
0x7a: {  	_ =	shalt  }
0x7b: {  	_ =	shalt  }
0x7c: {  	_ =	shalt  }
0x7d: {  	_ =	shalt  }
0x7e: {  	_ =	shalt  }
0x7f: {  	_ =	shalt  }
0x80: {  	_ =	shalt  }
0x81: {  	_ =	shalt  }
0x82: {  	_ =	shalt  }
0x83: {  	_ =	shalt  }
0x84: {  	_ =	shalt  }
0x85: {  	_ =	shalt  }
0x86: {  	_ =	shalt  }
0x87: {  	_ =	shalt  }
.Lfunc_end0:
.L_simem_size_0:
called_computation_lowered:
.L_overlay_start_0:
0x88: {  	s2 =	sld [smem:$0x3FD9]  }
0x89: {  	s3 =	sld [smem:$0x3FFE];
	_ =	sdelay $0x1  }
0x8a: {  	s1 =	srdreg.scid  }
0x8b: {  	s0 =	sand.u32 $0x1, s1  }
0x8c: {  	s17 =	sshll.u32 s0, $0xA;
	s2 =	sadd.s32 s3, s2  }
0x8d: {  	s2 =	sadd.s32 s2, s17  }
0x8e: {  	[smem:$0x3FC1] =	sst s2  }
0x8f: {  	_ = 	snop  }
0x90: {  	s2 =	sld [smem:$0x3FC9]  }
0x91: {  	s18 =	sld [smem:$0x3FD0];
	(tm) =	ssettm $0x1  }
0x92: {  	s4 =	sld [smem:$0x3FFB];
	_ =	sdelay $0x3  }
0x93: {  	_ =	strace s4  }
0x94: {  	s4 =	sld [smem:$0x3FFC];
	_ =	sdelay $0x3  }
0x95: {  	_ =	strace s4  }
0x96: {  	s4 =	sld [smem:$0x3FFD];
	_ =	sdelay $0x3  }
0x97: {  	_ =	strace s4  }
0x98: {  	_ =	strace $0x8FFFFFFF  }
0x99: {  	s19 =	sld [smem:$0x3FDB];
	_ =	sdelay $0x1  }
0x9a: {  	s5 =	simm.s32 $_scs_section_size  }
0x9b: {  	s6 =	simm.s32 $_size__tile_overlayer_lowered;
	s7 =	simm.s32 $_tile_overlayer_lowered  }
0x9c: {  	s22 =	simm.s32 $0x1BFF;
	s21 =	sshll.u32 s7, $0x1;
	s4 =	sadd.s32 s5, s19  }
0x9d: {  	s8 =	simm.s32 $0x0;
	s20 =	sshll.u32 s6, $0x1;
	s6 =	sadd.s32 s21, s4  }
0x9e: {  	[timem:s8], [sflag:s22] =	dma.local [hbm:s6], s20  }
0x9f: {  	_ =	swait.ge [sflag:s22], s20  }
0xa0: {  	s5 =	ssub.s32 $0x0, s20;
	[sflag:s22] =	ssyncset.done $0x0  }
0xa1: {  	[sflag:s22] =	ssyncadd.s32 s5;
	_ =	sdelay $0x1  }
0xa2: {  	s23 =	simm.s32 $0x1B8B  }
0xa3: {  	_ =	swait.ge [sflag:s23], $0x1  }
0xa4: {  	[sflag:s23] =	ssyncset.done $0x0  }
0xa5: {  	s25 =	simm.s32 $0x1B8E;
	s24 =	sld [smem:$0x3FFE];
	[sflag:s23] =	ssyncadd.s32 $0xFFFFFFFF  }
0xa6: {  	s26 =	simm.s32 $execute0_lowered;
	[smem:$0x3FD2] =	sst s25  }
0xa7: {  	s6 =	sshll.u32 s26, $0x1;
	_ =	strace $0x80000046;
	[dreg:$0x1] =	wrdreg $0xFFFFFFFF  }
0xa8: {  	s28 =	simm.s32 $_size_execute0_lowered;
	s4 =	sadd.s32 s4, s6;
	[dreg:$0x0] =	wrdreg $0x0  }
0xa9: {  	s6 =	sshll.u32 s28, $0x1;
	[dreg:$0x2] =	wrdreg s4  }
0xaa: {  	[dreg:$0x3] =	wrdreg s6  }
0xab: {  	[dreg:$0x4] =	wrdreg $0xC0  }
0xac: {  	_ =	task [dreg:s8], $0x5FFFF  }
0xad: {  	[dreg:$0x1] =	wrdreg $0xFFFFFFFF  }
0xae: {  	[dreg:$0x0] =	wrdreg $0x60  }
0xaf: {  	[dreg:$0x2] =	wrdreg s24  }
0xb0: {  	[dreg:$0x3] =	wrdreg s2  }
0xb1: {  	[dreg:$0x4] =	wrdreg s18  }
0xb2: {  	[dreg:$0x5] =	wrdreg $0x9  }
0xb3: {  	_ =	task.clear_ibuf [dreg:s8], $0x6FFFF;
	_ =	strace $0x90000046  }
0xb4: {  	s29 =	simm.s32 $0x9;
	_ =	strace $0x80000048  }
0xb5: {  	_ =	swait.ge [sflag:s29], $0x1  }
0xb6: {  	[sflag:s29] =	ssyncadd.s32 $0xFFFFFFFF  }
0xb7: {  	_ =	strace $0x90000048  }
0xb8: {  	_ =	sfence  }
0xb9: {  	s30 =	sld [smem:$0x0];
	_ =	sdelay $0x2  }
0xba: {  	s31 =	sshll.u32 s1, $0xD;
	s1 =	sshrl.u32 s1, $0x2  }
0xbb: {  	s3 =	sand.u32 $0x4000, s31;
	s1 =	sadd.s32 s1, s30  }
0xbc: {  	s0 =	sor.u32 s3, s0;
	s1 =	sshll.u32 s1, $0x11  }
0xbd: {  	s0 =	sor.u32 s1, s0  }
0xbe: {  	s0 =	sadd.s32 $0x8F2B, s0  }
0xbf: {  	[sflag:s0] =	ssyncadd.remote.s32 $0x1  }
0xc0: {  	_ =	sfence.sel $0xFFFF  }
0xc1: {  	[dreg:$0x0] =	wrdreg $0xFFFFFFFF;
	(pc) =	sbr.abs _section_cstart, $3  }
0xc2: {  	[dreg:$0x1] =	wrdreg $0xFFFFFFFF  }
0xc3: {  	_ =	task.clear_ibuf [dreg:s8], $0x2FFFF;
	_ =	strace $0x9FFFFFFF  }
0xc4: {  	(tm) =	ssettm $0x7FFFFFFF  }
0xc5: {  	_ =	shalt  }
tec
execute0_lowered:
.L_overlay_start_1:
0x0: {  	(tag) =	ssettag $0x1  }
0x1: {  	s0 =	rddreg [dreg:$0x0]  }
0x2: {  	s2 =	rddreg [dreg:$0x1]  }
0x3: {  	s1 =	rddreg [dreg:$0x2]  }
0x4: {  	s4 =	srdreg.scid;
	s5 =	stileid.u32;
	s3 =	simm.s32 $0x0  }
0x5: {  	s21 =	simm.s32 $0x3000;
	s28 =	simm.s32 $0xC300;
	s29 =	simm.s32 $0xCB00  }
0x6: {  	s4 =	sand.u32 $0x1, s4;
	[smem:$0x7FF] =	sst s3;
	s6 =	sadd.s32 $0x3200, s0  }
0x7: {  	s7 =	sadd.s32 $0x3400, s0;
	_ =	strace $0x80000047;
	[dreg:$0x4] =	wrdreg s6  }
0x8: {  	s5 =	sshll.u32 s5, $0x1;
	s17 =	sadd.s32 $0x3000, s0;
	[dreg:$0x5] =	wrdreg s7  }
0x9: {  	s18 =	sadd.s32 $0x3600, s0;
	s11 =	sadd.s32 $0x200, s2;
	[dreg:$0x6] =	wrdreg s17  }
0xa: {  	s12 =	sadd.s32 $0x300, s2;
	s14 =	sor.u32 s4, s5;
	[dreg:$0x7] =	wrdreg s18  }
0xb: {  	s4 =	ssub.s32 $0x2, s4;
	s5 =	simm.s32 $0x3;
	s17 =	simm.s32 $0x5B00  }
0xc: {  	s7 =	simm.s32 $0x6B00;
	s16 =	sshll.u32 s14, $0x4;
	s9 =	smul.u32 $0xA0, s14  }
0xd: {  	s19 =	sshrl.u32 s4, $0x1;
	s8 =	sshll.u32 s14, $0x7;
	s10 =	smul.u32 $0x28000, s14  }
0xe: {  	s23 =	smul.u32 $0x5000, s14;
	p0 =	sne.s32 s14, $0x0;
	s14 =	simm.s32 $0xD300  }
0xf: {  	s6 =	sadd.s32 s16, s0;
	s0 =	sadd.s32 $0x3800, s0;
	s4 =	ssub.s32 s4, s19  }
0x10: {  	s20 =	sadd.s32 $0x80, s8;
	v0 =	vmov s8;
	s19 =	simm.s32 $0x7300;
	s8 =	simm.s32 $0x9B00  }
0x11: {  	s13 =	sadd.s32 $0xA0, s9;
	s6 =	sadd.s32 $0xA3800, s6;
	s22 =	sshrl.u32 s9, $0x3  }
0x12: {  	s24 =	sshrl.u32 s10, $0x3;
	s10 =	sadd.s32 $0x100, s2;
	s31 =	smax.u32 s4, $0x1  }
0x13: {  	v1 =	vmov s20;
	v2 =	vmov s9;
	s20 =	simm.s32 $0x7B00;
	s9 =	simm.s32 $0xA300;
	[dreg:$0x8] =	wrdreg s6  }
0x14: {  	s1 =	sadd.s32 s1, s22;
	s6 =	sadd.s32 s0, s24;
	s0 =	sadd.s32 s0, s23  }
0x15: {  	v4 =	vimm.f32 $0.0e+00;
	[dreg:$0xe] =	wrdreg s31;
	s22 =	simm.s32 $0x3080;
	s23 =	simm.s32 $0x3180  }
.Ltmp0:
0x16: {  	v5 =	vimm.s32 $0x0;
	vm0 =	vmmov $0x1;
	v3 =	vmov s13;
	s13 =	simm.s32 $0x6300;
	[dreg:$0x9] =	wrdreg s1;
	(pc) =	sbr.rel .LBB2_1-.Ltmp0, $4  }
0x17: {  	vm14 =	vcmask $0x704;
	vm2 =	vcmask $0xB08;
	vm3 =	vcmask $0xF0C;
	s24 =	simm.s32 $0xBB00;
	[dreg:$0xa] =	wrdreg s0;
	s25 =	sadd.s32 $0x1400, s6  }
0x18: {  	vm4 =	vcmask $0x1310;
	vm5 =	vcmask $0x1714;
	v6 =	vlaneseq.u32;
	s26 =	sadd.s32 $0x2800, s6;
	s30 =	sadd.s32 $0x3C00, s6;
	[dreg:$0xb] =	wrdreg s25  }
0x19: {  	vm6 =	vcmask $0x1B18;
	vm7 =	vcmask $0x1F1C;
	v8 =	vshrl.u32 v6, $0x3;
	s1 =	simm.s32 $0x0;
	s6 =	simm.s32 $0x9300;
	[dreg:$0xc] =	wrdreg s26  }
0x1a: {  	v7 =	vand.u32 $0x7, v6;
	v9 =	vor.u32 $0x8, v6;
	v8 =	vmul.u32 $0x8, v8;
	[dreg:$0xd] =	wrdreg s30;
	s25 =	simm.s32 $0xAB00;
	s26 =	simm.s32 $0xB300  }
.LBB2_7:
0x1b: {  	s1 =	sadd.s32 $0x1, s2;
	s0 =	rddreg [dreg:$0xe]  }
0x1c: {  	p1 =	sne.s32 s1, s0  }
.Ltmp1:
0x1d: {  	_ = 	snop;
	(pc) =	sbr.rel @!p1 .LBB2_8-.Ltmp1, $1  }
0x1e: {  	_ =	sdelay $0x3  }
.LBB2_1:
0x1f: {  	s0 =	rddreg [dreg:$0x4]  }
0x20: {  	[tilespmem:s3], [sflag:$0x3] =	stream.linear.gather [hbm4b:s0+s3], $0x1000, $0x38;
	[tilespmem:$0x17300] =	vst v63  }
0x21: {  	_ =	swait.ge [sflag:s5], $0x1000  }
0x22: {  	[sflag:s5] =	ssyncset.done $0x0  }
0x23: {  	s15 =	simm.s32 $0x1000;
	s4 =	rddreg [dreg:$0x5];
	[sflag:s5] =	ssyncadd.s32 $0xFFFFF000  }
0x24: {  	[tilespmem:s15], [sflag:$0x3] =	stream.linear.gather [hbm4b:s4+s3], $0x1000, $0x38;
	[tilespmem:$0x17300] =	vst v63  }
0x25: {  	_ =	swait.ge [sflag:s5], $0x1000  }
0x26: {  	[sflag:s5] =	ssyncset.done $0x0  }
0x27: {  	s18 =	simm.s32 $0x2000;
	s16 =	rddreg [dreg:$0x6];
	[sflag:s5] =	ssyncadd.s32 $0xFFFFF000  }
0x28: {  	[tilespmem:s18], [sflag:$0x3] =	stream.linear.gather [hbm4b:s16+s3], $0x1000, $0x38;
	[tilespmem:$0x17300] =	vst v63  }
0x29: {  	_ =	swait.ge [sflag:s5], $0x1000  }
0x2a: {  	[sflag:s5] =	ssyncset.done $0x0  }
0x2b: {  	[sflag:s5] =	ssyncadd.s32 $0xFFFFF000  }
0x2c: {  	[tilespmem:$0x3000] =	vst v5  }
0x2d: {  	[tilespmem:$0x3010] =	vst v5  }
0x2e: {  	[tilespmem:$0x3020] =	vst v5  }
0x2f: {  	[tilespmem:$0x3030] =	vst v5  }
0x30: {  	[tilespmem:$0x3040] =	vst v5  }
0x31: {  	[tilespmem:$0x3050] =	vst v5  }
0x32: {  	[tilespmem:$0x3060] =	vst v5  }
0x33: {  	[tilespmem:$0x3070] =	vst v5  }
0x34: {  	[tilespmem:$0x3080] =	vst v5  }
0x35: {  	[tilespmem:$0x3180] =	vst v4  }
0x36: {  	[tilespmem:$0x3090] =	vst v5  }
0x37: {  	[tilespmem:$0x3190] =	vst v4  }
0x38: {  	[tilespmem:$0x30A0] =	vst v5  }
0x39: {  	[tilespmem:$0x31A0] =	vst v4  }
0x3a: {  	[tilespmem:$0x30B0] =	vst v5  }
0x3b: {  	[tilespmem:$0x31B0] =	vst v4  }
0x3c: {  	[tilespmem:$0x30C0] =	vst v5  }
0x3d: {  	[tilespmem:$0x31C0] =	vst v4  }
0x3e: {  	[tilespmem:$0x30D0] =	vst v5  }
0x3f: {  	[tilespmem:$0x31D0] =	vst v4  }
0x40: {  	[tilespmem:$0x30E0] =	vst v5  }
0x41: {  	[tilespmem:$0x31E0] =	vst v4  }
0x42: {  	[tilespmem:$0x30F0] =	vst v5  }
0x43: {  	[tilespmem:$0x31F0] =	vst v4  }
0x44: {  	[tilespmem:$0x3100] =	vst v5  }
0x45: {  	[tilespmem:$0x3200] =	vst v4  }
0x46: {  	[tilespmem:$0x3110] =	vst v5  }
0x47: {  	s30 =	simm.s32 $0x0;
	[tilespmem:$0x3210] =	vst v4  }
0x48: {  	v11 =	vld [tilespmem:s30+$0x0];
	_ =	sdelay $0x4  }
0x49: {  	vm1 =	veq.s32 v11, $0x0  }
0x4a: {  	vm8 =	veq.s32 v11, $0x1;
	v10 =	vsel vm1, $0x1, v5  }
0x4b: {  	s31 =	simm.s32 $0x10;
	vm1 =	veq.s32 v11, $0x2;
	v12 =	vsel vm8, $0x1, v5;
	(xrf0) =	vadd.scan.msk.s32 $0xffff, v10  }
0x4c: {  	vm8 =	veq.s32 v11, $0x3;
	v10 =	vld [tilespmem:s31+$0x0];
	v13 =	vsel vm1, $0x1, v5;
	(xrf0) =	vadd.scan.msk.s32 $0xffff, v12  }
0x4d: {  	vm1 =	veq.s32 v11, $0x4;
	v12 =	vsel vm8, $0x1, v5;
	(xrf0) =	vadd.scan.msk.s32 $0xffff, v13  }
0x4e: {  	v13 =	vsel vm1, $0x1, v5;
	vm1 =	veq.s32 v11, $0x5;
	(xrf0) =	vadd.scan.msk.s32 $0xffff, v12  }
0x4f: {  	v12 =	vsel vm1, $0x1, v5;
	vm1 =	veq.s32 v11, $0x6;
	(xrf0) =	vadd.scan.msk.s32 $0xffff, v13  }
0x50: {  	v14 =	vsel vm1, $0x1, v5;
	vm1 =	veq.s32 v11, $0x7;
	v11 =	vimm.s32 $0x0;
	(xrf0) =	vadd.scan.msk.s32 $0xffff, v12  }
0x51: {  	s0 =	simm.s32 $0x80;
	vm9 =	veq.s32 v10, $0x3;
	vm8 =	veq.s32 v10, $0x4;
	v12 =	vsel vm1, $0x1, v5;
	v13, _, _ =	vpop (xrf0);
	(xrf0) =	vadd.scan.msk.s32 $0xffff, v14  }
.LBB2_2:
0x52: {  	p1 =	sne.s32 s0, $0x3FC0;
	vm10 =	veq.s32 v10, $0x1;
	vm1 =	veq.s32 v10, $0x2;
	v13 =	vbroadcast v13, $0xF;
	v14, _, _ =	vpop (xrf0);
	(xrf0) =	vadd.scan.msk.s32 $0xffff, v12  }
0x53: {  	vm11 =	veq.s32 v10, $0x0;
	v12 =	vsel vm10, $0x1, v5;
	v14 =	vbroadcast v14, $0xF;
	v15, _, _ =	vpop (xrf0)  }
0x54: {  	v16 =	vsel vm11, $0x1, v5;
	v13 =	vnsel vm0, $0x0, v13;
	v15 =	vbroadcast v15, $0xF;
	v17, _, _ =	vpop (xrf0)  }
0x55: {  	v11 =	vadd.s32 v11, v13;
	v13 =	vnsel vm14, $0x0, v14;
	v14 =	vbroadcast v17, $0xF;
	v17, _, _ =	vpop (xrf0)  }
0x56: {  	v11 =	vadd.s32 v13, v11;
	v13 =	vnsel vm2, $0x0, v15;
	v15 =	vbroadcast v17, $0xF;
	v17, _, _ =	vpop (xrf0)  }
0x57: {  	v11 =	vadd.s32 v13, v11;
	v13 =	vnsel vm3, $0x0, v14;
	v14 =	vbroadcast v17, $0xF;
	v17, _, _ =	vpop (xrf0)  }
0x58: {  	v11 =	vadd.s32 v13, v11;
	v13 =	vnsel vm4, $0x0, v15;
	v15 =	vbroadcast v17, $0xF;
	v17, _, _ =	vpop (xrf0)  }
0x59: {  	s15 =	sshra.s32 s0, $0x2;
	(xrf0) =	vadd.scan.msk.s32 $0xffff, v16;
	v11 =	vadd.s32 v13, v11;
	v13 =	vnsel vm5, $0x0, v14;
	v14 =	vbroadcast v17, $0xF;
	v16 =	vmovc v10  }
0x5a: {  	v17 =	vsel vm1, $0x1, v5;
	v10 =	vld [tilespmem:s15+$0x0];
	(xrf0) =	vadd.scan.msk.s32 $0xffff, v12;
	v11 =	vadd.s32 v13, v11;
	v12 =	vnsel vm6, $0x0, v15  }
.Ltmp2:
0x5b: {  	v13 =	vsel vm9, $0x1, v5;
	(xrf0) =	vadd.scan.msk.s32 $0xffff, v17;
	v11 =	vadd.s32 v12, v11;
	v12 =	vnsel vm7, $0x0, v14;
	(pc) =	sbr.rel @p1 .LBB2_2-.Ltmp2, $4  }
0x5c: {  	vm1 =	veq.s32 v16, $0x5;
	v14 =	vsel vm8, $0x1, v5;
	(xrf0) =	vadd.scan.msk.s32 $0xffff, v13;
	v11 =	vadd.s32 v12, v11  }
0x5d: {  	v12 =	vsel vm1, $0x1, v5;
	vm1 =	veq.s32 v16, $0x6;
	(xrf0) =	vadd.scan.msk.s32 $0xffff, v14  }
0x5e: {  	v14 =	vsel vm1, $0x1, v5;
	vm1 =	veq.s32 v16, $0x7;
	(xrf0) =	vadd.scan.msk.s32 $0xffff, v12  }
0x5f: {  	s0 =	sadd.s32 $0x40, s0;
	v12 =	vsel vm1, $0x1, v5;
	vm9 =	veq.s32 v10, $0x3;
	vm8 =	veq.s32 v10, $0x4;
	v13, _, _ =	vpop (xrf0);
	(xrf0) =	vadd.scan.msk.s32 $0xffff, v14  }
0x60: {  	v13 =	vbroadcast v13, $0xF;
	v14, _, _ =	vpop (xrf0)  }
0x61: {  	vm1 =	veq.s32 v10, $0x1;
	vm10 =	veq.s32 v10, $0x2;
	v14 =	vbroadcast v14, $0xF;
	v16, _, _ =	vpop (xrf0)  }
0x62: {  	vm11 =	veq.s32 v10, $0x0;
	v13 =	vnsel vm0, $0x0, v13;
	v16 =	vbroadcast v16, $0xF;
	v18, _, _ =	vpop (xrf0)  }
0x63: {  	(xrf0) =	vadd.scan.msk.s32 $0xffff, v12;
	v11 =	vadd.s32 v11, v13;
	v12 =	vnsel vm14, $0x0, v14;
	v13 =	vbroadcast v18, $0xF  }
0x64: {  	v17 =	vsel vm11, $0x1, v5;
	v11 =	vadd.s32 v12, v11;
	v12 =	vnsel vm2, $0x0, v16  }
0x65: {  	v14, _, _ =	vpop (xrf0);
	v11 =	vadd.s32 v12, v11;
	v12 =	vnsel vm3, $0x0, v13;
	v13 =	vsel vm10, $0x1, v5  }
0x66: {  	v15 =	vsel vm1, $0x1, v5;
	(xrf0) =	vadd.scan.msk.s32 $0xffff, v17;
	v14 =	vbroadcast v14, $0xF  }
0x67: {  	v61 =	vsel vm8, $0x1, v5;
	vm1 =	veq.s32 v10, $0x5;
	v60, _, _ =	vpop (xrf0);
	(xrf0) =	vadd.scan.msk.s32 $0xffff, v15  }
0x68: {  	v11 =	vadd.s32 v12, v11;
	v12 =	vsel vm9, $0x1, v5;
	(xrf0) =	vadd.scan.msk.s32 $0xffff, v13;
	v13, _, _ =	vpop (xrf0);
	v14 =	vnsel vm4, $0x0, v14  }
0x69: {  	(xrf0) =	vadd.scan.msk.s32 $0xffff, v12;
	v12 =	vbroadcast v13, $0xF;
	v13 =	vsel vm1, $0x1, v5;
	vm1 =	veq.s32 v10, $0x6  }
0x6a: {  	v15 =	vbroadcast v60, $0xF;
	(xrf0) =	vadd.scan.msk.s32 $0xffff, v61;
	v11 =	vadd.s32 v14, v11;
	v14 =	vsel vm1, $0x1, v5  }
0x6b: {  	v62, _, _ =	vpop (xrf0);
	vm1 =	veq.s32 v10, $0x7;
	(xrf0) =	vadd.scan.msk.s32 $0xffff, v13  }
0x6c: {  	v10 =	vnsel vm5, $0x0, v15;
	v13 =	vbroadcast v62, $0xF;
	v15 =	vsel vm1, $0x1, v5;
	v63, _, _ =	vpop (xrf0);
	(xrf0) =	vadd.scan.msk.s32 $0xffff, v14  }
0x6d: {  	v10 =	vadd.s32 v10, v11;
	v11 =	vnsel vm6, $0x0, v12;
	v12 =	vbroadcast v63, $0xF;
	v14, _, _ =	vpop (xrf0);
	(xrf0) =	vadd.scan.msk.s32 $0xffff, v15  }
0x6e: {  	v10 =	vadd.s32 v11, v10;
	v11 =	vnsel vm7, $0x0, v13;
	v13 =	vbroadcast v14, $0xF;
	v14, _, _ =	vpop (xrf0)  }
0x6f: {  	v10 =	vadd.s32 v11, v10;
	v11 =	vnsel vm0, $0x0, v12;
	v12 =	vbroadcast v14, $0xF;
	v14, _, _ =	vpop (xrf0)  }
0x70: {  	v10 =	vadd.s32 v10, v11;
	v11 =	vnsel vm14, $0x0, v13;
	v13 =	vbroadcast v14, $0xF;
	v14, _, _ =	vpop (xrf0)  }
0x71: {  	v10 =	vadd.s32 v11, v10;
	v11 =	vnsel vm2, $0x0, v12;
	v12 =	vbroadcast v14, $0xF;
	v14, _, _ =	vpop (xrf0)  }
0x72: {  	v10 =	vadd.s32 v11, v10;
	v11 =	vnsel vm3, $0x0, v13;
	v13 =	vbroadcast v14, $0xF;
	v14, _, _ =	vpop (xrf0)  }
0x73: {  	v10 =	vadd.s32 v11, v10;
	v11 =	vnsel vm4, $0x0, v12;
	v12 =	vbroadcast v14, $0xF;
	v14, _, _ =	vpop (xrf0)  }
0x74: {  	v10 =	vadd.s32 v11, v10;
	v11 =	vnsel vm5, $0x0, v13;
	v13 =	vbroadcast v14, $0xF  }
0x75: {  	v10 =	vadd.s32 v11, v10;
	v11 =	vnsel vm6, $0x0, v12  }
0x76: {  	v10 =	vadd.s32 v11, v10;
	v11 =	vnsel vm7, $0x0, v13  }
0x77: {  	v10 =	vadd.s32 v11, v10  }
0x78: {  	v10 =	vadd.s32 $0x7F, v10  }
0x79: {  	v11 =	vshra.s32 v10, $0x1F;
	v12 =	vand.u32 $0x7F, v10  }
0x7a: {  	vm1 =	vlt.s32 v10, $0x1;
	v11 =	vshrl.u32 v11, $0x19;
	vm8 =	vne.s32 v12, $0x0  }
0x7b: {  	v10 =	vadd.s32 v11, v10;
	vm1 =	vmand vm1, vm8  }
0x7c: {  	v10 =	vshrl.u32 v10, $0x7;
	v11 =	vsel vm1, $0xFFFFFFFF, v5  }
0x7d: {  	v10 =	vadd.s32 v11, v10  }
0x7e: {  	v10 =	vshll.u32 v10, $0x7  }
0x7f: {  	(xrf0) =	vadd.scan.msk.s32 $0xffff, v10;
	_ =	sdelay $0x4  }
0x80: {  	s30 =	simm.s32 $0x0  }
0x81: {  	s31 =	simm.s32 $0x1000;
	v13 =	vld [tilespmem:s30+$0x0];
	v11, _, _ =	vpop (xrf0)  }
0x82: {  	s15 =	simm.s32 $0x2000;
	v12 =	vld [tilespmem:s31+$0x0];
	v10 =	vsub.s32 v11, v10  }
0x83: {  	[dreg:$0xf] =	wrdreg s1;
	s16 =	simm.s32 $0x10;
	s0 =	simm.s32 $0x0;
	v11 =	vld [tilespmem:s15+$0x0];
	v14 =	vmov v10  }
.LBB2_4:
0x84: {  	_ =	sdelay $0x1  }
0x85: {  	v15 =	vimm.s32 $0x0;
	vm1 =	veq.s32 v13, $0x4  }
0x86: {  	v15 =	vsel vm1, $0xFFFFFFFF, v15  }
0x87: {  	vm13 =	veq.s32 v13, $0x0;
	[tilespmem:$0x1FFF0] =	vst v15;
	v15 =	vsel vm1, $0x1, v5  }
0x88: {  	vm12 =	veq.s32 v13, $0x1;
	v16 =	vsel vm13, $0x1, v5;
	(xrf0) =	vadd.scan.msk.s32 $0xffff, v15  }
0x89: {  	vm11 =	veq.s32 v13, $0x2;
	v15 =	vsel vm12, $0x1, v5;
	(xrf0) =	vadd.scan.msk.s32 $0xffff, v16  }
0x8a: {  	vm10 =	veq.s32 v13, $0x3;
	v31 =	vsel vm11, $0x1, v5;
	(xrf0) =	vadd.scan.msk.s32 $0xffff, v15  }
0x8b: {  	v15 =	vsel vm10, $0x1, v5;
	(xrf0) =	vadd.scan.msk.s32 $0xffff, v31  }
0x8c: {  	(xrf0) =	vadd.scan.msk.s32 $0xffff, v15  }
0x8d: {  	v19 =	vsub.s32 s30, v0  }
0x8e: {  	v33 =	vnsel vm0, $0x0, v14;
	v22 =	vor.u32 s30, v6;
	vm9 =	veq.s32 v13, $0x5;
	v32, _, _ =	vpop (xrf0)  }
0x8f: {  	vm8 =	vmmov vm0;
	v19 =	vand.u32 $0xFFFFFF80, v19;
	v15 =	vsel vm9, $0x1, v5;
	v18, _, _ =	vpop (xrf0)  }
0x90: {  	vm15 =	veq.s32 v13, $0x6;
	(xrf0) =	vadd.scan.msk.s32 $0xffff, v15;
	v25 =	vbroadcast v32, $0xF;
	v15 =	vbroadcast v18, $0xF;
	v20, _, _ =	vpop (xrf0)  }
0x91: {  	v17 =	vsel vm15, $0x1, v5;
	vm1 =	vcmask $0x308;
	v21 =	vbroadcast v20, $0xF;
	v23, _, _ =	vpop (xrf0)  }
0x92: {  	(xrf0) =	vadd.scan.msk.s32 $0xffff, v17;
	v29 =	vnsel vm4, $0x0, v25;
	v15 =	vnsel vm0, $0x0, v15;
	v24 =	vbroadcast v23, $0xF;
	v26, _, _ =	vpop (xrf0)  }
0x93: {  	v14 =	vadd.s32 v14, v15;
	v15 =	vnsel vm14, $0x0, v21;
	v34 =	vbroadcast v26, $0xF  }
0x94: {  	(xrf0) =	vadd.scan.msk.s32 $0xffff, v33;
	v27 =	vsel vm1, $0x0, v14;
	v14 =	vadd.s32 v15, v14;
	vm1 =	vcmask $0x70C  }
0x95: {  	vm0 =	vmmov vm7;
	v15 =	vnsel vm2, $0x0, v24;
	v28 =	vsel vm1, $0x0, v14  }
0x96: {  	v14 =	vadd.s32 v15, v14;
	v15 =	vnsel vm3, $0x0, v34;
	vm1 =	vcmask $0xB10  }
0x97: {  	v35, _, _ =	vpop (xrf0);
	v36 =	vsel vm1, $0x0, v14;
	v14 =	vadd.s32 v15, v14;
	vm1 =	vcmask $0xF14  }
0x98: {  	vm7 =	vmmov vm6;
	(xrf0) =	vadd.scan.msk.s32 $0xffff, v27;
	v15 =	vbroadcast v35, $0xF;
	v37, _, _ =	vpop (xrf0);
	v38 =	vsel vm1, $0x0, v14  }
0x99: {  	(xrf0) =	vadd.scan.msk.s32 $0xffff, v28;
	v39 =	vbroadcast v37, $0xF;
	v14 =	vadd.s32 v29, v14;
	vm1 =	vcmask $0x1318  }
0x9a: {  	(xrf0) =	vadd.scan.msk.s32 $0xffff, v36;
	v15 =	vnsel vm5, $0x0, v15;
	v29 =	vsel vm1, $0x0, v14;
	v40, _, _ =	vpop (xrf0);
	vm1 =	vcmask $0x171C  }
0x9b: {  	v14 =	vadd.s32 v15, v14;
	v15 =	vnsel vm6, $0x0, v39;
	v25 =	vadd.s32 $0xFFFFFFFF, v40  }
0x9c: {  	(xrf0) =	vadd.scan.msk.s32 $0xffff, v38;
	vm6 =	vmmov vm5;
	vm5 =	vmmov vm4;
	vm4 =	vmmov vm3  }
0x9d: {  	vm3 =	vmmov vm2;
	vm2 =	vmmov vm14;
	v41 =	vsel vm1, $0x0, v14  }
0x9e: {  	(xrf0) =	vadd.scan.msk.s32 $0xffff, v29;
	v14 =	vadd.s32 v15, v14;
	v15 =	vbroadcast v25, $0xF;
	vm1 =	vcmask $0x1B20;
	v42, _, _ =	vpop (xrf0)  }
0x9f: {  	vm14 =	veq.s32 v13, $0x7;
	v13 =	vsel vm1, $0x0, v14;
	(xrf0) =	vadd.scan.msk.s32 $0xffff, v41;
	v43 =	vadd.s32 $0xFFFFFFFF, v42;
	v45, _, _ =	vpop (xrf0)  }
0xa0: {  	(xrf0) =	vadd.scan.msk.s32 $0xffff, v13;
	v13 =	vadd.s32 v15, v18;
	v15 =	vbroadcast v43, $0xF;
	v46 =	vadd.s32 $0xFFFFFFFF, v45;
	v47, _, _ =	vpop (xrf0)  }
0xa1: {  	v44 =	vsel vm14, $0x1, v5;
	v18 =	vbroadcast v46, $0xF;
	v48 =	vadd.s32 $0xFFFFFFFF, v47  }
0xa2: {  	v59 =	vld [tilespmem:$0x1FFF0];
	v13 =	vnsel vm13, $0x0, v13;
	v49, _, _ =	vpop (xrf0);
	v15 =	vadd.s32 v20, v15;
	v50 =	vbroadcast v48, $0xF  }
0xa3: {  	(xrf0) =	vadd.scan.msk.s32 $0xffff, v44;
	v27 =	vadd.s32 $0xFFFFFFFF, v49;
	v13 =	vsel vm12, v15, v13;
	v15 =	vadd.s32 v23, v18  }
0xa4: {  	v52, _, _ =	vpop (xrf0);
	v51 =	vbroadcast v27, $0xF;
	v13 =	vsel vm11, v15, v13;
	v15 =	vadd.s32 v26, v50  }
0xa5: {  	vm1 =	vge.u32 v22, v0;
	v53 =	vadd.s32 $0xFFFFFFFF, v52;
	v54, _, _ =	vpop (xrf0);
	v13 =	vsel vm10, v15, v13  }
0xa6: {  	v15 =	vbroadcast v53, $0xF;
	v55 =	vadd.s32 $0xFFFFFFFF, v54;
	v56, _, _ =	vpop (xrf0);
	v16 =	vadd.s32 v32, v51  }
0xa7: {  	vm10 =	vnez.u8 v59;
	v57 =	vbroadcast v55, $0xF;
	v58 =	vadd.s32 $0xFFFFFFFF, v56  }
0xa8: {  	v13 =	vsel vm10, v16, v13;
	v15 =	vadd.s32 v35, v15;
	v60 =	vbroadcast v58, $0xF  }
0xa9: {  	v61, _, _ =	vpop (xrf0);
	v13 =	vsel vm9, v15, v13;
	v15 =	vadd.s32 v37, v57;
	vm9 =	vlt.u32 v22, v1  }
0xaa: {  	v13 =	vsel vm15, v15, v13;
	v15 =	vadd.s32 v61, v60;
	vm1 =	vmand vm1, vm9  }
0xab: {  	v13 =	vsel vm14, v15, v13;
	vm14 =	vmmov vm2;
	vm2 =	vmmov vm3  }
0xac: {  	vm3 =	vmmov vm4;
	vm4 =	vmmov vm5;
	vm5 =	vmmov vm6  }
0xad: {  	vm6 =	vmmov vm7;
	vm7 =	vmmov vm0;
	vm0 =	vmmov vm8  }
0xae: {  	v15 =	vand.u32 $0x7F, v22;
	vm8 =	vge.s32 v13, v2;
	vm9 =	vlt.s32 v13, v3  }
0xaf: {  	v15 =	vor.u32 v15, v19;
	vm8 =	vmand vm8, vm9  }
0xb0: {  	v63 =	vsub.s32 v13, v2;
	_ =	sdelay $0x3  }
0xb1: {  	p1 =	sne.s32 s16, $0xFF0;
	[tilespmem:v15+s21+$0x0] =	vst.idx.msk vm1, v13  }
.Ltmp3:
0xb2: {  	[tilespmem:v63+s22+$0x0] =	vst.idx.msk vm8, v11;
	(pc) =	sbr.rel @p1 .LBB2_4-.Ltmp3, $4  }
0xb3: {  	s0 =	sadd.s32 $0x10, s0;
	v62 =	vbroadcast v61, $0xF;
	[tilespmem:v63+s23+$0x0] =	vst.idx.msk vm8, v12  }
0xb4: {  	s15 =	sadd.s32 $0x10, s15;
	v13 =	vld [tilespmem:s0+$0x0]  }
0xb5: {  	s31 =	sadd.s32 $0x10, s31;
	v16 =	vnsel vm7, $0x0, v62;
	v11 =	vld [tilespmem:s15+$0x0]  }
0xb6: {  	s30 =	smov.u32 s16;
	s16 =	sadd.s32 $0x10, s16;
	v14 =	vadd.s32 v16, v14;
	v12 =	vld [tilespmem:s31+$0x0]  }
0xb7: {  	_ =	sdelay $0x1  }
0xb8: {  	vm8 =	veq.s32 v13, $0x4  }
0xb9: {  	vm15 =	veq.s32 v13, $0x0;
	v15 =	vsel vm8, $0x1, v5  }
0xba: {  	v16 =	vsel vm15, $0x1, v5;
	(xrf0) =	vadd.scan.msk.s32 $0xffff, v15  }
0xbb: {  	vm13 =	veq.s32 v13, $0x1;
	(xrf0) =	vadd.scan.msk.s32 $0xffff, v16  }
0xbc: {  	vm12 =	veq.s32 v13, $0x2;
	v41 =	vsel vm13, $0x1, v5  }
0xbd: {  	vm11 =	veq.s32 v13, $0x3;
	v42 =	vsel vm12, $0x1, v5;
	(xrf0) =	vadd.scan.msk.s32 $0xffff, v41  }
0xbe: {  	v43 =	vsel vm11, $0x1, v5;
	(xrf0) =	vadd.scan.msk.s32 $0xffff, v42  }
0xbf: {  	(xrf0) =	vadd.scan.msk.s32 $0xffff, v43  }
0xc0: {  	v44, _, _ =	vpop (xrf0)  }
0xc1: {  	vm10 =	veq.s32 v13, $0x5;
	v45, _, _ =	vpop (xrf0)  }
0xc2: {  	vm9 =	veq.s32 v13, $0x6;
	v17 =	vsel vm10, $0x1, v5;
	v18 =	vbroadcast v45, $0xF  }
0xc3: {  	v19 =	vsel vm9, $0x1, v5;
	(xrf0) =	vadd.scan.msk.s32 $0xffff, v17;
	v46, _, _ =	vpop (xrf0)  }
0xc4: {  	v47 =	vnsel vm0, $0x0, v14;
	(xrf0) =	vadd.scan.msk.s32 $0xffff, v19;
	v20 =	vbroadcast v46, $0xF;
	v21, _, _ =	vpop (xrf0);
	v18 =	vnsel vm0, $0x0, v18  }
0xc5: {  	vm1 =	vcmask $0x308;
	v22 =	vbroadcast v21, $0xF;
	v49, _, _ =	vpop (xrf0);
	v48 =	vadd.s32 v14, v18  }
0xc6: {  	(xrf0) =	vadd.scan.msk.s32 $0xffff, v47;
	v50 =	vnsel vm14, $0x0, v20;
	v23 =	vbroadcast v49, $0xF;
	v51 =	vsel vm1, $0x0, v48  }
0xc7: {  	v14 =	vadd.s32 v50, v48;
	v52 =	vnsel vm2, $0x0, v22;
	vm1 =	vcmask $0x70C  }
0xc8: {  	v54 =	vsel vm1, $0x0, v14;
	v14 =	vadd.s32 v52, v14;
	vm1 =	vcmask $0xB10  }
0xc9: {  	v53 =	vbroadcast v44, $0xF;
	v55 =	vnsel vm3, $0x0, v23;
	v56, _, _ =	vpop (xrf0);
	v24 =	vsel vm1, $0x0, v14  }
0xca: {  	(xrf0) =	vadd.scan.msk.s32 $0xffff, v51;
	v14 =	vadd.s32 v55, v14;
	v57 =	vbroadcast v56, $0xF;
	v58, _, _ =	vpop (xrf0);
	vm1 =	vcmask $0xF14  }
0xcb: {  	v20 =	vnsel vm4, $0x0, v53;
	(xrf0) =	vadd.scan.msk.s32 $0xffff, v54;
	v25 =	vsel vm1, $0x0, v14;
	v26 =	vbroadcast v58, $0xF  }
0xcc: {  	(xrf0) =	vadd.scan.msk.s32 $0xffff, v24;
	v14 =	vadd.s32 v20, v14;
	v59, _, _ =	vpop (xrf0);
	vm1 =	vcmask $0x1318;
	v19 =	vnsel vm5, $0x0, v57  }
0xcd: {  	v60 =	vsel vm1, $0x0, v14;
	v20 =	vadd.s32 $0xFFFFFFFF, v59;
	(xrf0) =	vadd.scan.msk.s32 $0xffff, v25;
	vm1 =	vcmask $0x171C  }
0xce: {  	v14 =	vadd.s32 v19, v14;
	v61 =	vnsel vm6, $0x0, v26;
	v20 =	vbroadcast v20, $0xF;
	(xrf0) =	vadd.scan.msk.s32 $0xffff, v60  }
0xcf: {  	v63 =	vsel vm1, $0x0, v14;
	v14 =	vadd.s32 v61, v14;
	vm1 =	vcmask $0x1B20  }
0xd0: {  	v33 =	vsub.s32 s30, v0;
	v35 =	vor.u32 s30, v6;
	v62, _, _ =	vpop (xrf0);
	v14 =	vsel vm1, $0x0, v14;
	(xrf0) =	vadd.scan.msk.s32 $0xffff, v63  }
0xd1: {  	v16 =	vadd.s32 v20, v45;
	vm1 =	veq.s32 v13, $0x7;
	v28 =	vadd.s32 $0xFFFFFFFF, v62;
	v29, _, _ =	vpop (xrf0);
	(xrf0) =	vadd.scan.msk.s32 $0xffff, v14  }
0xd2: {  	v16 =	vnsel vm15, $0x0, v16;
	v19 =	vbroadcast v28, $0xF;
	v30 =	vadd.s32 $0xFFFFFFFF, v29;
	v31, _, _ =	vpop (xrf0)  }
0xd3: {  	v32 =	vsel vm1, $0x1, v5;
	v14 =	vbroadcast v30, $0xF;
	v13 =	vadd.s32 $0xFFFFFFFF, v31;
	v34, _, _ =	vpop (xrf0)  }
0xd4: {  	(xrf0) =	vadd.scan.msk.s32 $0xffff, v32;
	v17 =	vadd.s32 v46, v19;
	v13 =	vbroadcast v13, $0xF;
	v36 =	vadd.s32 $0xFFFFFFFF, v34;
	v37, _, _ =	vpop (xrf0)  }
0xd5: {  	v16 =	vsel vm13, v17, v16;
	v14 =	vadd.s32 v21, v14;
	v38 =	vadd.s32 $0xFFFFFFFF, v37  }
0xd6: {  	v14 =	vsel vm12, v14, v16;
	v16 =	vbroadcast v36, $0xF;
	v13 =	vadd.s32 v49, v13;
	v39, _, _ =	vpop (xrf0)  }
0xd7: {  	v40 =	vbroadcast v38, $0xF;
	v13 =	vsel vm11, v13, v14;
	v41 =	vadd.s32 $0xFFFFFFFF, v39;
	v42, _, _ =	vpop (xrf0)  }
0xd8: {  	v15 =	vadd.s32 v44, v16;
	v43 =	vbroadcast v41, $0xF;
	v44 =	vadd.s32 $0xFFFFFFFF, v42  }
0xd9: {  	v14 =	vadd.s32 v56, v40;
	v13 =	vsel vm8, v15, v13;
	v45 =	vbroadcast v44, $0xF  }
0xda: {  	v50 =	vand.u32 $0x7F, v35;
	v47, _, _ =	vpop (xrf0);
	v13 =	vsel vm10, v14, v13;
	v46 =	vadd.s32 v58, v43  }
0xdb: {  	v49 =	vand.u32 $0xFFFFFF80, v33;
	v13 =	vsel vm9, v46, v13;
	v48 =	vadd.s32 v47, v45  }
0xdc: {  	vm8 =	vge.u32 v35, v0;
	vm9 =	vlt.u32 v35, v1;
	v13 =	vsel vm1, v48, v13  }
0xdd: {  	vm1 =	vmand vm8, vm9;
	vm8 =	vge.s32 v13, v2;
	vm9 =	vlt.s32 v13, v3  }
0xde: {  	v14 =	vor.u32 v50, v49;
	vm8 =	vmand vm8, vm9  }
0xdf: {  	v51 =	vsub.s32 v13, v2;
	_ =	sdelay $0x3  }
0xe0: {  	[tilespmem:v14+s21+$0x0] =	vst.idx.msk vm1, v13  }
0xe1: {  	[tilespmem:v51+s22+$0x0] =	vst.idx.msk vm8, v11  }
0xe2: {  	s0 =	rddreg [dreg:$0x8];
	[tilespmem:v51+s23+$0x0] =	vst.idx.msk vm8, v12  }
0xe3: {  	[hbm4b:s0+s3] =	stream.linear.scatter [tilespmem:s21], [sflag:$0x3], $0x80, $0x38;
	[tilespmem:$0x17300] =	vst v63  }
0xe4: {  	_ =	swait.ge [sflag:s5], $0x80  }
0xe5: {  	[sflag:s5] =	ssyncset.done $0x0  }
0xe6: {  	s30 =	rddreg [dreg:$0x9];
	[sflag:s5] =	ssyncadd.s32 $0xFFFFFF80  }
0xe7: {  	[hbm4b:s30+s3] =	stream.linear.scatter [tilespmem:s23], [sflag:$0x3], $0xA0, $0x38;
	[tilespmem:$0x17300] =	vst v63  }
0xe8: {  	_ =	swait.ge [sflag:s5], $0xA0  }
0xe9: {  	[sflag:s5] =	ssyncset.done $0x0  }
0xea: {  	[sflag:s5] =	ssyncadd.s32 $0xFFFFFF60  }
0xeb: {  	v11 =	vld [tilespmem:$0x3080];
	_ =	sdelay $0x4  }
0xec: {  	v52 =	vshll.u32 v11, $0x3  }
0xed: {  	v11 =	vand.u32 $0x7, v11;
	v12 =	vand.u32 $0xFFFFFFC0, v52  }
0xee: {  	v11 =	vor.u32 v11, v12  }
0xef: {  	v12 =	vperm.xlane v11, v7;
	_ =	sdelay $0x1  }
0xf0: {  	v12 =	vadd.s32 v8, v12;
	_ =	sdelay $0x3  }
0xf1: {  	s31 =	simm.s32 $0x3300;
	vm15 =	vmmov $0xffff;
	s1 =	rddreg [dreg:$0x1]  }
0xf2: {  	[tilespmem:s31], [sflag:$0x1] =	stream.indirect_vreg.gather [hbm4b:s1+s3], $0x80, v12, vm15, $0xb8;
	[tilespmem:$0x17300] =	vst v63  }
0xf3: {  	s15 =	simm.s32 $0x3B00;
	v11 =	vperm.xlane v11, v9  }
0xf4: {  	[tilespmem:s15], [sflag:$0x1] =	stream.indirect_vreg.gather [hbm4b:s10+s3], $0x80, v12, vm15, $0xb8;
	[tilespmem:$0x17300] =	vst v63  }
0xf5: {  	s16 =	simm.s32 $0x4300;
	v11 =	vadd.s32 v8, v11  }
0xf6: {  	[tilespmem:s16], [sflag:$0x1] =	stream.indirect_vreg.gather [hbm4b:s11+s3], $0x80, v12, vm15, $0xb8;
	[tilespmem:$0x17300] =	vst v63  }
0xf7: {  	s30 =	simm.s32 $0x4B00  }
0xf8: {  	[tilespmem:s30], [sflag:$0x1] =	stream.indirect_vreg.gather [hbm4b:s12+s3], $0x80, v12, vm15, $0xb8;
	[tilespmem:$0x17300] =	vst v63  }
0xf9: {  	s31 =	simm.s32 $0x5300  }
0xfa: {  	[tilespmem:s31], [sflag:$0x1] =	stream.indirect_vreg.gather [hbm4b:s1+s3], $0x80, v11, vm15, $0xb8;
	[tilespmem:$0x17300] =	vst v63  }
0xfb: {  	_ = 	snop  }
0xfc: {  	[tilespmem:s17], [sflag:$0x1] =	stream.indirect_vreg.gather [hbm4b:s10+s3], $0x80, v11, vm15, $0xb8;
	[tilespmem:$0x17300] =	vst v63  }
0xfd: {  	_ = 	snop  }
0xfe: {  	[tilespmem:s13], [sflag:$0x1] =	stream.indirect_vreg.gather [hbm4b:s11+s3], $0x80, v11, vm15, $0xb8;
	[tilespmem:$0x17300] =	vst v63  }
0xff: {  	_ = 	snop  }
0x100: {  	[tilespmem:s7], [sflag:$0x1] =	stream.indirect_vreg.gather [hbm4b:s12+s3], $0x80, v11, vm15, $0xb8;
	[tilespmem:$0x17300] =	vst v63  }
0x101: {  	v11 =	vld [tilespmem:$0x3090];
	_ =	sdelay $0x4  }
0x102: {  	v53 =	vshll.u32 v11, $0x3  }
0x103: {  	v11 =	vand.u32 $0x7, v11;
	v12 =	vand.u32 $0xFFFFFFC0, v53  }
0x104: {  	v11 =	vor.u32 v11, v12  }
0x105: {  	v12 =	vperm.xlane v11, v7;
	_ =	sdelay $0x1  }
0x106: {  	v12 =	vadd.s32 v8, v12;
	_ =	sdelay $0x4  }
0x107: {  	[tilespmem:s19], [sflag:$0x1] =	stream.indirect_vreg.gather [hbm4b:s1+s3], $0x80, v12, vm15, $0xb8;
	[tilespmem:$0x17300] =	vst v63  }
0x108: {  	v11 =	vperm.xlane v11, v9  }
0x109: {  	[tilespmem:s20], [sflag:$0x1] =	stream.indirect_vreg.gather [hbm4b:s10+s3], $0x80, v12, vm15, $0xb8;
	[tilespmem:$0x17300] =	vst v63  }
0x10a: {  	s4 =	simm.s32 $0x8300;
	v11 =	vadd.s32 v8, v11  }
0x10b: {  	[tilespmem:s4], [sflag:$0x1] =	stream.indirect_vreg.gather [hbm4b:s11+s3], $0x80, v12, vm15, $0xb8;
	[tilespmem:$0x17300] =	vst v63  }
0x10c: {  	s2 =	simm.s32 $0x8B00  }
0x10d: {  	[tilespmem:s2], [sflag:$0x1] =	stream.indirect_vreg.gather [hbm4b:s12+s3], $0x80, v12, vm15, $0xb8;
	[tilespmem:$0x17300] =	vst v63  }
0x10e: {  	_ = 	snop  }
0x10f: {  	[tilespmem:s6], [sflag:$0x1] =	stream.indirect_vreg.gather [hbm4b:s1+s3], $0x80, v11, vm15, $0xb8;
	[tilespmem:$0x17300] =	vst v63  }
0x110: {  	_ = 	snop  }
0x111: {  	[tilespmem:s8], [sflag:$0x1] =	stream.indirect_vreg.gather [hbm4b:s10+s3], $0x80, v11, vm15, $0xb8;
	[tilespmem:$0x17300] =	vst v63  }
0x112: {  	_ = 	snop  }
0x113: {  	[tilespmem:s9], [sflag:$0x1] =	stream.indirect_vreg.gather [hbm4b:s11+s3], $0x80, v11, vm15, $0xb8;
	[tilespmem:$0x17300] =	vst v63  }
0x114: {  	_ = 	snop  }
0x115: {  	[tilespmem:s25], [sflag:$0x1] =	stream.indirect_vreg.gather [hbm4b:s12+s3], $0x80, v11, vm15, $0xb8;
	[tilespmem:$0x17300] =	vst v63  }
0x116: {  	v11 =	vld.msk [tilespmem:$0x30A0], $0xff;
	_ =	sdelay $0x4  }
0x117: {  	v54 =	vshll.u32 v11, $0x3  }
0x118: {  	v11 =	vand.u32 $0x7, v11;
	v12 =	vand.u32 $0xFFFFFFC0, v54  }
0x119: {  	v11 =	vor.u32 v11, v12  }
0x11a: {  	v11 =	vperm.xlane v11, v7;
	_ =	sdelay $0x1  }
0x11b: {  	v11 =	vadd.s32 v8, v11;
	_ =	sdelay $0x4  }
0x11c: {  	[tilespmem:s26], [sflag:$0x1] =	stream.indirect_vreg.gather [hbm4b:s1+s3], $0x80, v11, vm15, $0xb8;
	[tilespmem:$0x17300] =	vst v63  }
0x11d: {  	_ = 	snop  }
0x11e: {  	[tilespmem:s24], [sflag:$0x1] =	stream.indirect_vreg.gather [hbm4b:s10+s3], $0x80, v11, vm15, $0xb8;
	[tilespmem:$0x17300] =	vst v63  }
0x11f: {  	_ = 	snop  }
0x120: {  	[tilespmem:s28], [sflag:$0x1] =	stream.indirect_vreg.gather [hbm4b:s11+s3], $0x80, v11, vm15, $0xb8;
	[tilespmem:$0x17300] =	vst v63  }
0x121: {  	_ = 	snop  }
0x122: {  	[tilespmem:s29], [sflag:$0x1] =	stream.indirect_vreg.gather [hbm4b:s12+s3], $0x80, v11, vm15, $0xb8;
	[tilespmem:$0x17300] =	vst v63  }
0x123: {  	v11 =	vld [tilespmem:$0x30A8];
	_ =	sdelay $0x4  }
0x124: {  	v55 =	vshll.u32 v11, $0x3  }
0x125: {  	v11 =	vand.u32 $0x7, v11;
	v12 =	vand.u32 $0xFFFFFFC0, v55  }
0x126: {  	v11 =	vor.u32 v11, v12  }
0x127: {  	v12 =	vperm.xlane v11, v7;
	_ =	sdelay $0x1  }
0x128: {  	v12 =	vadd.s32 v8, v12;
	_ =	sdelay $0x4  }
0x129: {  	[tilespmem:s14], [sflag:$0x2] =	stream.indirect_vreg.gather [hbm4b:s1+s3], $0x80, v12, vm15, $0xb8;
	[tilespmem:$0x17300] =	vst v63  }
0x12a: {  	s18 =	simm.s32 $0xDB00;
	v11 =	vperm.xlane v11, v9  }
0x12b: {  	[tilespmem:s18], [sflag:$0x2] =	stream.indirect_vreg.gather [hbm4b:s10+s3], $0x80, v12, vm15, $0xb8;
	[tilespmem:$0x17300] =	vst v63  }
0x12c: {  	s2 =	simm.s32 $0xE300;
	v11 =	vadd.s32 v8, v11  }
0x12d: {  	[tilespmem:s2], [sflag:$0x2] =	stream.indirect_vreg.gather [hbm4b:s11+s3], $0x80, v12, vm15, $0xb8;
	[tilespmem:$0x17300] =	vst v63  }
0x12e: {  	s18 =	simm.s32 $0xEB00  }
0x12f: {  	[tilespmem:s18], [sflag:$0x2] =	stream.indirect_vreg.gather [hbm4b:s12+s3], $0x80, v12, vm15, $0xb8;
	[tilespmem:$0x17300] =	vst v63  }
0x130: {  	s2 =	simm.s32 $0xF300  }
0x131: {  	[tilespmem:s2], [sflag:$0x2] =	stream.indirect_vreg.gather [hbm4b:s1+s3], $0x80, v11, vm15, $0xb8;
	[tilespmem:$0x17300] =	vst v63  }
0x132: {  	s18 =	simm.s32 $0xFB00  }
0x133: {  	[tilespmem:s18], [sflag:$0x2] =	stream.indirect_vreg.gather [hbm4b:s10+s3], $0x80, v11, vm15, $0xb8;
	[tilespmem:$0x17300] =	vst v63  }
0x134: {  	s2 =	simm.s32 $0x10300  }
0x135: {  	[tilespmem:s2], [sflag:$0x2] =	stream.indirect_vreg.gather [hbm4b:s11+s3], $0x80, v11, vm15, $0xb8;
	[tilespmem:$0x17300] =	vst v63  }
0x136: {  	s18 =	simm.s32 $0x10B00  }
0x137: {  	[tilespmem:s18], [sflag:$0x2] =	stream.indirect_vreg.gather [hbm4b:s12+s3], $0x80, v11, vm15, $0xb8;
	[tilespmem:$0x17300] =	vst v63  }
0x138: {  	v11 =	vld [tilespmem:$0x30B8];
	_ =	sdelay $0x4  }
0x139: {  	v56 =	vshll.u32 v11, $0x3  }
0x13a: {  	v11 =	vand.u32 $0x7, v11;
	v12 =	vand.u32 $0xFFFFFFC0, v56  }
0x13b: {  	v11 =	vor.u32 v11, v12  }
0x13c: {  	v12 =	vperm.xlane v11, v7;
	_ =	sdelay $0x1  }
0x13d: {  	v12 =	vadd.s32 v8, v12;
	_ =	sdelay $0x3  }
0x13e: {  	s2 =	simm.s32 $0x11300  }
0x13f: {  	[tilespmem:s2], [sflag:$0x2] =	stream.indirect_vreg.gather [hbm4b:s1+s3], $0x80, v12, vm15, $0xb8;
	[tilespmem:$0x17300] =	vst v63  }
0x140: {  	s18 =	simm.s32 $0x11B00;
	v11 =	vperm.xlane v11, v9  }
0x141: {  	[tilespmem:s18], [sflag:$0x2] =	stream.indirect_vreg.gather [hbm4b:s10+s3], $0x80, v12, vm15, $0xb8;
	[tilespmem:$0x17300] =	vst v63  }
0x142: {  	v11 =	vadd.s32 v8, v11;
	s2 =	simm.s32 $0x12300  }
0x143: {  	[tilespmem:s2], [sflag:$0x2] =	stream.indirect_vreg.gather [hbm4b:s11+s3], $0x80, v12, vm15, $0xb8;
	[tilespmem:$0x17300] =	vst v63  }
0x144: {  	s18 =	simm.s32 $0x12B00  }
0x145: {  	[tilespmem:s18], [sflag:$0x2] =	stream.indirect_vreg.gather [hbm4b:s12+s3], $0x80, v12, vm15, $0xb8;
	[tilespmem:$0x17300] =	vst v63  }
0x146: {  	s2 =	simm.s32 $0x13300  }
0x147: {  	[tilespmem:s2], [sflag:$0x2] =	stream.indirect_vreg.gather [hbm4b:s1+s3], $0x80, v11, vm15, $0xb8;
	[tilespmem:$0x17300] =	vst v63  }
0x148: {  	s18 =	simm.s32 $0x13B00  }
0x149: {  	[tilespmem:s18], [sflag:$0x2] =	stream.indirect_vreg.gather [hbm4b:s10+s3], $0x80, v11, vm15, $0xb8;
	[tilespmem:$0x17300] =	vst v63  }
0x14a: {  	s2 =	simm.s32 $0x14300  }
0x14b: {  	[tilespmem:s2], [sflag:$0x2] =	stream.indirect_vreg.gather [hbm4b:s11+s3], $0x80, v11, vm15, $0xb8;
	[tilespmem:$0x17300] =	vst v63  }
0x14c: {  	s18 =	simm.s32 $0x14B00  }
0x14d: {  	[tilespmem:s18], [sflag:$0x2] =	stream.indirect_vreg.gather [hbm4b:s12+s3], $0x80, v11, vm15, $0xb8;
	[tilespmem:$0x17300] =	vst v63  }
0x14e: {  	v11 =	vld.msk [tilespmem:$0x30C8], $0xff;
	_ =	sdelay $0x4  }
0x14f: {  	v57 =	vshll.u32 v11, $0x3  }
0x150: {  	v11 =	vand.u32 $0x7, v11;
	v12 =	vand.u32 $0xFFFFFFC0, v57  }
0x151: {  	v11 =	vor.u32 v11, v12  }
0x152: {  	v11 =	vperm.xlane v11, v7;
	_ =	sdelay $0x1  }
0x153: {  	v11 =	vadd.s32 v8, v11;
	_ =	sdelay $0x3  }
0x154: {  	s2 =	simm.s32 $0x15300  }
0x155: {  	[tilespmem:s2], [sflag:$0x2] =	stream.indirect_vreg.gather [hbm4b:s1+s3], $0x80, v11, vm15, $0xb8;
	[tilespmem:$0x17300] =	vst v63  }
0x156: {  	s18 =	simm.s32 $0x15B00  }
0x157: {  	[tilespmem:s18], [sflag:$0x2] =	stream.indirect_vreg.gather [hbm4b:s10+s3], $0x80, v11, vm15, $0xb8;
	[tilespmem:$0x17300] =	vst v63  }
0x158: {  	s2 =	simm.s32 $0x16300  }
0x159: {  	[tilespmem:s2], [sflag:$0x2] =	stream.indirect_vreg.gather [hbm4b:s11+s3], $0x80, v11, vm15, $0xb8;
	[tilespmem:$0x17300] =	vst v63  }
0x15a: {  	s18 =	simm.s32 $0x16B00;
	s2 =	simm.s32 $0x1  }
0x15b: {  	[tilespmem:s18], [sflag:$0x2] =	stream.indirect_vreg.gather [hbm4b:s12+s3], $0x80, v11, vm15, $0xb8;
	[tilespmem:$0x17300] =	vst v63  }
0x15c: {  	_ =	swait.ge [sflag:s2], $0xA000  }
0x15d: {  	[sflag:s2] =	ssyncset.done $0x0  }
0x15e: {  	s18 =	simm.s32 $0x3300;
	s0 =	rddreg [dreg:$0xa];
	[sflag:s2] =	ssyncadd.s32 $0xFFFF6000  }
0x15f: {  	[hbm4b:s0+s3] =	stream.linear.scatter [tilespmem:s18], [sflag:$0x3], $0xA000, $0x38;
	[tilespmem:$0x17300] =	vst v63  }
0x160: {  	_ =	swait.ge [sflag:s5], $0xA000  }
0x161: {  	[sflag:s5] =	ssyncset.done $0x0  }
0x162: {  	[sflag:s5] =	ssyncadd.s32 $0xFFFF6000  }
0x163: {  	v11 =	vld [tilespmem:$0x30D0];
	_ =	sdelay $0x4  }
0x164: {  	v58 =	vshll.u32 v11, $0x3  }
0x165: {  	v11 =	vand.u32 $0x7, v11;
	v12 =	vand.u32 $0xFFFFFFC0, v58  }
0x166: {  	v11 =	vor.u32 v11, v12  }
0x167: {  	v12 =	vperm.xlane v11, v7;
	_ =	sdelay $0x1  }
0x168: {  	v12 =	vadd.s32 v8, v12;
	_ =	sdelay $0x4  }
0x169: {  	[tilespmem:s18], [sflag:$0x1] =	stream.indirect_vreg.gather [hbm4b:s1+s3], $0x80, v12, vm15, $0xb8;
	[tilespmem:$0x17300] =	vst v63  }
0x16a: {  	v11 =	vperm.xlane v11, v9  }
0x16b: {  	[tilespmem:s15], [sflag:$0x1] =	stream.indirect_vreg.gather [hbm4b:s10+s3], $0x80, v12, vm15, $0xb8;
	[tilespmem:$0x17300] =	vst v63  }
0x16c: {  	v11 =	vadd.s32 v8, v11  }
0x16d: {  	[tilespmem:s16], [sflag:$0x1] =	stream.indirect_vreg.gather [hbm4b:s11+s3], $0x80, v12, vm15, $0xb8;
	[tilespmem:$0x17300] =	vst v63  }
0x16e: {  	_ = 	snop  }
0x16f: {  	[tilespmem:s30], [sflag:$0x1] =	stream.indirect_vreg.gather [hbm4b:s12+s3], $0x80, v12, vm15, $0xb8;
	[tilespmem:$0x17300] =	vst v63  }
0x170: {  	_ = 	snop  }
0x171: {  	[tilespmem:s31], [sflag:$0x1] =	stream.indirect_vreg.gather [hbm4b:s1+s3], $0x80, v11, vm15, $0xb8;
	[tilespmem:$0x17300] =	vst v63  }
0x172: {  	_ = 	snop  }
0x173: {  	[tilespmem:s17], [sflag:$0x1] =	stream.indirect_vreg.gather [hbm4b:s10+s3], $0x80, v11, vm15, $0xb8;
	[tilespmem:$0x17300] =	vst v63  }
0x174: {  	_ = 	snop  }
0x175: {  	[tilespmem:s13], [sflag:$0x1] =	stream.indirect_vreg.gather [hbm4b:s11+s3], $0x80, v11, vm15, $0xb8;
	[tilespmem:$0x17300] =	vst v63  }
0x176: {  	_ = 	snop  }
0x177: {  	[tilespmem:s7], [sflag:$0x1] =	stream.indirect_vreg.gather [hbm4b:s12+s3], $0x80, v11, vm15, $0xb8;
	[tilespmem:$0x17300] =	vst v63  }
0x178: {  	v11 =	vld [tilespmem:$0x30E0];
	_ =	sdelay $0x4  }
0x179: {  	v59 =	vshll.u32 v11, $0x3  }
0x17a: {  	v11 =	vand.u32 $0x7, v11;
	v12 =	vand.u32 $0xFFFFFFC0, v59  }
0x17b: {  	v11 =	vor.u32 v11, v12  }
0x17c: {  	v12 =	vperm.xlane v11, v7;
	_ =	sdelay $0x1  }
0x17d: {  	v12 =	vadd.s32 v8, v12;
	_ =	sdelay $0x4  }
0x17e: {  	[tilespmem:s19], [sflag:$0x1] =	stream.indirect_vreg.gather [hbm4b:s1+s3], $0x80, v12, vm15, $0xb8;
	[tilespmem:$0x17300] =	vst v63  }
0x17f: {  	v11 =	vperm.xlane v11, v9  }
0x180: {  	[tilespmem:s20], [sflag:$0x1] =	stream.indirect_vreg.gather [hbm4b:s10+s3], $0x80, v12, vm15, $0xb8;
	[tilespmem:$0x17300] =	vst v63  }
0x181: {  	v11 =	vadd.s32 v8, v11  }
0x182: {  	[tilespmem:s4], [sflag:$0x1] =	stream.indirect_vreg.gather [hbm4b:s11+s3], $0x80, v12, vm15, $0xb8;
	[tilespmem:$0x17300] =	vst v63  }
0x183: {  	s30 =	simm.s32 $0x8B00  }
0x184: {  	[tilespmem:s30], [sflag:$0x1] =	stream.indirect_vreg.gather [hbm4b:s12+s3], $0x80, v12, vm15, $0xb8;
	[tilespmem:$0x17300] =	vst v63  }
0x185: {  	_ = 	snop  }
0x186: {  	[tilespmem:s6], [sflag:$0x1] =	stream.indirect_vreg.gather [hbm4b:s1+s3], $0x80, v11, vm15, $0xb8;
	[tilespmem:$0x17300] =	vst v63  }
0x187: {  	_ = 	snop  }
0x188: {  	[tilespmem:s8], [sflag:$0x1] =	stream.indirect_vreg.gather [hbm4b:s10+s3], $0x80, v11, vm15, $0xb8;
	[tilespmem:$0x17300] =	vst v63  }
0x189: {  	_ = 	snop  }
0x18a: {  	[tilespmem:s9], [sflag:$0x1] =	stream.indirect_vreg.gather [hbm4b:s11+s3], $0x80, v11, vm15, $0xb8;
	[tilespmem:$0x17300] =	vst v63  }
0x18b: {  	_ = 	snop  }
0x18c: {  	[tilespmem:s25], [sflag:$0x1] =	stream.indirect_vreg.gather [hbm4b:s12+s3], $0x80, v11, vm15, $0xb8;
	[tilespmem:$0x17300] =	vst v63  }
0x18d: {  	v11 =	vld.msk [tilespmem:$0x30F0], $0xff;
	_ =	sdelay $0x4  }
0x18e: {  	v60 =	vshll.u32 v11, $0x3  }
0x18f: {  	v11 =	vand.u32 $0x7, v11;
	v12 =	vand.u32 $0xFFFFFFC0, v60  }
0x190: {  	v11 =	vor.u32 v11, v12  }
0x191: {  	v11 =	vperm.xlane v11, v7;
	_ =	sdelay $0x1  }
0x192: {  	v11 =	vadd.s32 v8, v11;
	_ =	sdelay $0x4  }
0x193: {  	[tilespmem:s26], [sflag:$0x1] =	stream.indirect_vreg.gather [hbm4b:s1+s3], $0x80, v11, vm15, $0xb8;
	[tilespmem:$0x17300] =	vst v63  }
0x194: {  	_ = 	snop  }
0x195: {  	[tilespmem:s24], [sflag:$0x1] =	stream.indirect_vreg.gather [hbm4b:s10+s3], $0x80, v11, vm15, $0xb8;
	[tilespmem:$0x17300] =	vst v63  }
0x196: {  	_ = 	snop  }
0x197: {  	[tilespmem:s28], [sflag:$0x1] =	stream.indirect_vreg.gather [hbm4b:s11+s3], $0x80, v11, vm15, $0xb8;
	[tilespmem:$0x17300] =	vst v63  }
0x198: {  	s4 =	simm.s32 $0x2  }
0x199: {  	[tilespmem:s29], [sflag:$0x1] =	stream.indirect_vreg.gather [hbm4b:s12+s3], $0x80, v11, vm15, $0xb8;
	[tilespmem:$0x17300] =	vst v63  }
0x19a: {  	_ =	swait.ge [sflag:s4], $0xA000  }
0x19b: {  	[sflag:s4] =	ssyncset.done $0x0  }
0x19c: {  	s31 =	rddreg [dreg:$0xb];
	[sflag:s4] =	ssyncadd.s32 $0xFFFF6000  }
0x19d: {  	[hbm4b:s31+s3] =	stream.linear.scatter [tilespmem:s14], [sflag:$0x3], $0xA000, $0x38;
	[tilespmem:$0x17300] =	vst v63  }
0x19e: {  	_ =	swait.ge [sflag:s5], $0xA000  }
0x19f: {  	[sflag:s5] =	ssyncset.done $0x0  }
0x1a0: {  	[sflag:s5] =	ssyncadd.s32 $0xFFFF6000  }
0x1a1: {  	v11 =	vld [tilespmem:$0x30F8];
	_ =	sdelay $0x4  }
0x1a2: {  	v61 =	vshll.u32 v11, $0x3  }
0x1a3: {  	v11 =	vand.u32 $0x7, v11;
	v12 =	vand.u32 $0xFFFFFFC0, v61  }
0x1a4: {  	v11 =	vor.u32 v11, v12  }
0x1a5: {  	v12 =	vperm.xlane v11, v7;
	_ =	sdelay $0x1  }
0x1a6: {  	v12 =	vadd.s32 v8, v12;
	_ =	sdelay $0x4  }
0x1a7: {  	[tilespmem:s14], [sflag:$0x2] =	stream.indirect_vreg.gather [hbm4b:s1+s3], $0x80, v12, vm15, $0xb8;
	[tilespmem:$0x17300] =	vst v63  }
0x1a8: {  	s15 =	simm.s32 $0xDB00;
	v11 =	vperm.xlane v11, v9  }
0x1a9: {  	[tilespmem:s15], [sflag:$0x2] =	stream.indirect_vreg.gather [hbm4b:s10+s3], $0x80, v12, vm15, $0xb8;
	[tilespmem:$0x17300] =	vst v63  }
0x1aa: {  	s16 =	simm.s32 $0xE300;
	v11 =	vadd.s32 v8, v11  }
0x1ab: {  	[tilespmem:s16], [sflag:$0x2] =	stream.indirect_vreg.gather [hbm4b:s11+s3], $0x80, v12, vm15, $0xb8;
	[tilespmem:$0x17300] =	vst v63  }
0x1ac: {  	s30 =	simm.s32 $0xEB00  }
0x1ad: {  	[tilespmem:s30], [sflag:$0x2] =	stream.indirect_vreg.gather [hbm4b:s12+s3], $0x80, v12, vm15, $0xb8;
	[tilespmem:$0x17300] =	vst v63  }
0x1ae: {  	s31 =	simm.s32 $0xF300  }
0x1af: {  	[tilespmem:s31], [sflag:$0x2] =	stream.indirect_vreg.gather [hbm4b:s1+s3], $0x80, v11, vm15, $0xb8;
	[tilespmem:$0x17300] =	vst v63  }
0x1b0: {  	s15 =	simm.s32 $0xFB00  }
0x1b1: {  	[tilespmem:s15], [sflag:$0x2] =	stream.indirect_vreg.gather [hbm4b:s10+s3], $0x80, v11, vm15, $0xb8;
	[tilespmem:$0x17300] =	vst v63  }
0x1b2: {  	s16 =	simm.s32 $0x10300  }
0x1b3: {  	[tilespmem:s16], [sflag:$0x2] =	stream.indirect_vreg.gather [hbm4b:s11+s3], $0x80, v11, vm15, $0xb8;
	[tilespmem:$0x17300] =	vst v63  }
0x1b4: {  	s30 =	simm.s32 $0x10B00  }
0x1b5: {  	[tilespmem:s30], [sflag:$0x2] =	stream.indirect_vreg.gather [hbm4b:s12+s3], $0x80, v11, vm15, $0xb8;
	[tilespmem:$0x17300] =	vst v63  }
0x1b6: {  	v11 =	vld [tilespmem:$0x3108];
	_ =	sdelay $0x4  }
0x1b7: {  	v62 =	vshll.u32 v11, $0x3  }
0x1b8: {  	v11 =	vand.u32 $0x7, v11;
	v12 =	vand.u32 $0xFFFFFFC0, v62  }
0x1b9: {  	v11 =	vor.u32 v11, v12  }
0x1ba: {  	v12 =	vperm.xlane v11, v7;
	_ =	sdelay $0x1  }
0x1bb: {  	v12 =	vadd.s32 v8, v12;
	_ =	sdelay $0x3  }
0x1bc: {  	s31 =	simm.s32 $0x11300  }
0x1bd: {  	[tilespmem:s31], [sflag:$0x2] =	stream.indirect_vreg.gather [hbm4b:s1+s3], $0x80, v12, vm15, $0xb8;
	[tilespmem:$0x17300] =	vst v63  }
0x1be: {  	s15 =	simm.s32 $0x11B00;
	v11 =	vperm.xlane v11, v9  }
0x1bf: {  	[tilespmem:s15], [sflag:$0x2] =	stream.indirect_vreg.gather [hbm4b:s10+s3], $0x80, v12, vm15, $0xb8;
	[tilespmem:$0x17300] =	vst v63  }
0x1c0: {  	s16 =	simm.s32 $0x12300;
	v11 =	vadd.s32 v8, v11  }
0x1c1: {  	[tilespmem:s16], [sflag:$0x2] =	stream.indirect_vreg.gather [hbm4b:s11+s3], $0x80, v12, vm15, $0xb8;
	[tilespmem:$0x17300] =	vst v63  }
0x1c2: {  	s30 =	simm.s32 $0x12B00  }
0x1c3: {  	[tilespmem:s30], [sflag:$0x2] =	stream.indirect_vreg.gather [hbm4b:s12+s3], $0x80, v12, vm15, $0xb8;
	[tilespmem:$0x17300] =	vst v63  }
0x1c4: {  	s31 =	simm.s32 $0x13300  }
0x1c5: {  	[tilespmem:s31], [sflag:$0x2] =	stream.indirect_vreg.gather [hbm4b:s1+s3], $0x80, v11, vm15, $0xb8;
	[tilespmem:$0x17300] =	vst v63  }
0x1c6: {  	s15 =	simm.s32 $0x13B00  }
0x1c7: {  	[tilespmem:s15], [sflag:$0x2] =	stream.indirect_vreg.gather [hbm4b:s10+s3], $0x80, v11, vm15, $0xb8;
	[tilespmem:$0x17300] =	vst v63  }
0x1c8: {  	s16 =	simm.s32 $0x14300  }
0x1c9: {  	[tilespmem:s16], [sflag:$0x2] =	stream.indirect_vreg.gather [hbm4b:s11+s3], $0x80, v11, vm15, $0xb8;
	[tilespmem:$0x17300] =	vst v63  }
0x1ca: {  	s30 =	simm.s32 $0x14B00  }
0x1cb: {  	[tilespmem:s30], [sflag:$0x2] =	stream.indirect_vreg.gather [hbm4b:s12+s3], $0x80, v11, vm15, $0xb8;
	[tilespmem:$0x17300] =	vst v63  }
0x1cc: {  	v11 =	vld.msk [tilespmem:$0x3118], $0xff;
	_ =	sdelay $0x4  }
0x1cd: {  	v63 =	vshll.u32 v11, $0x3  }
0x1ce: {  	v11 =	vand.u32 $0x7, v11;
	v12 =	vand.u32 $0xFFFFFFC0, v63  }
0x1cf: {  	v11 =	vor.u32 v11, v12  }
0x1d0: {  	v11 =	vperm.xlane v11, v7;
	_ =	sdelay $0x1  }
0x1d1: {  	v11 =	vadd.s32 v8, v11;
	_ =	sdelay $0x3  }
0x1d2: {  	s31 =	simm.s32 $0x15300  }
0x1d3: {  	[tilespmem:s31], [sflag:$0x2] =	stream.indirect_vreg.gather [hbm4b:s1+s3], $0x80, v11, vm15, $0xb8;
	[tilespmem:$0x17300] =	vst v63  }
0x1d4: {  	s1 =	simm.s32 $0x15B00  }
0x1d5: {  	[tilespmem:s1], [sflag:$0x2] =	stream.indirect_vreg.gather [hbm4b:s10+s3], $0x80, v11, vm15, $0xb8;
	[tilespmem:$0x17300] =	vst v63  }
0x1d6: {  	s15 =	simm.s32 $0x16300  }
0x1d7: {  	[tilespmem:s15], [sflag:$0x2] =	stream.indirect_vreg.gather [hbm4b:s11+s3], $0x80, v11, vm15, $0xb8;
	[tilespmem:$0x17300] =	vst v63  }
0x1d8: {  	s16 =	simm.s32 $0x16B00  }
0x1d9: {  	[tilespmem:s16], [sflag:$0x2] =	stream.indirect_vreg.gather [hbm4b:s12+s3], $0x80, v11, vm15, $0xb8;
	[tilespmem:$0x17300] =	vst v63  }
0x1da: {  	_ =	swait.ge [sflag:s2], $0xA000  }
0x1db: {  	[sflag:s2] =	ssyncset.done $0x0  }
0x1dc: {  	s18 =	simm.s32 $0x3300;
	s30 =	rddreg [dreg:$0xc];
	[sflag:s2] =	ssyncadd.s32 $0xFFFF6000  }
0x1dd: {  	[hbm4b:s30+s3] =	stream.linear.scatter [tilespmem:s18], [sflag:$0x3], $0xA000, $0x38;
	[tilespmem:$0x17300] =	vst v63  }
0x1de: {  	_ =	swait.ge [sflag:s5], $0xA000  }
0x1df: {  	[sflag:s5] =	ssyncset.done $0x0  }
0x1e0: {  	[sflag:s5] =	ssyncadd.s32 $0xFFFF6000  }
0x1e1: {  	_ =	swait.ge [sflag:s4], $0xA000  }
0x1e2: {  	[sflag:s4] =	ssyncset.done $0x0  }
.Ltmp4:
0x1e3: {  	s31 =	rddreg [dreg:$0xd];
	[sflag:s4] =	ssyncadd.s32 $0xFFFF6000;
	(pc) =	sbr.rel @p0 .LBB2_7-.Ltmp4, $4  }
0x1e4: {  	[hbm4b:s31+s3] =	stream.linear.scatter [tilespmem:s14], [sflag:$0x3], $0xA000, $0x38;
	[tilespmem:$0x17300] =	vst v63  }
0x1e5: {  	vm13 =	vcmask $0xB10;
	_ =	swait.ge [sflag:s5], $0xA000  }
0x1e6: {  	vm12 =	vcmask $0x70C;
	vm11 =	vcmask $0x308;
	vm10 =	vcmask $0x1B20;
	[sflag:s5] =	ssyncset.done $0x0  }
0x1e7: {  	vm9 =	vcmask $0x171C;
	vm1 =	vcmask $0xF14;
	vm8 =	vcmask $0x1318;
	s2 =	rddreg [dreg:$0xf];
	[sflag:s5] =	ssyncadd.s32 $0xFFFF6000  }
0x1e8: {  	v11 =	vnsel vm0, $0x0, v10  }
0x1e9: {  	(xrf0) =	vadd.scan.msk.s32 $0xffff, v11;
	v11 =	vsel vm11, $0x0, v10  }
0x1ea: {  	(xrf0) =	vadd.scan.msk.s32 $0xffff, v11;
	v11 =	vsel vm12, $0x0, v10  }
0x1eb: {  	(xrf0) =	vadd.scan.msk.s32 $0xffff, v11;
	v11 =	vsel vm13, $0x0, v10  }
0x1ec: {  	(xrf0) =	vadd.scan.msk.s32 $0xffff, v11;
	v11 =	vsel vm1, $0x0, v10  }
0x1ed: {  	(xrf0) =	vadd.scan.msk.s32 $0xffff, v11;
	v11 =	vsel vm8, $0x0, v10  }
0x1ee: {  	(xrf0) =	vadd.scan.msk.s32 $0xffff, v11;
	v11 =	vsel vm9, $0x0, v10  }
0x1ef: {  	v13 =	vmul.u32 $0x80, v6  }
0x1f0: {  	v10 =	vsel vm10, $0x0, v10;
	v12, _, _ =	vpop (xrf0);
	(xrf0) =	vadd.scan.msk.s32 $0xffff, v11  }
0x1f1: {  	v16 =	vor.u32 $0x1, v13;
	v27 =	vor.u32 $0x800, v13;
	v12 =	vbroadcast v12, $0xF;
	v11, _, _ =	vpop (xrf0)  }
0x1f2: {  	v43 =	vor.u32 $0x801, v13;
	v53 =	vor.u32 $0x1000, v13;
	(xrf0) =	vadd.scan.msk.s32 $0xffff, v10;
	v14, _, _ =	vpop (xrf0);
	v11 =	vbroadcast v11, $0xF  }
0x1f3: {  	vm1 =	vgt.s32 v12, v13;
	v13 =	vor.u32 $0x1001, v13;
	v10, _, _ =	vpop (xrf0);
	v14 =	vbroadcast v14, $0xF  }
0x1f4: {  	v18 =	vsel vm1, $0xFFFFFFFF, v5;
	v15, _, _ =	vpop (xrf0);
	v10 =	vbroadcast v10, $0xF;
	vm1 =	vlt.s32 v11, v16  }
0x1f5: {  	v17, _, _ =	vpop (xrf0);
	v15 =	vbroadcast v15, $0xF;
	v20 =	vsel vm1, $0x1, v5;
	vm1 =	vlt.s32 v14, v16  }
0x1f6: {  	v19, _, _ =	vpop (xrf0);
	vm8 =	vlt.s32 v10, v16;
	v17 =	vbroadcast v17, $0xF;
	v21 =	vsel vm1, $0x1, v5  }
0x1f7: {  	v18 =	vadd.s32 v20, v18;
	vm9 =	vlt.s32 v15, v16;
	v19 =	vbroadcast v19, $0xF  }
0x1f8: {  	v22 =	vsel vm8, $0x1, v5;
	v24, _, _ =	vpop (xrf0);
	v18 =	vadd.s32 v21, v18;
	v23 =	vsel vm9, $0x1, v5  }
0x1f9: {  	vm1 =	vlt.s32 v17, v16;
	v24 =	vbroadcast v24, $0xF;
	v18 =	vadd.s32 v22, v18  }
0x1fa: {  	vm8 =	vlt.s32 v19, v16;
	v25 =	vsel vm1, $0x1, v5;
	v18 =	vadd.s32 v23, v18  }
0x1fb: {  	v26 =	vsel vm8, $0x1, v5;
	vm1 =	vlt.s32 v24, v16;
	vm8 =	vgt.s32 v12, v27  }
0x1fc: {  	v18 =	vadd.s32 v25, v18;
	v44 =	vsel vm1, $0x1, v5;
	vm1 =	vlt.s32 v11, v43  }
0x1fd: {  	v28 =	vsel vm8, $0xFFFFFFFF, v5;
	v45 =	vsel vm1, $0x1, v5;
	vm1 =	vlt.s32 v14, v43  }
0x1fe: {  	v54 =	vadd.s32 v26, v18;
	v46 =	vsel vm1, $0x1, v5;
	vm1 =	vlt.s32 v10, v43  }
0x1ff: {  	v20 =	vadd.s32 v45, v28;
	v47 =	vsel vm1, $0x1, v5;
	vm1 =	vlt.s32 v15, v43  }
0x200: {  	v51 =	vadd.s32 v46, v20;
	v48 =	vsel vm1, $0x1, v5;
	vm1 =	vlt.s32 v17, v43  }
0x201: {  	v16 =	vadd.s32 v47, v51;
	v49 =	vsel vm1, $0x1, v5;
	vm1 =	vlt.s32 v19, v43  }
0x202: {  	v16 =	vadd.s32 v48, v16;
	v50 =	vsel vm1, $0x1, v5;
	vm1 =	vlt.s32 v24, v43  }
0x203: {  	v16 =	vadd.s32 v49, v16;
	v52 =	vsel vm1, $0x1, v5;
	vm1 =	vgt.s32 v12, v53  }
0x204: {  	v12 =	vadd.s32 v44, v54;
	v55 =	vsel vm1, $0xFFFFFFFF, v5;
	vm1 =	vlt.s32 v11, v13  }
0x205: {  	v11 =	vadd.s32 v50, v16;
	v56 =	vsel vm1, $0x1, v5;
	vm1 =	vlt.s32 v14, v13  }
0x206: {  	v57 =	vadd.s32 v56, v55;
	v58 =	vsel vm1, $0x1, v5;
	vm1 =	vlt.s32 v10, v13  }
0x207: {  	v10 =	vadd.s32 v58, v57;
	v59 =	vsel vm1, $0x1, v5;
	vm1 =	vlt.s32 v15, v13  }
0x208: {  	v10 =	vadd.s32 v59, v10;
	v60 =	vsel vm1, $0x1, v5;
	vm1 =	vlt.s32 v17, v13  }
0x209: {  	v10 =	vadd.s32 v60, v10;
	v61 =	vsel vm1, $0x1, v5;
	vm1 =	vlt.s32 v19, v13  }
0x20a: {  	v10 =	vadd.s32 v61, v10;
	v62 =	vsel vm1, $0x1, v5;
	vm1 =	vlt.s32 v24, v13  }
0x20b: {  	[tilespmem:$0x3280] =	vst v12;
	v11 =	vadd.s32 v52, v11;
	v10 =	vadd.s32 v62, v10;
	v63 =	vsel vm1, $0x1, v5  }
0x20c: {  	[tilespmem:$0x3290] =	vst v11;
	v10 =	vadd.s32 v63, v10  }
.Ltmp5:
0x20d: {  	s0 =	rddreg [dreg:$0x7];
	s1 =	simm.s32 $0x3280;
	[tilespmem:$0x32A0] =	vst v10;
	(pc) =	sbr.rel .LBB2_7-.Ltmp5, $4  }
0x20e: {  	[hbm4b:s0+s3] =	stream.linear.scatter [tilespmem:s1], [sflag:$0x3], $0x80, $0x38;
	[tilespmem:$0x17300] =	vst v63  }
0x20f: {  	_ =	swait.ge [sflag:s5], $0x80  }
0x210: {  	[sflag:s5] =	ssyncset.done $0x0  }
0x211: {  	[sflag:s5] =	ssyncadd.s32 $0xFFFFFF80  }
.LBB2_8:
0x212: {  	_ =	sfence.sel $0x180000  }
0x213: {  	[bflag:$0x0] =	sbarrier.arrive $0xFFFF  }
0x214: {  	_ =	strace $0x90000047  }
0x215: {  	s0 =	stileid.u32;
	[bflag:$0x2] =	sbarrier.arrive $0xFFFF  }
0x216: {  	p0 =	sne.s32 s0, $0x0;
	s0 =	rddreg [dreg:$0x3]  }
0x217: {  	s0 =	sadd.s32 @!p0 $0x100000, s0  }
0x218: {  	[sflag:s0] =	ssyncadd.tile.s32 @!p0 $0x1;
	_ =	shalt  }
.Lfunc_end2:
_tile_overlayer_lowered:
.L_overlay_start_2:
0x219: {  	(tag) =	ssettag $0x2  }
0x21a: {  	s0 =	rddreg [dreg:$0x0];
	s2 =	stileid.u32  }
0x21b: {  	s1 =	rddreg [dreg:$0x1];
	p0 =	sne.s32 s2, $0x0  }
0x21c: {  	s3 =	rddreg [dreg:$0x2];
	[bflag:$0x3] =	sbarrier.arrive $0xFFFF;
	s2 =	simm.s32 @!p0 $0x1C03  }
0x21d: {  	[timem:s3], [sflag:s2] =	dma.local @!p0 [hbm:s0], s1  }
0x21e: {  	s0 =	simm.s32 @!p0 $0x3  }
0x21f: {  	_ =	swait.ge @!p0 [sflag:s0], s1  }
0x220: {  	s1 =	ssub.s32 @!p0 $0x0, s1;
	[sflag:s0] =	ssyncset.done @!p0 $0x0  }
0x221: {  	[sflag:s0] =	ssyncadd.s32 @!p0 s1  }
0x222: {  	[bflag:$0x3] =	sbarrier.arrive $0xFFFF  }
0x223: {  	_ =	shalt  }

</sc_bundles>
